<compile_context>
chip_gen: v7x
topology: tpu7x:2x2x1
jax: 0.10.2.dev20260603
libtpu: 0.0.44.dev20260713+nightly
codegen_flags: <defaults>
</compile_context>

<pallas_src>
import functools

import jax
import jax.numpy as jnp
from jax import lax
from jax.experimental import pallas as pl
from jax.experimental.pallas import tpu as pltpu
from jax.experimental.pallas import tpu_sc as plsc

N = 10000
E = 320000
NC = 2
NS = 16
NW = NC * NS
EPW = E // NW
K = 128
NCHUNK = 80
KCAP = NCHUNK * K
PADROW = N
NP = 10240
ZR = NP // NS
NBUF = 2
GA = 1
DEG_Q = 8

_MESH = dict(core_axis_name="c", subcore_axis_name="s")
_SC_PARAMS = pltpu.CompilerParams(use_tc_tiling_on_sc=False)


def _stage_indices(ei_hbm, w, sidx_v, didx_v):
    base = w * EPW
    pltpu.sync_copy(ei_hbm.at[0, pl.ds(base, EPW)], sidx_v.at[pl.ds(0, EPW)])
    pltpu.sync_copy(ei_hbm.at[1, pl.ds(base, EPW)], didx_v.at[pl.ds(0, EPW)])
    zid = jnp.zeros((16,), jnp.int32)
    pad = jnp.full((16,), PADROW, jnp.int32)
    for j in range((KCAP - EPW) // 16):
        sidx_v[pl.ds(EPW + j * 16, 16)] = zid
        didx_v[pl.ds(EPW + j * 16, 16)] = pad


def _sc_degree(ei, ones_k, zeros_row):

    @functools.partial(
        pl.kernel,
        out_type=jax.ShapeDtypeStruct((NC, NP, 16), jnp.float32),
        mesh=plsc.VectorSubcoreMesh(**_MESH),
        scratch_types=[
            pltpu.VMEM((KCAP,), jnp.int32),
            pltpu.VMEM((KCAP,), jnp.int32),
            pltpu.VMEM((K, 16), jnp.float32),
            pltpu.VMEM_SHARED((NP, 16), jnp.float32),
            pltpu.SemaphoreType.DMA,
        ],
        compiler_params=_SC_PARAMS,
    )
    def deg_kernel(ei_hbm, ones_hbm, zeros_hbm, out_hbm, sidx_v, didx_v,
                   ones_v, acc_sh, sem):
        c = lax.axis_index("c")
        s = lax.axis_index("s")
        w = c * NS + s
        _stage_indices(ei_hbm, w, sidx_v, didx_v)
        pltpu.sync_copy(ones_hbm, ones_v)
        pltpu.sync_copy(zeros_hbm, acc_sh.at[pl.ds(s * ZR, ZR)])
        plsc.subcore_barrier()

        def group(g, carry):
            for b in range(DEG_Q):
                pltpu.async_copy(
                    ones_v,
                    acc_sh.at[didx_v.at[pl.ds((g * DEG_Q + b) * K, K)]],
                    sem, add=True)
            for b in range(DEG_Q):
                pltpu.make_async_copy(
                    ones_v,
                    acc_sh.at[didx_v.at[pl.ds((g * DEG_Q + b) * K, K)]],
                    sem).wait()
            return carry

        lax.fori_loop(0, NCHUNK // DEG_Q, group, 0)
        plsc.subcore_barrier()
        pltpu.sync_copy(acc_sh.at[pl.ds(s * ZR, ZR)],
                        out_hbm.at[c, pl.ds(s * ZR, ZR)])

    return deg_kernel(ei, ones_k, zeros_row)


def _sc_aggregate(table, ei, zeros_row, width):

    @functools.partial(
        pl.kernel,
        out_type=jax.ShapeDtypeStruct((NC, NP, width), jnp.float32),
        mesh=plsc.VectorSubcoreMesh(**_MESH),
        scratch_types=[
            pltpu.VMEM((KCAP,), jnp.int32),
            pltpu.VMEM((KCAP,), jnp.int32),
            [pltpu.VMEM((K, width), jnp.float32)] * NBUF,
            pltpu.VMEM_SHARED((N, width), jnp.float32),
            pltpu.VMEM_SHARED((NP, width), jnp.float32),
            [pltpu.SemaphoreType.DMA] * NBUF,
            [pltpu.SemaphoreType.DMA] * NBUF,
        ],
        compiler_params=_SC_PARAMS,
    )
    def agg_kernel(table_hbm, ei_hbm, zeros_hbm, out_hbm, sidx_v, didx_v,
                   rows, table_sh, acc_sh, gsems, ssems):
        c = lax.axis_index("c")
        s = lax.axis_index("s")
        w = c * NS + s
        _stage_indices(ei_hbm, w, sidx_v, didx_v)
        tr = N // NS
        pltpu.sync_copy(table_hbm.at[pl.ds(s * tr, tr)],
                        table_sh.at[pl.ds(s * tr, tr)])
        pltpu.sync_copy(zeros_hbm, acc_sh.at[pl.ds(s * ZR, ZR)])
        plsc.subcore_barrier()

        def gather(chunk, b):
            pltpu.async_copy(table_sh.at[sidx_v.at[pl.ds(chunk * K, K)]],
                             rows[b], gsems[b])

        def gather_wait(chunk, b):
            pltpu.make_async_copy(
                table_sh.at[sidx_v.at[pl.ds(chunk * K, K)]], rows[b],
                gsems[b]).wait()

        def scatter(chunk, b):
            pltpu.async_copy(rows[b],
                             acc_sh.at[didx_v.at[pl.ds(chunk * K, K)]],
                             ssems[b], add=True)

        def scatter_wait(b):
            pltpu.make_async_copy(rows[b],
                                  acc_sh.at[didx_v.at[pl.ds(0, K)]],
                                  ssems[b]).wait()

        for b in range(GA):
            gather(b, b)

        def group(g, carry):
            for u in range(NBUF):
                chunk = g * NBUF + u
                gather_wait(chunk, u)
                scatter(chunk, u)
                bf = (u + GA) % NBUF

                @pl.when(chunk + GA < NCHUNK)
                def _():
                    @pl.when(chunk >= NBUF - GA)
                    def _():
                        scatter_wait(bf)

                    gather(chunk + GA, bf)

            return carry

        lax.fori_loop(0, NCHUNK // NBUF, group, 0)
        for b in range(NBUF):
            scatter_wait(b)
        plsc.subcore_barrier()
        pltpu.sync_copy(acc_sh.at[pl.ds(s * ZR, ZR)],
                        out_hbm.at[c, pl.ds(s * ZR, ZR)])

    return agg_kernel(table, ei, zeros_row)


_BM = 2000


def _tc_matmul1(x, w1p):

    def body(x_ref, w_ref, h_ref):
        h_ref[...] = jnp.dot(x_ref[...], w_ref[...],
                             preferred_element_type=jnp.float32)

    return pl.pallas_call(
        body,
        grid=(N // _BM,),
        in_specs=[
            pl.BlockSpec((_BM, 128), lambda i: (i, 0)),
            pl.BlockSpec((128, 64), lambda i: (0, 0)),
        ],
        out_specs=pl.BlockSpec((_BM, 64), lambda i: (i, 0)),
        out_shape=jax.ShapeDtypeStruct((N, 64), jnp.float32),
    )(x, w1p)


def _tc_mid1(h1, degp):

    def body(h_ref, deg_ref, hs_ref, dinv_ref):
        deg = 1.0 + deg_ref[0] + deg_ref[1]
        dinv = lax.rsqrt(deg)
        hs_ref[...] = h_ref[...] * dinv[:, 0:1]
        dinv_ref[...] = dinv

    return pl.pallas_call(
        body,
        grid=(N // _BM,),
        in_specs=[
            pl.BlockSpec((_BM, 64), lambda i: (i, 0)),
            pl.BlockSpec((NC, _BM, 16), lambda i: (0, i, 0)),
        ],
        out_specs=[
            pl.BlockSpec((_BM, 64), lambda i: (i, 0)),
            pl.BlockSpec((_BM, 16), lambda i: (i, 0)),
        ],
        out_shape=[
            jax.ShapeDtypeStruct((N, 64), jnp.float32),
            jax.ShapeDtypeStruct((N, 16), jnp.float32),
        ],
    )(h1, degp)


def _tc_mid2(p, hs1, dinv, b1p, w2p):

    def body(p_ref, hs_ref, dinv_ref, b1_ref, w2_ref, out_ref):
        d1 = dinv_ref[...][:, 0:1]
        a = (p_ref[0] + p_ref[1] + hs_ref[...]) * d1 + b1_ref[...]
        r = jnp.maximum(a, 0.0)
        h2 = jnp.dot(r, w2_ref[...], preferred_element_type=jnp.float32)
        out_ref[...] = h2 * d1

    return pl.pallas_call(
        body,
        grid=(N // _BM,),
        in_specs=[
            pl.BlockSpec((NC, _BM, 64), lambda i: (0, i, 0)),
            pl.BlockSpec((_BM, 64), lambda i: (i, 0)),
            pl.BlockSpec((_BM, 16), lambda i: (i, 0)),
            pl.BlockSpec((1, 64), lambda i: (0, 0)),
            pl.BlockSpec((64, 16), lambda i: (0, 0)),
        ],
        out_specs=pl.BlockSpec((_BM, 16), lambda i: (i, 0)),
        out_shape=jax.ShapeDtypeStruct((N, 16), jnp.float32),
    )(p, hs1, dinv, b1p, w2p)


def _tc_final(q, hs2, dinv, b2p):

    def body(q_ref, hs_ref, dinv_ref, b2_ref, out_ref):
        d1 = dinv_ref[...][:, 0:1]
        z = (q_ref[0] + q_ref[1] + hs_ref[...]) * d1
        logits = z + b2_ref[...]
        l0 = logits[:, 0:1]
        l1 = logits[:, 1:2]
        m = jnp.maximum(l0, l1)
        lse = m + jnp.log(jnp.exp(l0 - m) + jnp.exp(l1 - m))
        out_ref[...] = logits - lse

    return pl.pallas_call(
        body,
        grid=(N // _BM,),
        in_specs=[
            pl.BlockSpec((NC, _BM, 16), lambda i: (0, i, 0)),
            pl.BlockSpec((_BM, 16), lambda i: (i, 0)),
            pl.BlockSpec((_BM, 16), lambda i: (i, 0)),
            pl.BlockSpec((1, 16), lambda i: (0, 0)),
        ],
        out_specs=pl.BlockSpec((_BM, 16), lambda i: (i, 0)),
        out_shape=jax.ShapeDtypeStruct((N, 16), jnp.float32),
    )(q, hs2, dinv, b2p)


def kernel(x, edge_index, W1, b1, W2, b2):
    f_in, h_dim = W1.shape
    c_dim = W2.shape[1]
    w1p = jnp.zeros((f_in, 64), jnp.float32).at[:, :h_dim].set(W1)
    w2p = jnp.zeros((64, 16), jnp.float32).at[:h_dim, :c_dim].set(W2)
    b1p = jnp.zeros((1, 64), jnp.float32).at[0, :h_dim].set(b1)
    b2p = jnp.zeros((1, 16), jnp.float32).at[0, :c_dim].set(b2)
    ones_k = jnp.ones((K, 16), jnp.float32)
    zeros16 = jnp.zeros((ZR, 16), jnp.float32)
    zeros64 = jnp.zeros((ZR, 64), jnp.float32)

    h1 = _tc_matmul1(x, w1p)
    degp = _sc_degree(edge_index, ones_k, zeros16)
    hs1, dinv = _tc_mid1(h1, degp)
    p = _sc_aggregate(hs1, edge_index, zeros64, 64)
    hs2 = _tc_mid2(p, hs1, dinv, b1p, w2p)
    q = _sc_aggregate(hs2, edge_index, zeros16, 16)
    return _tc_final(q, hs2, dinv, b2p)[:, :c_dim]

# --- scband reference (transcript-rebuilt; emitter-appended) ---
"""Pipeline reference for scband-gcn-38242388804050 (READ-ONLY COPY).

The authoritative reference and input builder live on the scoring server;
editing this copy changes nothing except your own understanding.
"""

import jax, jax.numpy as jnp
import numpy as np


def gcn_conv(x, edge_index, W, b):
    N = x.shape[0]
    loop = jnp.arange(N, dtype=edge_index.dtype)
    src = jnp.concatenate([edge_index[0], loop])
    dst = jnp.concatenate([edge_index[1], loop])
    h = x @ W
    deg = jnp.zeros((N,), dtype=h.dtype).at[dst].add(1.0)
    dinv = jnp.where(deg > 0, 1.0 / jnp.sqrt(deg), 0.0)
    norm = dinv[src] * dinv[dst]
    msg = h[src] * norm[:, None]
    out = jnp.zeros((N, W.shape[1]), dtype=h.dtype).at[dst].add(msg)
    return out + b


def setup_inputs(seed: int = 0):
    key = jax.random.key(seed)
    k1, k2, k3, k4, k5, k6 = jax.random.split(key, 6)
    N, E, F_in, H, C = 10000, 320000, 128, 50, 2
    x = jax.random.normal(k1, (N, F_in), dtype=jnp.float32)
    edge_index = jax.random.randint(k2, (2, E), 0, N, dtype=jnp.int32)
    W1 = jax.random.normal(k3, (F_in, H), dtype=jnp.float32) * 0.1
    b1 = jnp.zeros((H,), dtype=jnp.float32)
    W2 = jax.random.normal(k4, (H, C), dtype=jnp.float32) * 0.1
    b2 = jnp.zeros((C,), dtype=jnp.float32)
    return {"x": x, "edge_index": edge_index, "W1": W1, "b1": b1, "W2": W2, "b2": b2}


def reference(x, edge_index, W1, b1, W2, b2):
    h = jax.nn.relu(gcn_conv(x, edge_index, W1, b1))
    # F.dropout with training=False (eval mode) is identity
    h = gcn_conv(h, edge_index, W2, b2)
    return jax.nn.log_softmax(h, axis=1)

if __name__ == "__main__":
    import jax
    _d = setup_inputs()
    print(jax.jit(kernel)(*tuple(_d.values())))

</pallas_src>

<mosaic_0001>
#map = affine_map<(d0, d1) -> (0, 0)>
#map1 = affine_map<(d0, d1) -> (0, 0, 0)>
module attributes {stable_mosaic.version = 14 : i64} {
  func.func @agg_kernel(%arg0: i32, %arg1: i32, %arg2: memref<10000x64xf32, #tpu.memory_space<hbm>>, %arg3: memref<2x320000xi32, #tpu.memory_space<hbm>>, %arg4: memref<640x64xf32, #tpu.memory_space<hbm>>, %arg5: memref<2x10240x64xf32, #tpu.memory_space<hbm>>, %arg6: memref<10240xi32, #tpu.memory_space<vmem>>, %arg7: memref<10240xi32, #tpu.memory_space<vmem>>, %arg8: memref<128x64xf32, #tpu.memory_space<vmem>>, %arg9: memref<128x64xf32, #tpu.memory_space<vmem>>, %arg10: memref<10000x64xf32, #tpu.memory_space<vmem_shared>>, %arg11: memref<10240x64xf32, #tpu.memory_space<vmem_shared>>, %arg12: memref<!tpu.dma_semaphore, #tpu.memory_space<semaphore_mem>>, %arg13: memref<!tpu.dma_semaphore, #tpu.memory_space<semaphore_mem>>, %arg14: memref<!tpu.dma_semaphore, #tpu.memory_space<semaphore_mem>>, %arg15: memref<!tpu.dma_semaphore, #tpu.memory_space<semaphore_mem>>) attributes {dimension_semantics = [#tpu.dimension_semantics<core_parallel>, #tpu.dimension_semantics<subcore_parallel>], iteration_bounds = array<i64: 2, 16>, scalar_prefetch = 0 : i64, scratch_operands = 10 : i64, tpu.core_type = #tpu.core_type<sc_vector_subcore>, window_params = [{transform_indices = #map}, {transform_indices = #map}, {transform_indices = #map}, {transform_indices = #map1}]} {
    %mul3A = arith.constant 16 : i32
    %mul3A_0 = arith.muli %arg0, %mul3A : i32
    %add3A = arith.addi %mul3A_0, %arg1 : i32
    %mul3A_1 = arith.constant 10000 : i32
    %mul3A_2 = arith.muli %add3A, %mul3A_1 : i32
    %run_scoped3A = arith.constant 0 : i32
    "tpu.region"() ({
      %run_scoped3A_155 = tpu.sem_alloc : memref<!tpu.dma_semaphore, #tpu.memory_space<semaphore_mem>>
      %dma_start3A_156 = arith.constant 0 : i32
      %dma_start3A_157 = tpu.memref_slice %arg6[%dma_start3A_156] : memref<10240xi32, #tpu.memory_space<vmem>> -> memref<10000xi32, #tpu.memory_space<vmem>>
      %dma_start3A_158 = tpu.memref_slice %arg3[%run_scoped3A, %mul3A_2] : memref<2x320000xi32, #tpu.memory_space<hbm>> -> memref<1x10000xi32, #tpu.memory_space<hbm>>
      %dma_start3A_159 = tpu.memref_squeeze %dma_start3A_158 : memref<1x10000xi32, #tpu.memory_space<hbm>> -> memref<10000xi32, #tpu.memory_space<hbm>>
      %dma_start3A_160 = arith.constant 0 : i32
      %dma_start3A_161 = tpu.memref_slice %arg6[%dma_start3A_160] : memref<10240xi32, #tpu.memory_space<vmem>> -> memref<10000xi32, #tpu.memory_space<vmem>>
      %dma_start3A_162 = tpu.memref_slice %arg3[%run_scoped3A, %mul3A_2] : memref<2x320000xi32, #tpu.memory_space<hbm>> -> memref<1x10000xi32, #tpu.memory_space<hbm>>
      %dma_start3A_163 = tpu.memref_squeeze %dma_start3A_162 : memref<1x10000xi32, #tpu.memory_space<hbm>> -> memref<10000xi32, #tpu.memory_space<hbm>>
      tpu.enqueue_dma source(%dma_start3A_163 : memref<10000xi32, #tpu.memory_space<hbm>>) target(%dma_start3A_161 : memref<10000xi32, #tpu.memory_space<vmem>>) target_semaphore(%run_scoped3A_155 : memref<!tpu.dma_semaphore, #tpu.memory_space<semaphore_mem>>)
      %dma_wait3A_164 = arith.constant 0 : i32
      %dma_wait3A_165 = tpu.memref_slice %arg6[%dma_wait3A_164] : memref<10240xi32, #tpu.memory_space<vmem>> -> memref<10000xi32, #tpu.memory_space<vmem>>
      %dma_wait3A_166 = tpu.memref_slice %arg3[%run_scoped3A, %mul3A_2] : memref<2x320000xi32, #tpu.memory_space<hbm>> -> memref<1x10000xi32, #tpu.memory_space<hbm>>
      %dma_wait3A_167 = tpu.memref_squeeze %dma_wait3A_166 : memref<1x10000xi32, #tpu.memory_space<hbm>> -> memref<10000xi32, #tpu.memory_space<hbm>>
      %dma_wait3A_168 = arith.constant 0 : i32
      %dma_wait3A_169 = tpu.memref_slice %arg6[%dma_wait3A_168] : memref<10240xi32, #tpu.memory_space<vmem>> -> memref<10000xi32, #tpu.memory_space<vmem>>
      %dma_wait3A_170 = tpu.memref_slice %arg3[%run_scoped3A, %mul3A_2] : memref<2x320000xi32, #tpu.memory_space<hbm>> -> memref<1x10000xi32, #tpu.memory_space<hbm>>
      %dma_wait3A_171 = tpu.memref_squeeze %dma_wait3A_170 : memref<1x10000xi32, #tpu.memory_space<hbm>> -> memref<10000xi32, #tpu.memory_space<hbm>>
      tpu.wait_dma2 semaphore(%run_scoped3A_155 : memref<!tpu.dma_semaphore, #tpu.memory_space<semaphore_mem>>) src(%dma_wait3A_171 : memref<10000xi32, #tpu.memory_space<hbm>>) dst(%dma_wait3A_169 : memref<10000xi32, #tpu.memory_space<vmem>>)
      tpu.yield
    }) : () -> ()
    %run_scoped3A_3 = arith.constant 1 : i32
    "tpu.region"() ({
      %run_scoped3A_155 = tpu.sem_alloc : memref<!tpu.dma_semaphore, #tpu.memory_space<semaphore_mem>>
      %dma_start3A_156 = arith.constant 0 : i32
      %dma_start3A_157 = tpu.memref_slice %arg7[%dma_start3A_156] : memref<10240xi32, #tpu.memory_space<vmem>> -> memref<10000xi32, #tpu.memory_space<vmem>>
      %dma_start3A_158 = tpu.memref_slice %arg3[%run_scoped3A_3, %mul3A_2] : memref<2x320000xi32, #tpu.memory_space<hbm>> -> memref<1x10000xi32, #tpu.memory_space<hbm>>
      %dma_start3A_159 = tpu.memref_squeeze %dma_start3A_158 : memref<1x10000xi32, #tpu.memory_space<hbm>> -> memref<10000xi32, #tpu.memory_space<hbm>>
      %dma_start3A_160 = arith.constant 0 : i32
      %dma_start3A_161 = tpu.memref_slice %arg7[%dma_start3A_160] : memref<10240xi32, #tpu.memory_space<vmem>> -> memref<10000xi32, #tpu.memory_space<vmem>>
      %dma_start3A_162 = tpu.memref_slice %arg3[%run_scoped3A_3, %mul3A_2] : memref<2x320000xi32, #tpu.memory_space<hbm>> -> memref<1x10000xi32, #tpu.memory_space<hbm>>
      %dma_start3A_163 = tpu.memref_squeeze %dma_start3A_162 : memref<1x10000xi32, #tpu.memory_space<hbm>> -> memref<10000xi32, #tpu.memory_space<hbm>>
      tpu.enqueue_dma source(%dma_start3A_163 : memref<10000xi32, #tpu.memory_space<hbm>>) target(%dma_start3A_161 : memref<10000xi32, #tpu.memory_space<vmem>>) target_semaphore(%run_scoped3A_155 : memref<!tpu.dma_semaphore, #tpu.memory_space<semaphore_mem>>)
      %dma_wait3A_164 = arith.constant 0 : i32
      %dma_wait3A_165 = tpu.memref_slice %arg7[%dma_wait3A_164] : memref<10240xi32, #tpu.memory_space<vmem>> -> memref<10000xi32, #tpu.memory_space<vmem>>
      %dma_wait3A_166 = tpu.memref_slice %arg3[%run_scoped3A_3, %mul3A_2] : memref<2x320000xi32, #tpu.memory_space<hbm>> -> memref<1x10000xi32, #tpu.memory_space<hbm>>
      %dma_wait3A_167 = tpu.memref_squeeze %dma_wait3A_166 : memref<1x10000xi32, #tpu.memory_space<hbm>> -> memref<10000xi32, #tpu.memory_space<hbm>>
      %dma_wait3A_168 = arith.constant 0 : i32
      %dma_wait3A_169 = tpu.memref_slice %arg7[%dma_wait3A_168] : memref<10240xi32, #tpu.memory_space<vmem>> -> memref<10000xi32, #tpu.memory_space<vmem>>
      %dma_wait3A_170 = tpu.memref_slice %arg3[%run_scoped3A_3, %mul3A_2] : memref<2x320000xi32, #tpu.memory_space<hbm>> -> memref<1x10000xi32, #tpu.memory_space<hbm>>
      %dma_wait3A_171 = tpu.memref_squeeze %dma_wait3A_170 : memref<1x10000xi32, #tpu.memory_space<hbm>> -> memref<10000xi32, #tpu.memory_space<hbm>>
      tpu.wait_dma2 semaphore(%run_scoped3A_155 : memref<!tpu.dma_semaphore, #tpu.memory_space<semaphore_mem>>) src(%dma_wait3A_171 : memref<10000xi32, #tpu.memory_space<hbm>>) dst(%dma_wait3A_169 : memref<10000xi32, #tpu.memory_space<vmem>>)
      tpu.yield
    }) : () -> ()
    %broadcast_in_dim3A = arith.constant 0 : i32
    %broadcast_in_dim3A_4 = vector.broadcast %broadcast_in_dim3A : i32 to vector<16xi32>
    %broadcast_in_dim3A_5 = arith.constant 10000 : i32
    %broadcast_in_dim3A_6 = vector.broadcast %broadcast_in_dim3A_5 : i32 to vector<16xi32>
    %swap3A = arith.constant 10000 : index
    %swap3A_7 = tpu.vector_load %arg6[%swap3A] {strides = array<i32>} : memref<10240xi32, #tpu.memory_space<vmem>>, vector<16xi32>,
    %swap3A_8 = vector.shape_cast %swap3A_7 : vector<16xi32> to vector<16xi32>
    %swap3A_9 = vector.shape_cast %broadcast_in_dim3A_4 : vector<16xi32> to vector<16xi32>
    tpu.vector_store %arg6[%swap3A], %swap3A_9 {strides = array<i32>} : memref<10240xi32, #tpu.memory_space<vmem>>, vector<16xi32>,
    %swap3A_10 = arith.constant 10000 : index
    %swap3A_11 = tpu.vector_load %arg7[%swap3A_10] {strides = array<i32>} : memref<10240xi32, #tpu.memory_space<vmem>>, vector<16xi32>,
    %swap3A_12 = vector.shape_cast %swap3A_11 : vector<16xi32> to vector<16xi32>
    %swap3A_13 = vector.shape_cast %broadcast_in_dim3A_6 : vector<16xi32> to vector<16xi32>
    tpu.vector_store %arg7[%swap3A_10], %swap3A_13 {strides = array<i32>} : memref<10240xi32, #tpu.memory_space<vmem>>, vector<16xi32>,
    %swap3A_14 = arith.constant 10016 : index
    %swap3A_15 = tpu.vector_load %arg6[%swap3A_14] {strides = array<i32>} : memref<10240xi32, #tpu.memory_space<vmem>>, vector<16xi32>,
    %swap3A_16 = vector.shape_cast %swap3A_15 : vector<16xi32> to vector<16xi32>
    %swap3A_17 = vector.shape_cast %broadcast_in_dim3A_4 : vector<16xi32> to vector<16xi32>
    tpu.vector_store %arg6[%swap3A_14], %swap3A_17 {strides = array<i32>} : memref<10240xi32, #tpu.memory_space<vmem>>, vector<16xi32>,
    %swap3A_18 = arith.constant 10016 : index
    %swap3A_19 = tpu.vector_load %arg7[%swap3A_18] {strides = array<i32>} : memref<10240xi32, #tpu.memory_space<vmem>>, vector<16xi32>,
    %swap3A_20 = vector.shape_cast %swap3A_19 : vector<16xi32> to vector<16xi32>
    %swap3A_21 = vector.shape_cast %broadcast_in_dim3A_6 : vector<16xi32> to vector<16xi32>
    tpu.vector_store %arg7[%swap3A_18], %swap3A_21 {strides = array<i32>} : memref<10240xi32, #tpu.memory_space<vmem>>, vector<16xi32>,
    %swap3A_22 = arith.constant 10032 : index
    %swap3A_23 = tpu.vector_load %arg6[%swap3A_22] {strides = array<i32>} : memref<10240xi32, #tpu.memory_space<vmem>>, vector<16xi32>,
    %swap3A_24 = vector.shape_cast %swap3A_23 : vector<16xi32> to vector<16xi32>
    %swap3A_25 = vector.shape_cast %broadcast_in_dim3A_4 : vector<16xi32> to vector<16xi32>
    tpu.vector_store %arg6[%swap3A_22], %swap3A_25 {strides = array<i32>} : memref<10240xi32, #tpu.memory_space<vmem>>, vector<16xi32>,
    %swap3A_26 = arith.constant 10032 : index
    %swap3A_27 = tpu.vector_load %arg7[%swap3A_26] {strides = array<i32>} : memref<10240xi32, #tpu.memory_space<vmem>>, vector<16xi32>,
    %swap3A_28 = vector.shape_cast %swap3A_27 : vector<16xi32> to vector<16xi32>
    %swap3A_29 = vector.shape_cast %broadcast_in_dim3A_6 : vector<16xi32> to vector<16xi32>
    tpu.vector_store %arg7[%swap3A_26], %swap3A_29 {strides = array<i32>} : memref<10240xi32, #tpu.memory_space<vmem>>, vector<16xi32>,
    %swap3A_30 = arith.constant 10048 : index
    %swap3A_31 = tpu.vector_load %arg6[%swap3A_30] {strides = array<i32>} : memref<10240xi32, #tpu.memory_space<vmem>>, vector<16xi32>,
    %swap3A_32 = vector.shape_cast %swap3A_31 : vector<16xi32> to vector<16xi32>
    %swap3A_33 = vector.shape_cast %broadcast_in_dim3A_4 : vector<16xi32> to vector<16xi32>
    tpu.vector_store %arg6[%swap3A_30], %swap3A_33 {strides = array<i32>} : memref<10240xi32, #tpu.memory_space<vmem>>, vector<16xi32>,
    %swap3A_34 = arith.constant 10048 : index
    %swap3A_35 = tpu.vector_load %arg7[%swap3A_34] {strides = array<i32>} : memref<10240xi32, #tpu.memory_space<vmem>>, vector<16xi32>,
    %swap3A_36 = vector.shape_cast %swap3A_35 : vector<16xi32> to vector<16xi32>
    %swap3A_37 = vector.shape_cast %broadcast_in_dim3A_6 : vector<16xi32> to vector<16xi32>
    tpu.vector_store %arg7[%swap3A_34], %swap3A_37 {strides = array<i32>} : memref<10240xi32, #tpu.memory_space<vmem>>, vector<16xi32>,
    %swap3A_38 = arith.constant 10064 : index
    %swap3A_39 = tpu.vector_load %arg6[%swap3A_38] {strides = array<i32>} : memref<10240xi32, #tpu.memory_space<vmem>>, vector<16xi32>,
    %swap3A_40 = vector.shape_cast %swap3A_39 : vector<16xi32> to vector<16xi32>
    %swap3A_41 = vector.shape_cast %broadcast_in_dim3A_4 : vector<16xi32> to vector<16xi32>
    tpu.vector_store %arg6[%swap3A_38], %swap3A_41 {strides = array<i32>} : memref<10240xi32, #tpu.memory_space<vmem>>, vector<16xi32>,
    %swap3A_42 = arith.constant 10064 : index
    %swap3A_43 = tpu.vector_load %arg7[%swap3A_42] {strides = array<i32>} : memref<10240xi32, #tpu.memory_space<vmem>>, vector<16xi32>,
    %swap3A_44 = vector.shape_cast %swap3A_43 : vector<16xi32> to vector<16xi32>
    %swap3A_45 = vector.shape_cast %broadcast_in_dim3A_6 : vector<16xi32> to vector<16xi32>
    tpu.vector_store %arg7[%swap3A_42], %swap3A_45 {strides = array<i32>} : memref<10240xi32, #tpu.memory_space<vmem>>, vector<16xi32>,
    %swap3A_46 = arith.constant 10080 : index
    %swap3A_47 = tpu.vector_load %arg6[%swap3A_46] {strides = array<i32>} : memref<10240xi32, #tpu.memory_space<vmem>>, vector<16xi32>,
    %swap3A_48 = vector.shape_cast %swap3A_47 : vector<16xi32> to vector<16xi32>
    %swap3A_49 = vector.shape_cast %broadcast_in_dim3A_4 : vector<16xi32> to vector<16xi32>
    tpu.vector_store %arg6[%swap3A_46], %swap3A_49 {strides = array<i32>} : memref<10240xi32, #tpu.memory_space<vmem>>, vector<16xi32>,
    %swap3A_50 = arith.constant 10080 : index
    %swap3A_51 = tpu.vector_load %arg7[%swap3A_50] {strides = array<i32>} : memref<10240xi32, #tpu.memory_space<vmem>>, vector<16xi32>,
    %swap3A_52 = vector.shape_cast %swap3A_51 : vector<16xi32> to vector<16xi32>
    %swap3A_53 = vector.shape_cast %broadcast_in_dim3A_6 : vector<16xi32> to vector<16xi32>
    tpu.vector_store %arg7[%swap3A_50], %swap3A_53 {strides = array<i32>} : memref<10240xi32, #tpu.memory_space<vmem>>, vector<16xi32>,
    %swap3A_54 = arith.constant 10096 : index
    %swap3A_55 = tpu.vector_load %arg6[%swap3A_54] {strides = array<i32>} : memref<10240xi32, #tpu.memory_space<vmem>>, vector<16xi32>,
    %swap3A_56 = vector.shape_cast %swap3A_55 : vector<16xi32> to vector<16xi32>
    %swap3A_57 = vector.shape_cast %broadcast_in_dim3A_4 : vector<16xi32> to vector<16xi32>
    tpu.vector_store %arg6[%swap3A_54], %swap3A_57 {strides = array<i32>} : memref<10240xi32, #tpu.memory_space<vmem>>, vector<16xi32>,
    %swap3A_58 = arith.constant 10096 : index
    %swap3A_59 = tpu.vector_load %arg7[%swap3A_58] {strides = array<i32>} : memref<10240xi32, #tpu.memory_space<vmem>>, vector<16xi32>,
    %swap3A_60 = vector.shape_cast %swap3A_59 : vector<16xi32> to vector<16xi32>
    %swap3A_61 = vector.shape_cast %broadcast_in_dim3A_6 : vector<16xi32> to vector<16xi32>
    tpu.vector_store %arg7[%swap3A_58], %swap3A_61 {strides = array<i32>} : memref<10240xi32, #tpu.memory_space<vmem>>, vector<16xi32>,
    %swap3A_62 = arith.constant 10112 : index
    %swap3A_63 = tpu.vector_load %arg6[%swap3A_62] {strides = array<i32>} : memref<10240xi32, #tpu.memory_space<vmem>>, vector<16xi32>,
    %swap3A_64 = vector.shape_cast %swap3A_63 : vector<16xi32> to vector<16xi32>
    %swap3A_65 = vector.shape_cast %broadcast_in_dim3A_4 : vector<16xi32> to vector<16xi32>
    tpu.vector_store %arg6[%swap3A_62], %swap3A_65 {strides = array<i32>} : memref<10240xi32, #tpu.memory_space<vmem>>, vector<16xi32>,
    %swap3A_66 = arith.constant 10112 : index
    %swap3A_67 = tpu.vector_load %arg7[%swap3A_66] {strides = array<i32>} : memref<10240xi32, #tpu.memory_space<vmem>>, vector<16xi32>,
    %swap3A_68 = vector.shape_cast %swap3A_67 : vector<16xi32> to vector<16xi32>
    %swap3A_69 = vector.shape_cast %broadcast_in_dim3A_6 : vector<16xi32> to vector<16xi32>
    tpu.vector_store %arg7[%swap3A_66], %swap3A_69 {strides = array<i32>} : memref<10240xi32, #tpu.memory_space<vmem>>, vector<16xi32>,
    %swap3A_70 = arith.constant 10128 : index
    %swap3A_71 = tpu.vector_load %arg6[%swap3A_70] {strides = array<i32>} : memref<10240xi32, #tpu.memory_space<vmem>>, vector<16xi32>,
    %swap3A_72 = vector.shape_cast %swap3A_71 : vector<16xi32> to vector<16xi32>
    %swap3A_73 = vector.shape_cast %broadcast_in_dim3A_4 : vector<16xi32> to vector<16xi32>
    tpu.vector_store %arg6[%swap3A_70], %swap3A_73 {strides = array<i32>} : memref<10240xi32, #tpu.memory_space<vmem>>, vector<16xi32>,
    %swap3A_74 = arith.constant 10128 : index
    %swap3A_75 = tpu.vector_load %arg7[%swap3A_74] {strides = array<i32>} : memref<10240xi32, #tpu.memory_space<vmem>>, vector<16xi32>,
    %swap3A_76 = vector.shape_cast %swap3A_75 : vector<16xi32> to vector<16xi32>
    %swap3A_77 = vector.shape_cast %broadcast_in_dim3A_6 : vector<16xi32> to vector<16xi32>
    tpu.vector_store %arg7[%swap3A_74], %swap3A_77 {strides = array<i32>} : memref<10240xi32, #tpu.memory_space<vmem>>, vector<16xi32>,
    %swap3A_78 = arith.constant 10144 : index
    %swap3A_79 = tpu.vector_load %arg6[%swap3A_78] {strides = array<i32>} : memref<10240xi32, #tpu.memory_space<vmem>>, vector<16xi32>,
    %swap3A_80 = vector.shape_cast %swap3A_79 : vector<16xi32> to vector<16xi32>
    %swap3A_81 = vector.shape_cast %broadcast_in_dim3A_4 : vector<16xi32> to vector<16xi32>
    tpu.vector_store %arg6[%swap3A_78], %swap3A_81 {strides = array<i32>} : memref<10240xi32, #tpu.memory_space<vmem>>, vector<16xi32>,
    %swap3A_82 = arith.constant 10144 : index
    %swap3A_83 = tpu.vector_load %arg7[%swap3A_82] {strides = array<i32>} : memref<10240xi32, #tpu.memory_space<vmem>>, vector<16xi32>,
    %swap3A_84 = vector.shape_cast %swap3A_83 : vector<16xi32> to vector<16xi32>
    %swap3A_85 = vector.shape_cast %broadcast_in_dim3A_6 : vector<16xi32> to vector<16xi32>
    tpu.vector_store %arg7[%swap3A_82], %swap3A_85 {strides = array<i32>} : memref<10240xi32, #tpu.memory_space<vmem>>, vector<16xi32>,
    %swap3A_86 = arith.constant 10160 : index
    %swap3A_87 = tpu.vector_load %arg6[%swap3A_86] {strides = array<i32>} : memref<10240xi32, #tpu.memory_space<vmem>>, vector<16xi32>,
    %swap3A_88 = vector.shape_cast %swap3A_87 : vector<16xi32> to vector<16xi32>
    %swap3A_89 = vector.shape_cast %broadcast_in_dim3A_4 : vector<16xi32> to vector<16xi32>
    tpu.vector_store %arg6[%swap3A_86], %swap3A_89 {strides = array<i32>} : memref<10240xi32, #tpu.memory_space<vmem>>, vector<16xi32>,
    %swap3A_90 = arith.constant 10160 : index
    %swap3A_91 = tpu.vector_load %arg7[%swap3A_90] {strides = array<i32>} : memref<10240xi32, #tpu.memory_space<vmem>>, vector<16xi32>,
    %swap3A_92 = vector.shape_cast %swap3A_91 : vector<16xi32> to vector<16xi32>
    %swap3A_93 = vector.shape_cast %broadcast_in_dim3A_6 : vector<16xi32> to vector<16xi32>
    tpu.vector_store %arg7[%swap3A_90], %swap3A_93 {strides = array<i32>} : memref<10240xi32, #tpu.memory_space<vmem>>, vector<16xi32>,
    %swap3A_94 = arith.constant 10176 : index
    %swap3A_95 = tpu.vector_load %arg6[%swap3A_94] {strides = array<i32>} : memref<10240xi32, #tpu.memory_space<vmem>>, vector<16xi32>,
    %swap3A_96 = vector.shape_cast %swap3A_95 : vector<16xi32> to vector<16xi32>
    %swap3A_97 = vector.shape_cast %broadcast_in_dim3A_4 : vector<16xi32> to vector<16xi32>
    tpu.vector_store %arg6[%swap3A_94], %swap3A_97 {strides = array<i32>} : memref<10240xi32, #tpu.memory_space<vmem>>, vector<16xi32>,
    %swap3A_98 = arith.constant 10176 : index
    %swap3A_99 = tpu.vector_load %arg7[%swap3A_98] {strides = array<i32>} : memref<10240xi32, #tpu.memory_space<vmem>>, vector<16xi32>,
    %swap3A_100 = vector.shape_cast %swap3A_99 : vector<16xi32> to vector<16xi32>
    %swap3A_101 = vector.shape_cast %broadcast_in_dim3A_6 : vector<16xi32> to vector<16xi32>
    tpu.vector_store %arg7[%swap3A_98], %swap3A_101 {strides = array<i32>} : memref<10240xi32, #tpu.memory_space<vmem>>, vector<16xi32>,
    %swap3A_102 = arith.constant 10192 : index
    %swap3A_103 = tpu.vector_load %arg6[%swap3A_102] {strides = array<i32>} : memref<10240xi32, #tpu.memory_space<vmem>>, vector<16xi32>,
    %swap3A_104 = vector.shape_cast %swap3A_103 : vector<16xi32> to vector<16xi32>
    %swap3A_105 = vector.shape_cast %broadcast_in_dim3A_4 : vector<16xi32> to vector<16xi32>
    tpu.vector_store %arg6[%swap3A_102], %swap3A_105 {strides = array<i32>} : memref<10240xi32, #tpu.memory_space<vmem>>, vector<16xi32>,
    %swap3A_106 = arith.constant 10192 : index
    %swap3A_107 = tpu.vector_load %arg7[%swap3A_106] {strides = array<i32>} : memref<10240xi32, #tpu.memory_space<vmem>>, vector<16xi32>,
    %swap3A_108 = vector.shape_cast %swap3A_107 : vector<16xi32> to vector<16xi32>
    %swap3A_109 = vector.shape_cast %broadcast_in_dim3A_6 : vector<16xi32> to vector<16xi32>
    tpu.vector_store %arg7[%swap3A_106], %swap3A_109 {strides = array<i32>} : memref<10240xi32, #tpu.memory_space<vmem>>, vector<16xi32>,
    %swap3A_110 = arith.constant 10208 : index
    %swap3A_111 = tpu.vector_load %arg6[%swap3A_110] {strides = array<i32>} : memref<10240xi32, #tpu.memory_space<vmem>>, vector<16xi32>,
    %swap3A_112 = vector.shape_cast %swap3A_111 : vector<16xi32> to vector<16xi32>
    %swap3A_113 = vector.shape_cast %broadcast_in_dim3A_4 : vector<16xi32> to vector<16xi32>
    tpu.vector_store %arg6[%swap3A_110], %swap3A_113 {strides = array<i32>} : memref<10240xi32, #tpu.memory_space<vmem>>, vector<16xi32>,
    %swap3A_114 = arith.constant 10208 : index
    %swap3A_115 = tpu.vector_load %arg7[%swap3A_114] {strides = array<i32>} : memref<10240xi32, #tpu.memory_space<vmem>>, vector<16xi32>,
    %swap3A_116 = vector.shape_cast %swap3A_115 : vector<16xi32> to vector<16xi32>
    %swap3A_117 = vector.shape_cast %broadcast_in_dim3A_6 : vector<16xi32> to vector<16xi32>
    tpu.vector_store %arg7[%swap3A_114], %swap3A_117 {strides = array<i32>} : memref<10240xi32, #tpu.memory_space<vmem>>, vector<16xi32>,
    %swap3A_118 = arith.constant 10224 : index
    %swap3A_119 = tpu.vector_load %arg6[%swap3A_118] {strides = array<i32>} : memref<10240xi32, #tpu.memory_space<vmem>>, vector<16xi32>,
    %swap3A_120 = vector.shape_cast %swap3A_119 : vector<16xi32> to vector<16xi32>
    %swap3A_121 = vector.shape_cast %broadcast_in_dim3A_4 : vector<16xi32> to vector<16xi32>
    tpu.vector_store %arg6[%swap3A_118], %swap3A_121 {strides = array<i32>} : memref<10240xi32, #tpu.memory_space<vmem>>, vector<16xi32>,
    %swap3A_122 = arith.constant 10224 : index
    %swap3A_123 = tpu.vector_load %arg7[%swap3A_122] {strides = array<i32>} : memref<10240xi32, #tpu.memory_space<vmem>>, vector<16xi32>,
    %swap3A_124 = vector.shape_cast %swap3A_123 : vector<16xi32> to vector<16xi32>
    %swap3A_125 = vector.shape_cast %broadcast_in_dim3A_6 : vector<16xi32> to vector<16xi32>
    tpu.vector_store %arg7[%swap3A_122], %swap3A_125 {strides = array<i32>} : memref<10240xi32, #tpu.memory_space<vmem>>, vector<16xi32>,
    %mul3A_126 = arith.constant 625 : i32
    %mul3A_127 = arith.muli %arg1, %mul3A_126 : i32
    %mul3A_128 = arith.constant 625 : i32
    %mul3A_129 = arith.muli %arg1, %mul3A_128 : i32
    "tpu.region"() ({
      %run_scoped3A_155 = tpu.sem_alloc : memref<!tpu.dma_semaphore, #tpu.memory_space<semaphore_mem>>
      %dma_start3A_156 = arith.constant 0 : i32
      %dma_start3A_157 = tpu.memref_slice %arg10[%mul3A_129, %dma_start3A_156] : memref<10000x64xf32, #tpu.memory_space<vmem_shared>> -> memref<625x64xf32, #tpu.memory_space<vmem_shared>>
      %dma_start3A_158 = arith.constant 0 : i32
      %dma_start3A_159 = tpu.memref_slice %arg2[%mul3A_127, %dma_start3A_158] : memref<10000x64xf32, #tpu.memory_space<hbm>> -> memref<625x64xf32, #tpu.memory_space<hbm>>
      tpu.enqueue_dma source(%dma_start3A_159 : memref<625x64xf32, #tpu.memory_space<hbm>>) target(%dma_start3A_157 : memref<625x64xf32, #tpu.memory_space<vmem_shared>>) target_semaphore(%run_scoped3A_155 : memref<!tpu.dma_semaphore, #tpu.memory_space<semaphore_mem>>)
      %dma_wait3A_160 = arith.constant 0 : i32
      %dma_wait3A_161 = tpu.memref_slice %arg10[%mul3A_129, %dma_wait3A_160] : memref<10000x64xf32, #tpu.memory_space<vmem_shared>> -> memref<625x64xf32, #tpu.memory_space<vmem_shared>>
      %dma_wait3A_162 = arith.constant 0 : i32
      %dma_wait3A_163 = tpu.memref_slice %arg2[%mul3A_127, %dma_wait3A_162] : memref<10000x64xf32, #tpu.memory_space<hbm>> -> memref<625x64xf32, #tpu.memory_space<hbm>>
      tpu.wait_dma2 semaphore(%run_scoped3A_155 : memref<!tpu.dma_semaphore, #tpu.memory_space<semaphore_mem>>) src(%dma_wait3A_163 : memref<625x64xf32, #tpu.memory_space<hbm>>) dst(%dma_wait3A_161 : memref<625x64xf32, #tpu.memory_space<vmem_shared>>)
      tpu.yield
    }) : () -> ()
    %mul3A_130 = arith.constant 640 : i32
    %mul3A_131 = arith.muli %arg1, %mul3A_130 : i32
    "tpu.region"() ({
      %run_scoped3A_155 = tpu.sem_alloc : memref<!tpu.dma_semaphore, #tpu.memory_space<semaphore_mem>>
      %dma_start3A_156 = arith.constant 0 : i32
      %dma_start3A_157 = tpu.memref_slice %arg11[%mul3A_131, %dma_start3A_156] : memref<10240x64xf32, #tpu.memory_space<vmem_shared>> -> memref<640x64xf32, #tpu.memory_space<vmem_shared>>
      tpu.enqueue_dma source(%arg4 : memref<640x64xf32, #tpu.memory_space<hbm>>) target(%dma_start3A_157 : memref<640x64xf32, #tpu.memory_space<vmem_shared>>) target_semaphore(%run_scoped3A_155 : memref<!tpu.dma_semaphore, #tpu.memory_space<semaphore_mem>>)
      %dma_wait3A_158 = arith.constant 0 : i32
      %dma_wait3A_159 = tpu.memref_slice %arg11[%mul3A_131, %dma_wait3A_158] : memref<10240x64xf32, #tpu.memory_space<vmem_shared>> -> memref<640x64xf32, #tpu.memory_space<vmem_shared>>
      tpu.wait_dma2 semaphore(%run_scoped3A_155 : memref<!tpu.dma_semaphore, #tpu.memory_space<semaphore_mem>>) src(%arg4 : memref<640x64xf32, #tpu.memory_space<hbm>>) dst(%dma_wait3A_159 : memref<640x64xf32, #tpu.memory_space<vmem_shared>>)
      tpu.yield
    }) : () -> ()
    %barrier3A = arith.constant 0 : index
    tpu.barrier barrier_id(%barrier3A)
    %dma_start3A = arith.constant 0 : i32
    %dma_start3A_132 = tpu.memref_slice %arg6[%dma_start3A] : memref<10240xi32, #tpu.memory_space<vmem>> -> memref<128xi32, #tpu.memory_space<vmem>>
    %dma_start3A_133 = arith.constant 0 : i32
    %dma_start3A_134 = arith.constant 0 : i32
    %dma_start3A_135 = tpu.memref_slice %arg10[%dma_start3A_133, %dma_start3A_134] : memref<10000x64xf32, #tpu.memory_space<vmem_shared>> -> memref<10000x64xf32, #tpu.memory_space<vmem_shared>>
    tpu.enqueue_indirect_dma source(%dma_start3A_135 : memref<10000x64xf32, #tpu.memory_space<vmem_shared>>) target(%arg8 : memref<128x64xf32, #tpu.memory_space<vmem>>) offsets(%dma_start3A_132 : memref<128xi32, #tpu.memory_space<vmem>>) semaphore(%arg12 : memref<!tpu.dma_semaphore, #tpu.memory_space<semaphore_mem>>)
    %scan3A = arith.constant 0 : i32
    %scan3A_136 = arith.constant 0 : i32
    %scan3A_137 = arith.constant 40 : i32
    %scan3A_138 = arith.addi %scan3A_136, %scan3A_137 : i32
    %scan3A_139 = arith.constant 1 : i32
    scf.for %scan3A_155 = %scan3A_136 to %scan3A_138 step %scan3A_139  : i32 {
      %mul3A_156 = arith.constant 2 : i32
      %mul3A_157 = arith.muli %scan3A_155, %mul3A_156 : i32
      %add3A_158 = arith.constant 0 : i32
      %add3A_159 = arith.addi %mul3A_157, %add3A_158 : i32
      %mul3A_160 = arith.constant 128 : i32
      %mul3A_161 = arith.muli %add3A_159, %mul3A_160 : i32
      %dma_wait3A_162 = tpu.memref_slice %arg6[%mul3A_161] : memref<10240xi32, #tpu.memory_space<vmem>> -> memref<128xi32, #tpu.memory_space<vmem>>
      %dma_wait3A_163 = arith.constant 0 : i32
      %dma_wait3A_164 = arith.constant 0 : i32
      %dma_wait3A_165 = tpu.memref_slice %arg10[%dma_wait3A_163, %dma_wait3A_164] : memref<10000x64xf32, #tpu.memory_space<vmem_shared>> -> memref<10000x64xf32, #tpu.memory_space<vmem_shared>>
      tpu.wait_indirect_dma semaphore(%arg12 : memref<!tpu.dma_semaphore, #tpu.memory_space<semaphore_mem>>) src(%dma_wait3A_165 : memref<10000x64xf32, #tpu.memory_space<vmem_shared>>) dst(%arg8 : memref<128x64xf32, #tpu.memory_space<vmem>>)
      %mul3A_166 = arith.constant 128 : i32
      %mul3A_167 = arith.muli %add3A_159, %mul3A_166 : i32
      %dma_start3A_168 = tpu.memref_slice %arg7[%mul3A_167] : memref<10240xi32, #tpu.memory_space<vmem>> -> memref<128xi32, #tpu.memory_space<vmem>>
      %dma_start3A_169 = arith.constant 0 : i32
      %dma_start3A_170 = arith.constant 0 : i32
      %dma_start3A_171 = tpu.memref_slice %arg11[%dma_start3A_169, %dma_start3A_170] : memref<10240x64xf32, #tpu.memory_space<vmem_shared>> -> memref<10240x64xf32, #tpu.memory_space<vmem_shared>>
      tpu.enqueue_indirect_dma source(%arg8 : memref<128x64xf32, #tpu.memory_space<vmem>>) target(%dma_start3A_171 : memref<10240x64xf32, #tpu.memory_space<vmem_shared>>) offsets(%dma_start3A_168 : memref<128xi32, #tpu.memory_space<vmem>>) semaphore(%arg14 : memref<!tpu.dma_semaphore, #tpu.memory_space<semaphore_mem>>) {add = true}
      %add3A_172 = arith.constant 1 : i32
      %add3A_173 = arith.addi %add3A_159, %add3A_172 : i32
      %lt3A = arith.constant 80 : i32
      %lt3A_174 = arith.cmpi slt, %add3A_173, %lt3A : i32
      %convert_element_type3A = arith.extui %lt3A_174 : i1 to i32
      %cond3A = arith.constant 0 : i32
      %cond3A_175 = arith.cmpi ne, %convert_element_type3A, %cond3A : i32
      scf.if %cond3A_175 {
        %ge3A = arith.constant 1 : i32
        %ge3A_199 = arith.cmpi sge, %add3A_159, %ge3A : i32
        %convert_element_type3A_200 = arith.extui %ge3A_199 : i1 to i32
        %cond3A_201 = arith.constant 0 : i32
        %cond3A_202 = arith.cmpi ne, %convert_element_type3A_200, %cond3A_201 : i32
        scf.if %cond3A_202 {
          %dma_wait3A_211 = arith.constant 0 : i32
          %dma_wait3A_212 = tpu.memref_slice %arg7[%dma_wait3A_211] : memref<10240xi32, #tpu.memory_space<vmem>> -> memref<128xi32, #tpu.memory_space<vmem>>
          %dma_wait3A_213 = arith.constant 0 : i32
          %dma_wait3A_214 = arith.constant 0 : i32
          %dma_wait3A_215 = tpu.memref_slice %arg11[%dma_wait3A_213, %dma_wait3A_214] : memref<10240x64xf32, #tpu.memory_space<vmem_shared>> -> memref<10240x64xf32, #tpu.memory_space<vmem_shared>>
          tpu.wait_indirect_dma semaphore(%arg15 : memref<!tpu.dma_semaphore, #tpu.memory_space<semaphore_mem>>) src(%arg9 : memref<128x64xf32, #tpu.memory_space<vmem>>) dst(%dma_wait3A_215 : memref<10240x64xf32, #tpu.memory_space<vmem_shared>>)
        } else {
        }
        %add3A_203 = arith.constant 1 : i32
        %add3A_204 = arith.addi %add3A_159, %add3A_203 : i32
        %mul3A_205 = arith.constant 128 : i32
        %mul3A_206 = arith.muli %add3A_204, %mul3A_205 : i32
        %dma_start3A_207 = tpu.memref_slice %arg6[%mul3A_206] : memref<10240xi32, #tpu.memory_space<vmem>> -> memref<128xi32, #tpu.memory_space<vmem>>
        %dma_start3A_208 = arith.constant 0 : i32
        %dma_start3A_209 = arith.constant 0 : i32
        %dma_start3A_210 = tpu.memref_slice %arg10[%dma_start3A_208, %dma_start3A_209] : memref<10000x64xf32, #tpu.memory_space<vmem_shared>> -> memref<10000x64xf32, #tpu.memory_space<vmem_shared>>
        tpu.enqueue_indirect_dma source(%dma_start3A_210 : memref<10000x64xf32, #tpu.memory_space<vmem_shared>>) target(%arg9 : memref<128x64xf32, #tpu.memory_space<vmem>>) offsets(%dma_start3A_207 : memref<128xi32, #tpu.memory_space<vmem>>) semaphore(%arg13 : memref<!tpu.dma_semaphore, #tpu.memory_space<semaphore_mem>>)
      } else {
      }
      %mul3A_176 = arith.constant 2 : i32
      %mul3A_177 = arith.muli %scan3A_155, %mul3A_176 : i32
      %add3A_178 = arith.constant 1 : i32
      %add3A_179 = arith.addi %mul3A_177, %add3A_178 : i32
      %mul3A_180 = arith.constant 128 : i32
      %mul3A_181 = arith.muli %add3A_179, %mul3A_180 : i32
      %dma_wait3A_182 = tpu.memref_slice %arg6[%mul3A_181] : memref<10240xi32, #tpu.memory_space<vmem>> -> memref<128xi32, #tpu.memory_space<vmem>>
      %dma_wait3A_183 = arith.constant 0 : i32
      %dma_wait3A_184 = arith.constant 0 : i32
      %dma_wait3A_185 = tpu.memref_slice %arg10[%dma_wait3A_183, %dma_wait3A_184] : memref<10000x64xf32, #tpu.memory_space<vmem_shared>> -> memref<10000x64xf32, #tpu.memory_space<vmem_shared>>
      tpu.wait_indirect_dma semaphore(%arg13 : memref<!tpu.dma_semaphore, #tpu.memory_space<semaphore_mem>>) src(%dma_wait3A_185 : memref<10000x64xf32, #tpu.memory_space<vmem_shared>>) dst(%arg9 : memref<128x64xf32, #tpu.memory_space<vmem>>)
      %mul3A_186 = arith.constant 128 : i32
      %mul3A_187 = arith.muli %add3A_179, %mul3A_186 : i32
      %dma_start3A_188 = tpu.memref_slice %arg7[%mul3A_187] : memref<10240xi32, #tpu.memory_space<vmem>> -> memref<128xi32, #tpu.memory_space<vmem>>
      %dma_start3A_189 = arith.constant 0 : i32
      %dma_start3A_190 = arith.constant 0 : i32
      %dma_start3A_191 = tpu.memref_slice %arg11[%dma_start3A_189, %dma_start3A_190] : memref<10240x64xf32, #tpu.memory_space<vmem_shared>> -> memref<10240x64xf32, #tpu.memory_space<vmem_shared>>
      tpu.enqueue_indirect_dma source(%arg9 : memref<128x64xf32, #tpu.memory_space<vmem>>) target(%dma_start3A_191 : memref<10240x64xf32, #tpu.memory_space<vmem_shared>>) offsets(%dma_start3A_188 : memref<128xi32, #tpu.memory_space<vmem>>) semaphore(%arg15 : memref<!tpu.dma_semaphore, #tpu.memory_space<semaphore_mem>>) {add = true}
      %add3A_192 = arith.constant 1 : i32
      %add3A_193 = arith.addi %add3A_179, %add3A_192 : i32
      %lt3A_194 = arith.constant 80 : i32
      %lt3A_195 = arith.cmpi slt, %add3A_193, %lt3A_194 : i32
      %convert_element_type3A_196 = arith.extui %lt3A_195 : i1 to i32
      %cond3A_197 = arith.constant 0 : i32
      %cond3A_198 = arith.cmpi ne, %convert_element_type3A_196, %cond3A_197 : i32
      scf.if %cond3A_198 {
        %ge3A = arith.constant 1 : i32
        %ge3A_199 = arith.cmpi sge, %add3A_179, %ge3A : i32
        %convert_element_type3A_200 = arith.extui %ge3A_199 : i1 to i32
        %cond3A_201 = arith.constant 0 : i32
        %cond3A_202 = arith.cmpi ne, %convert_element_type3A_200, %cond3A_201 : i32
        scf.if %cond3A_202 {
          %dma_wait3A_211 = arith.constant 0 : i32
          %dma_wait3A_212 = tpu.memref_slice %arg7[%dma_wait3A_211] : memref<10240xi32, #tpu.memory_space<vmem>> -> memref<128xi32, #tpu.memory_space<vmem>>
          %dma_wait3A_213 = arith.constant 0 : i32
          %dma_wait3A_214 = arith.constant 0 : i32
          %dma_wait3A_215 = tpu.memref_slice %arg11[%dma_wait3A_213, %dma_wait3A_214] : memref<10240x64xf32, #tpu.memory_space<vmem_shared>> -> memref<10240x64xf32, #tpu.memory_space<vmem_shared>>
          tpu.wait_indirect_dma semaphore(%arg14 : memref<!tpu.dma_semaphore, #tpu.memory_space<semaphore_mem>>) src(%arg8 : memref<128x64xf32, #tpu.memory_space<vmem>>) dst(%dma_wait3A_215 : memref<10240x64xf32, #tpu.memory_space<vmem_shared>>)
        } else {
        }
        %add3A_203 = arith.constant 1 : i32
        %add3A_204 = arith.addi %add3A_179, %add3A_203 : i32
        %mul3A_205 = arith.constant 128 : i32
        %mul3A_206 = arith.muli %add3A_204, %mul3A_205 : i32
        %dma_start3A_207 = tpu.memref_slice %arg6[%mul3A_206] : memref<10240xi32, #tpu.memory_space<vmem>> -> memref<128xi32, #tpu.memory_space<vmem>>
        %dma_start3A_208 = arith.constant 0 : i32
        %dma_start3A_209 = arith.constant 0 : i32
        %dma_start3A_210 = tpu.memref_slice %arg10[%dma_start3A_208, %dma_start3A_209] : memref<10000x64xf32, #tpu.memory_space<vmem_shared>> -> memref<10000x64xf32, #tpu.memory_space<vmem_shared>>
        tpu.enqueue_indirect_dma source(%dma_start3A_210 : memref<10000x64xf32, #tpu.memory_space<vmem_shared>>) target(%arg8 : memref<128x64xf32, #tpu.memory_space<vmem>>) offsets(%dma_start3A_207 : memref<128xi32, #tpu.memory_space<vmem>>) semaphore(%arg12 : memref<!tpu.dma_semaphore, #tpu.memory_space<semaphore_mem>>)
      } else {
      }
    }
    %scan3A_140 = arith.constant 40 : i32
    %dma_wait3A = arith.constant 0 : i32
    %dma_wait3A_141 = tpu.memref_slice %arg7[%dma_wait3A] : memref<10240xi32, #tpu.memory_space<vmem>> -> memref<128xi32, #tpu.memory_space<vmem>>
    %dma_wait3A_142 = arith.constant 0 : i32
    %dma_wait3A_143 = arith.constant 0 : i32
    %dma_wait3A_144 = tpu.memref_slice %arg11[%dma_wait3A_142, %dma_wait3A_143] : memref<10240x64xf32, #tpu.memory_space<vmem_shared>> -> memref<10240x64xf32, #tpu.memory_space<vmem_shared>>
    tpu.wait_indirect_dma semaphore(%arg14 : memref<!tpu.dma_semaphore, #tpu.memory_space<semaphore_mem>>) src(%arg8 : memref<128x64xf32, #tpu.memory_space<vmem>>) dst(%dma_wait3A_144 : memref<10240x64xf32, #tpu.memory_space<vmem_shared>>)
    %dma_wait3A_145 = arith.constant 0 : i32
    %dma_wait3A_146 = tpu.memref_slice %arg7[%dma_wait3A_145] : memref<10240xi32, #tpu.memory_space<vmem>> -> memref<128xi32, #tpu.memory_space<vmem>>
    %dma_wait3A_147 = arith.constant 0 : i32
    %dma_wait3A_148 = arith.constant 0 : i32
    %dma_wait3A_149 = tpu.memref_slice %arg11[%dma_wait3A_147, %dma_wait3A_148] : memref<10240x64xf32, #tpu.memory_space<vmem_shared>> -> memref<10240x64xf32, #tpu.memory_space<vmem_shared>>
    tpu.wait_indirect_dma semaphore(%arg15 : memref<!tpu.dma_semaphore, #tpu.memory_space<semaphore_mem>>) src(%arg9 : memref<128x64xf32, #tpu.memory_space<vmem>>) dst(%dma_wait3A_149 : memref<10240x64xf32, #tpu.memory_space<vmem_shared>>)
    %barrier3A_150 = arith.constant 0 : index
    tpu.barrier barrier_id(%barrier3A_150)
    %mul3A_151 = arith.constant 640 : i32
    %mul3A_152 = arith.muli %arg1, %mul3A_151 : i32
    %mul3A_153 = arith.constant 640 : i32
    %mul3A_154 = arith.muli %arg1, %mul3A_153 : i32
    "tpu.region"() ({
      %run_scoped3A_155 = tpu.sem_alloc : memref<!tpu.dma_semaphore, #tpu.memory_space<semaphore_mem>>
      %dma_start3A_156 = arith.constant 0 : i32
      %dma_start3A_157 = tpu.memref_slice %arg5[%arg0, %mul3A_154, %dma_start3A_156] : memref<2x10240x64xf32, #tpu.memory_space<hbm>> -> memref<1x640x64xf32, #tpu.memory_space<hbm>>
      %dma_start3A_158 = tpu.memref_squeeze %dma_start3A_157 : memref<1x640x64xf32, #tpu.memory_space<hbm>> -> memref<640x64xf32, #tpu.memory_space<hbm>>
      %dma_start3A_159 = arith.constant 0 : i32
      %dma_start3A_160 = tpu.memref_slice %arg11[%mul3A_152, %dma_start3A_159] : memref<10240x64xf32, #tpu.memory_space<vmem_shared>> -> memref<640x64xf32, #tpu.memory_space<vmem_shared>>
      tpu.enqueue_dma source(%dma_start3A_160 : memref<640x64xf32, #tpu.memory_space<vmem_shared>>) target(%dma_start3A_158 : memref<640x64xf32, #tpu.memory_space<hbm>>) target_semaphore(%run_scoped3A_155 : memref<!tpu.dma_semaphore, #tpu.memory_space<semaphore_mem>>)
      %dma_wait3A_161 = arith.constant 0 : i32
      %dma_wait3A_162 = tpu.memref_slice %arg5[%arg0, %mul3A_154, %dma_wait3A_161] : memref<2x10240x64xf32, #tpu.memory_space<hbm>> -> memref<1x640x64xf32, #tpu.memory_space<hbm>>
      %dma_wait3A_163 = tpu.memref_squeeze %dma_wait3A_162 : memref<1x640x64xf32, #tpu.memory_space<hbm>> -> memref<640x64xf32, #tpu.memory_space<hbm>>
      %dma_wait3A_164 = arith.constant 0 : i32
      %dma_wait3A_165 = tpu.memref_slice %arg11[%mul3A_152, %dma_wait3A_164] : memref<10240x64xf32, #tpu.memory_space<vmem_shared>> -> memref<640x64xf32, #tpu.memory_space<vmem_shared>>
      tpu.wait_dma2 semaphore(%run_scoped3A_155 : memref<!tpu.dma_semaphore, #tpu.memory_space<semaphore_mem>>) src(%dma_wait3A_165 : memref<640x64xf32, #tpu.memory_space<vmem_shared>>) dst(%dma_wait3A_163 : memref<640x64xf32, #tpu.memory_space<hbm>>)
      tpu.yield
    }) : () -> ()
    return
  }
}

#map = affine_map<(d0, d1) -> (0, 0)>
#map1 = affine_map<(d0, d1) -> (0, 0, 0)>
module attributes {stable_mosaic.version = 14 : i64} {
  func.func @deg_kernel(%arg0: i32, %arg1: i32, %arg2: memref<2x320000xi32, #tpu.memory_space<hbm>>, %arg3: memref<128x16xf32, #tpu.memory_space<hbm>>, %arg4: memref<640x16xf32, #tpu.memory_space<hbm>>, %arg5: memref<2x10240x16xf32, #tpu.memory_space<hbm>>, %arg6: memref<10240xi32, #tpu.memory_space<vmem>>, %arg7: memref<10240xi32, #tpu.memory_space<vmem>>, %arg8: memref<128x16xf32, #tpu.memory_space<vmem>>, %arg9: memref<10240x16xf32, #tpu.memory_space<vmem_shared>>, %arg10: memref<!tpu.dma_semaphore, #tpu.memory_space<semaphore_mem>>) attributes {dimension_semantics = [#tpu.dimension_semantics<core_parallel>, #tpu.dimension_semantics<subcore_parallel>], iteration_bounds = array<i64: 2, 16>, scalar_prefetch = 0 : i64, scratch_operands = 5 : i64, tpu.core_type = #tpu.core_type<sc_vector_subcore>, window_params = [{transform_indices = #map}, {transform_indices = #map}, {transform_indices = #map}, {transform_indices = #map1}]} {
    %mul3A = arith.constant 16 : i32
    %mul3A_0 = arith.muli %arg0, %mul3A : i32
    %add3A = arith.addi %mul3A_0, %arg1 : i32
    %mul3A_1 = arith.constant 10000 : i32
    %mul3A_2 = arith.muli %add3A, %mul3A_1 : i32
    %run_scoped3A = arith.constant 0 : i32
    "tpu.region"() ({
      %run_scoped3A_138 = tpu.sem_alloc : memref<!tpu.dma_semaphore, #tpu.memory_space<semaphore_mem>>
      %dma_start3A = arith.constant 0 : i32
      %dma_start3A_139 = tpu.memref_slice %arg6[%dma_start3A] : memref<10240xi32, #tpu.memory_space<vmem>> -> memref<10000xi32, #tpu.memory_space<vmem>>
      %dma_start3A_140 = tpu.memref_slice %arg2[%run_scoped3A, %mul3A_2] : memref<2x320000xi32, #tpu.memory_space<hbm>> -> memref<1x10000xi32, #tpu.memory_space<hbm>>
      %dma_start3A_141 = tpu.memref_squeeze %dma_start3A_140 : memref<1x10000xi32, #tpu.memory_space<hbm>> -> memref<10000xi32, #tpu.memory_space<hbm>>
      %dma_start3A_142 = arith.constant 0 : i32
      %dma_start3A_143 = tpu.memref_slice %arg6[%dma_start3A_142] : memref<10240xi32, #tpu.memory_space<vmem>> -> memref<10000xi32, #tpu.memory_space<vmem>>
      %dma_start3A_144 = tpu.memref_slice %arg2[%run_scoped3A, %mul3A_2] : memref<2x320000xi32, #tpu.memory_space<hbm>> -> memref<1x10000xi32, #tpu.memory_space<hbm>>
      %dma_start3A_145 = tpu.memref_squeeze %dma_start3A_144 : memref<1x10000xi32, #tpu.memory_space<hbm>> -> memref<10000xi32, #tpu.memory_space<hbm>>
      tpu.enqueue_dma source(%dma_start3A_145 : memref<10000xi32, #tpu.memory_space<hbm>>) target(%dma_start3A_143 : memref<10000xi32, #tpu.memory_space<vmem>>) target_semaphore(%run_scoped3A_138 : memref<!tpu.dma_semaphore, #tpu.memory_space<semaphore_mem>>)
      %dma_wait3A = arith.constant 0 : i32
      %dma_wait3A_146 = tpu.memref_slice %arg6[%dma_wait3A] : memref<10240xi32, #tpu.memory_space<vmem>> -> memref<10000xi32, #tpu.memory_space<vmem>>
      %dma_wait3A_147 = tpu.memref_slice %arg2[%run_scoped3A, %mul3A_2] : memref<2x320000xi32, #tpu.memory_space<hbm>> -> memref<1x10000xi32, #tpu.memory_space<hbm>>
      %dma_wait3A_148 = tpu.memref_squeeze %dma_wait3A_147 : memref<1x10000xi32, #tpu.memory_space<hbm>> -> memref<10000xi32, #tpu.memory_space<hbm>>
      %dma_wait3A_149 = arith.constant 0 : i32
      %dma_wait3A_150 = tpu.memref_slice %arg6[%dma_wait3A_149] : memref<10240xi32, #tpu.memory_space<vmem>> -> memref<10000xi32, #tpu.memory_space<vmem>>
      %dma_wait3A_151 = tpu.memref_slice %arg2[%run_scoped3A, %mul3A_2] : memref<2x320000xi32, #tpu.memory_space<hbm>> -> memref<1x10000xi32, #tpu.memory_space<hbm>>
      %dma_wait3A_152 = tpu.memref_squeeze %dma_wait3A_151 : memref<1x10000xi32, #tpu.memory_space<hbm>> -> memref<10000xi32, #tpu.memory_space<hbm>>
      tpu.wait_dma2 semaphore(%run_scoped3A_138 : memref<!tpu.dma_semaphore, #tpu.memory_space<semaphore_mem>>) src(%dma_wait3A_152 : memref<10000xi32, #tpu.memory_space<hbm>>) dst(%dma_wait3A_150 : memref<10000xi32, #tpu.memory_space<vmem>>)
      tpu.yield
    }) : () -> ()
    %run_scoped3A_3 = arith.constant 1 : i32
    "tpu.region"() ({
      %run_scoped3A_138 = tpu.sem_alloc : memref<!tpu.dma_semaphore, #tpu.memory_space<semaphore_mem>>
      %dma_start3A = arith.constant 0 : i32
      %dma_start3A_139 = tpu.memref_slice %arg7[%dma_start3A] : memref<10240xi32, #tpu.memory_space<vmem>> -> memref<10000xi32, #tpu.memory_space<vmem>>
      %dma_start3A_140 = tpu.memref_slice %arg2[%run_scoped3A_3, %mul3A_2] : memref<2x320000xi32, #tpu.memory_space<hbm>> -> memref<1x10000xi32, #tpu.memory_space<hbm>>
      %dma_start3A_141 = tpu.memref_squeeze %dma_start3A_140 : memref<1x10000xi32, #tpu.memory_space<hbm>> -> memref<10000xi32, #tpu.memory_space<hbm>>
      %dma_start3A_142 = arith.constant 0 : i32
      %dma_start3A_143 = tpu.memref_slice %arg7[%dma_start3A_142] : memref<10240xi32, #tpu.memory_space<vmem>> -> memref<10000xi32, #tpu.memory_space<vmem>>
      %dma_start3A_144 = tpu.memref_slice %arg2[%run_scoped3A_3, %mul3A_2] : memref<2x320000xi32, #tpu.memory_space<hbm>> -> memref<1x10000xi32, #tpu.memory_space<hbm>>
      %dma_start3A_145 = tpu.memref_squeeze %dma_start3A_144 : memref<1x10000xi32, #tpu.memory_space<hbm>> -> memref<10000xi32, #tpu.memory_space<hbm>>
      tpu.enqueue_dma source(%dma_start3A_145 : memref<10000xi32, #tpu.memory_space<hbm>>) target(%dma_start3A_143 : memref<10000xi32, #tpu.memory_space<vmem>>) target_semaphore(%run_scoped3A_138 : memref<!tpu.dma_semaphore, #tpu.memory_space<semaphore_mem>>)
      %dma_wait3A = arith.constant 0 : i32
      %dma_wait3A_146 = tpu.memref_slice %arg7[%dma_wait3A] : memref<10240xi32, #tpu.memory_space<vmem>> -> memref<10000xi32, #tpu.memory_space<vmem>>
      %dma_wait3A_147 = tpu.memref_slice %arg2[%run_scoped3A_3, %mul3A_2] : memref<2x320000xi32, #tpu.memory_space<hbm>> -> memref<1x10000xi32, #tpu.memory_space<hbm>>
      %dma_wait3A_148 = tpu.memref_squeeze %dma_wait3A_147 : memref<1x10000xi32, #tpu.memory_space<hbm>> -> memref<10000xi32, #tpu.memory_space<hbm>>
      %dma_wait3A_149 = arith.constant 0 : i32
      %dma_wait3A_150 = tpu.memref_slice %arg7[%dma_wait3A_149] : memref<10240xi32, #tpu.memory_space<vmem>> -> memref<10000xi32, #tpu.memory_space<vmem>>
      %dma_wait3A_151 = tpu.memref_slice %arg2[%run_scoped3A_3, %mul3A_2] : memref<2x320000xi32, #tpu.memory_space<hbm>> -> memref<1x10000xi32, #tpu.memory_space<hbm>>
      %dma_wait3A_152 = tpu.memref_squeeze %dma_wait3A_151 : memref<1x10000xi32, #tpu.memory_space<hbm>> -> memref<10000xi32, #tpu.memory_space<hbm>>
      tpu.wait_dma2 semaphore(%run_scoped3A_138 : memref<!tpu.dma_semaphore, #tpu.memory_space<semaphore_mem>>) src(%dma_wait3A_152 : memref<10000xi32, #tpu.memory_space<hbm>>) dst(%dma_wait3A_150 : memref<10000xi32, #tpu.memory_space<vmem>>)
      tpu.yield
    }) : () -> ()
    %broadcast_in_dim3A = arith.constant 0 : i32
    %broadcast_in_dim3A_4 = vector.broadcast %broadcast_in_dim3A : i32 to vector<16xi32>
    %broadcast_in_dim3A_5 = arith.constant 10000 : i32
    %broadcast_in_dim3A_6 = vector.broadcast %broadcast_in_dim3A_5 : i32 to vector<16xi32>
    %swap3A = arith.constant 10000 : index
    %swap3A_7 = tpu.vector_load %arg6[%swap3A] {strides = array<i32>} : memref<10240xi32, #tpu.memory_space<vmem>>, vector<16xi32>,
    %swap3A_8 = vector.shape_cast %swap3A_7 : vector<16xi32> to vector<16xi32>
    %swap3A_9 = vector.shape_cast %broadcast_in_dim3A_4 : vector<16xi32> to vector<16xi32>
    tpu.vector_store %arg6[%swap3A], %swap3A_9 {strides = array<i32>} : memref<10240xi32, #tpu.memory_space<vmem>>, vector<16xi32>,
    %swap3A_10 = arith.constant 10000 : index
    %swap3A_11 = tpu.vector_load %arg7[%swap3A_10] {strides = array<i32>} : memref<10240xi32, #tpu.memory_space<vmem>>, vector<16xi32>,
    %swap3A_12 = vector.shape_cast %swap3A_11 : vector<16xi32> to vector<16xi32>
    %swap3A_13 = vector.shape_cast %broadcast_in_dim3A_6 : vector<16xi32> to vector<16xi32>
    tpu.vector_store %arg7[%swap3A_10], %swap3A_13 {strides = array<i32>} : memref<10240xi32, #tpu.memory_space<vmem>>, vector<16xi32>,
    %swap3A_14 = arith.constant 10016 : index
    %swap3A_15 = tpu.vector_load %arg6[%swap3A_14] {strides = array<i32>} : memref<10240xi32, #tpu.memory_space<vmem>>, vector<16xi32>,
    %swap3A_16 = vector.shape_cast %swap3A_15 : vector<16xi32> to vector<16xi32>
    %swap3A_17 = vector.shape_cast %broadcast_in_dim3A_4 : vector<16xi32> to vector<16xi32>
    tpu.vector_store %arg6[%swap3A_14], %swap3A_17 {strides = array<i32>} : memref<10240xi32, #tpu.memory_space<vmem>>, vector<16xi32>,
    %swap3A_18 = arith.constant 10016 : index
    %swap3A_19 = tpu.vector_load %arg7[%swap3A_18] {strides = array<i32>} : memref<10240xi32, #tpu.memory_space<vmem>>, vector<16xi32>,
    %swap3A_20 = vector.shape_cast %swap3A_19 : vector<16xi32> to vector<16xi32>
    %swap3A_21 = vector.shape_cast %broadcast_in_dim3A_6 : vector<16xi32> to vector<16xi32>
    tpu.vector_store %arg7[%swap3A_18], %swap3A_21 {strides = array<i32>} : memref<10240xi32, #tpu.memory_space<vmem>>, vector<16xi32>,
    %swap3A_22 = arith.constant 10032 : index
    %swap3A_23 = tpu.vector_load %arg6[%swap3A_22] {strides = array<i32>} : memref<10240xi32, #tpu.memory_space<vmem>>, vector<16xi32>,
    %swap3A_24 = vector.shape_cast %swap3A_23 : vector<16xi32> to vector<16xi32>
    %swap3A_25 = vector.shape_cast %broadcast_in_dim3A_4 : vector<16xi32> to vector<16xi32>
    tpu.vector_store %arg6[%swap3A_22], %swap3A_25 {strides = array<i32>} : memref<10240xi32, #tpu.memory_space<vmem>>, vector<16xi32>,
    %swap3A_26 = arith.constant 10032 : index
    %swap3A_27 = tpu.vector_load %arg7[%swap3A_26] {strides = array<i32>} : memref<10240xi32, #tpu.memory_space<vmem>>, vector<16xi32>,
    %swap3A_28 = vector.shape_cast %swap3A_27 : vector<16xi32> to vector<16xi32>
    %swap3A_29 = vector.shape_cast %broadcast_in_dim3A_6 : vector<16xi32> to vector<16xi32>
    tpu.vector_store %arg7[%swap3A_26], %swap3A_29 {strides = array<i32>} : memref<10240xi32, #tpu.memory_space<vmem>>, vector<16xi32>,
    %swap3A_30 = arith.constant 10048 : index
    %swap3A_31 = tpu.vector_load %arg6[%swap3A_30] {strides = array<i32>} : memref<10240xi32, #tpu.memory_space<vmem>>, vector<16xi32>,
    %swap3A_32 = vector.shape_cast %swap3A_31 : vector<16xi32> to vector<16xi32>
    %swap3A_33 = vector.shape_cast %broadcast_in_dim3A_4 : vector<16xi32> to vector<16xi32>
    tpu.vector_store %arg6[%swap3A_30], %swap3A_33 {strides = array<i32>} : memref<10240xi32, #tpu.memory_space<vmem>>, vector<16xi32>,
    %swap3A_34 = arith.constant 10048 : index
    %swap3A_35 = tpu.vector_load %arg7[%swap3A_34] {strides = array<i32>} : memref<10240xi32, #tpu.memory_space<vmem>>, vector<16xi32>,
    %swap3A_36 = vector.shape_cast %swap3A_35 : vector<16xi32> to vector<16xi32>
    %swap3A_37 = vector.shape_cast %broadcast_in_dim3A_6 : vector<16xi32> to vector<16xi32>
    tpu.vector_store %arg7[%swap3A_34], %swap3A_37 {strides = array<i32>} : memref<10240xi32, #tpu.memory_space<vmem>>, vector<16xi32>,
    %swap3A_38 = arith.constant 10064 : index
    %swap3A_39 = tpu.vector_load %arg6[%swap3A_38] {strides = array<i32>} : memref<10240xi32, #tpu.memory_space<vmem>>, vector<16xi32>,
    %swap3A_40 = vector.shape_cast %swap3A_39 : vector<16xi32> to vector<16xi32>
    %swap3A_41 = vector.shape_cast %broadcast_in_dim3A_4 : vector<16xi32> to vector<16xi32>
    tpu.vector_store %arg6[%swap3A_38], %swap3A_41 {strides = array<i32>} : memref<10240xi32, #tpu.memory_space<vmem>>, vector<16xi32>,
    %swap3A_42 = arith.constant 10064 : index
    %swap3A_43 = tpu.vector_load %arg7[%swap3A_42] {strides = array<i32>} : memref<10240xi32, #tpu.memory_space<vmem>>, vector<16xi32>,
    %swap3A_44 = vector.shape_cast %swap3A_43 : vector<16xi32> to vector<16xi32>
    %swap3A_45 = vector.shape_cast %broadcast_in_dim3A_6 : vector<16xi32> to vector<16xi32>
    tpu.vector_store %arg7[%swap3A_42], %swap3A_45 {strides = array<i32>} : memref<10240xi32, #tpu.memory_space<vmem>>, vector<16xi32>,
    %swap3A_46 = arith.constant 10080 : index
    %swap3A_47 = tpu.vector_load %arg6[%swap3A_46] {strides = array<i32>} : memref<10240xi32, #tpu.memory_space<vmem>>, vector<16xi32>,
    %swap3A_48 = vector.shape_cast %swap3A_47 : vector<16xi32> to vector<16xi32>
    %swap3A_49 = vector.shape_cast %broadcast_in_dim3A_4 : vector<16xi32> to vector<16xi32>
    tpu.vector_store %arg6[%swap3A_46], %swap3A_49 {strides = array<i32>} : memref<10240xi32, #tpu.memory_space<vmem>>, vector<16xi32>,
    %swap3A_50 = arith.constant 10080 : index
    %swap3A_51 = tpu.vector_load %arg7[%swap3A_50] {strides = array<i32>} : memref<10240xi32, #tpu.memory_space<vmem>>, vector<16xi32>,
    %swap3A_52 = vector.shape_cast %swap3A_51 : vector<16xi32> to vector<16xi32>
    %swap3A_53 = vector.shape_cast %broadcast_in_dim3A_6 : vector<16xi32> to vector<16xi32>
    tpu.vector_store %arg7[%swap3A_50], %swap3A_53 {strides = array<i32>} : memref<10240xi32, #tpu.memory_space<vmem>>, vector<16xi32>,
    %swap3A_54 = arith.constant 10096 : index
    %swap3A_55 = tpu.vector_load %arg6[%swap3A_54] {strides = array<i32>} : memref<10240xi32, #tpu.memory_space<vmem>>, vector<16xi32>,
    %swap3A_56 = vector.shape_cast %swap3A_55 : vector<16xi32> to vector<16xi32>
    %swap3A_57 = vector.shape_cast %broadcast_in_dim3A_4 : vector<16xi32> to vector<16xi32>
    tpu.vector_store %arg6[%swap3A_54], %swap3A_57 {strides = array<i32>} : memref<10240xi32, #tpu.memory_space<vmem>>, vector<16xi32>,
    %swap3A_58 = arith.constant 10096 : index
    %swap3A_59 = tpu.vector_load %arg7[%swap3A_58] {strides = array<i32>} : memref<10240xi32, #tpu.memory_space<vmem>>, vector<16xi32>,
    %swap3A_60 = vector.shape_cast %swap3A_59 : vector<16xi32> to vector<16xi32>
    %swap3A_61 = vector.shape_cast %broadcast_in_dim3A_6 : vector<16xi32> to vector<16xi32>
    tpu.vector_store %arg7[%swap3A_58], %swap3A_61 {strides = array<i32>} : memref<10240xi32, #tpu.memory_space<vmem>>, vector<16xi32>,
    %swap3A_62 = arith.constant 10112 : index
    %swap3A_63 = tpu.vector_load %arg6[%swap3A_62] {strides = array<i32>} : memref<10240xi32, #tpu.memory_space<vmem>>, vector<16xi32>,
    %swap3A_64 = vector.shape_cast %swap3A_63 : vector<16xi32> to vector<16xi32>
    %swap3A_65 = vector.shape_cast %broadcast_in_dim3A_4 : vector<16xi32> to vector<16xi32>
    tpu.vector_store %arg6[%swap3A_62], %swap3A_65 {strides = array<i32>} : memref<10240xi32, #tpu.memory_space<vmem>>, vector<16xi32>,
    %swap3A_66 = arith.constant 10112 : index
    %swap3A_67 = tpu.vector_load %arg7[%swap3A_66] {strides = array<i32>} : memref<10240xi32, #tpu.memory_space<vmem>>, vector<16xi32>,
    %swap3A_68 = vector.shape_cast %swap3A_67 : vector<16xi32> to vector<16xi32>
    %swap3A_69 = vector.shape_cast %broadcast_in_dim3A_6 : vector<16xi32> to vector<16xi32>
    tpu.vector_store %arg7[%swap3A_66], %swap3A_69 {strides = array<i32>} : memref<10240xi32, #tpu.memory_space<vmem>>, vector<16xi32>,
    %swap3A_70 = arith.constant 10128 : index
    %swap3A_71 = tpu.vector_load %arg6[%swap3A_70] {strides = array<i32>} : memref<10240xi32, #tpu.memory_space<vmem>>, vector<16xi32>,
    %swap3A_72 = vector.shape_cast %swap3A_71 : vector<16xi32> to vector<16xi32>
    %swap3A_73 = vector.shape_cast %broadcast_in_dim3A_4 : vector<16xi32> to vector<16xi32>
    tpu.vector_store %arg6[%swap3A_70], %swap3A_73 {strides = array<i32>} : memref<10240xi32, #tpu.memory_space<vmem>>, vector<16xi32>,
    %swap3A_74 = arith.constant 10128 : index
    %swap3A_75 = tpu.vector_load %arg7[%swap3A_74] {strides = array<i32>} : memref<10240xi32, #tpu.memory_space<vmem>>, vector<16xi32>,
    %swap3A_76 = vector.shape_cast %swap3A_75 : vector<16xi32> to vector<16xi32>
    %swap3A_77 = vector.shape_cast %broadcast_in_dim3A_6 : vector<16xi32> to vector<16xi32>
    tpu.vector_store %arg7[%swap3A_74], %swap3A_77 {strides = array<i32>} : memref<10240xi32, #tpu.memory_space<vmem>>, vector<16xi32>,
    %swap3A_78 = arith.constant 10144 : index
    %swap3A_79 = tpu.vector_load %arg6[%swap3A_78] {strides = array<i32>} : memref<10240xi32, #tpu.memory_space<vmem>>, vector<16xi32>,
    %swap3A_80 = vector.shape_cast %swap3A_79 : vector<16xi32> to vector<16xi32>
    %swap3A_81 = vector.shape_cast %broadcast_in_dim3A_4 : vector<16xi32> to vector<16xi32>
    tpu.vector_store %arg6[%swap3A_78], %swap3A_81 {strides = array<i32>} : memref<10240xi32, #tpu.memory_space<vmem>>, vector<16xi32>,
    %swap3A_82 = arith.constant 10144 : index
    %swap3A_83 = tpu.vector_load %arg7[%swap3A_82] {strides = array<i32>} : memref<10240xi32, #tpu.memory_space<vmem>>, vector<16xi32>,
    %swap3A_84 = vector.shape_cast %swap3A_83 : vector<16xi32> to vector<16xi32>
    %swap3A_85 = vector.shape_cast %broadcast_in_dim3A_6 : vector<16xi32> to vector<16xi32>
    tpu.vector_store %arg7[%swap3A_82], %swap3A_85 {strides = array<i32>} : memref<10240xi32, #tpu.memory_space<vmem>>, vector<16xi32>,
    %swap3A_86 = arith.constant 10160 : index
    %swap3A_87 = tpu.vector_load %arg6[%swap3A_86] {strides = array<i32>} : memref<10240xi32, #tpu.memory_space<vmem>>, vector<16xi32>,
    %swap3A_88 = vector.shape_cast %swap3A_87 : vector<16xi32> to vector<16xi32>
    %swap3A_89 = vector.shape_cast %broadcast_in_dim3A_4 : vector<16xi32> to vector<16xi32>
    tpu.vector_store %arg6[%swap3A_86], %swap3A_89 {strides = array<i32>} : memref<10240xi32, #tpu.memory_space<vmem>>, vector<16xi32>,
    %swap3A_90 = arith.constant 10160 : index
    %swap3A_91 = tpu.vector_load %arg7[%swap3A_90] {strides = array<i32>} : memref<10240xi32, #tpu.memory_space<vmem>>, vector<16xi32>,
    %swap3A_92 = vector.shape_cast %swap3A_91 : vector<16xi32> to vector<16xi32>
    %swap3A_93 = vector.shape_cast %broadcast_in_dim3A_6 : vector<16xi32> to vector<16xi32>
    tpu.vector_store %arg7[%swap3A_90], %swap3A_93 {strides = array<i32>} : memref<10240xi32, #tpu.memory_space<vmem>>, vector<16xi32>,
    %swap3A_94 = arith.constant 10176 : index
    %swap3A_95 = tpu.vector_load %arg6[%swap3A_94] {strides = array<i32>} : memref<10240xi32, #tpu.memory_space<vmem>>, vector<16xi32>,
    %swap3A_96 = vector.shape_cast %swap3A_95 : vector<16xi32> to vector<16xi32>
    %swap3A_97 = vector.shape_cast %broadcast_in_dim3A_4 : vector<16xi32> to vector<16xi32>
    tpu.vector_store %arg6[%swap3A_94], %swap3A_97 {strides = array<i32>} : memref<10240xi32, #tpu.memory_space<vmem>>, vector<16xi32>,
    %swap3A_98 = arith.constant 10176 : index
    %swap3A_99 = tpu.vector_load %arg7[%swap3A_98] {strides = array<i32>} : memref<10240xi32, #tpu.memory_space<vmem>>, vector<16xi32>,
    %swap3A_100 = vector.shape_cast %swap3A_99 : vector<16xi32> to vector<16xi32>
    %swap3A_101 = vector.shape_cast %broadcast_in_dim3A_6 : vector<16xi32> to vector<16xi32>
    tpu.vector_store %arg7[%swap3A_98], %swap3A_101 {strides = array<i32>} : memref<10240xi32, #tpu.memory_space<vmem>>, vector<16xi32>,
    %swap3A_102 = arith.constant 10192 : index
    %swap3A_103 = tpu.vector_load %arg6[%swap3A_102] {strides = array<i32>} : memref<10240xi32, #tpu.memory_space<vmem>>, vector<16xi32>,
    %swap3A_104 = vector.shape_cast %swap3A_103 : vector<16xi32> to vector<16xi32>
    %swap3A_105 = vector.shape_cast %broadcast_in_dim3A_4 : vector<16xi32> to vector<16xi32>
    tpu.vector_store %arg6[%swap3A_102], %swap3A_105 {strides = array<i32>} : memref<10240xi32, #tpu.memory_space<vmem>>, vector<16xi32>,
    %swap3A_106 = arith.constant 10192 : index
    %swap3A_107 = tpu.vector_load %arg7[%swap3A_106] {strides = array<i32>} : memref<10240xi32, #tpu.memory_space<vmem>>, vector<16xi32>,
    %swap3A_108 = vector.shape_cast %swap3A_107 : vector<16xi32> to vector<16xi32>
    %swap3A_109 = vector.shape_cast %broadcast_in_dim3A_6 : vector<16xi32> to vector<16xi32>
    tpu.vector_store %arg7[%swap3A_106], %swap3A_109 {strides = array<i32>} : memref<10240xi32, #tpu.memory_space<vmem>>, vector<16xi32>,
    %swap3A_110 = arith.constant 10208 : index
    %swap3A_111 = tpu.vector_load %arg6[%swap3A_110] {strides = array<i32>} : memref<10240xi32, #tpu.memory_space<vmem>>, vector<16xi32>,
    %swap3A_112 = vector.shape_cast %swap3A_111 : vector<16xi32> to vector<16xi32>
    %swap3A_113 = vector.shape_cast %broadcast_in_dim3A_4 : vector<16xi32> to vector<16xi32>
    tpu.vector_store %arg6[%swap3A_110], %swap3A_113 {strides = array<i32>} : memref<10240xi32, #tpu.memory_space<vmem>>, vector<16xi32>,
    %swap3A_114 = arith.constant 10208 : index
    %swap3A_115 = tpu.vector_load %arg7[%swap3A_114] {strides = array<i32>} : memref<10240xi32, #tpu.memory_space<vmem>>, vector<16xi32>,
    %swap3A_116 = vector.shape_cast %swap3A_115 : vector<16xi32> to vector<16xi32>
    %swap3A_117 = vector.shape_cast %broadcast_in_dim3A_6 : vector<16xi32> to vector<16xi32>
    tpu.vector_store %arg7[%swap3A_114], %swap3A_117 {strides = array<i32>} : memref<10240xi32, #tpu.memory_space<vmem>>, vector<16xi32>,
    %swap3A_118 = arith.constant 10224 : index
    %swap3A_119 = tpu.vector_load %arg6[%swap3A_118] {strides = array<i32>} : memref<10240xi32, #tpu.memory_space<vmem>>, vector<16xi32>,
    %swap3A_120 = vector.shape_cast %swap3A_119 : vector<16xi32> to vector<16xi32>
    %swap3A_121 = vector.shape_cast %broadcast_in_dim3A_4 : vector<16xi32> to vector<16xi32>
    tpu.vector_store %arg6[%swap3A_118], %swap3A_121 {strides = array<i32>} : memref<10240xi32, #tpu.memory_space<vmem>>, vector<16xi32>,
    %swap3A_122 = arith.constant 10224 : index
    %swap3A_123 = tpu.vector_load %arg7[%swap3A_122] {strides = array<i32>} : memref<10240xi32, #tpu.memory_space<vmem>>, vector<16xi32>,
    %swap3A_124 = vector.shape_cast %swap3A_123 : vector<16xi32> to vector<16xi32>
    %swap3A_125 = vector.shape_cast %broadcast_in_dim3A_6 : vector<16xi32> to vector<16xi32>
    tpu.vector_store %arg7[%swap3A_122], %swap3A_125 {strides = array<i32>} : memref<10240xi32, #tpu.memory_space<vmem>>, vector<16xi32>,
    "tpu.region"() ({
      %run_scoped3A_138 = tpu.sem_alloc : memref<!tpu.dma_semaphore, #tpu.memory_space<semaphore_mem>>
      tpu.enqueue_dma source(%arg3 : memref<128x16xf32, #tpu.memory_space<hbm>>) target(%arg8 : memref<128x16xf32, #tpu.memory_space<vmem>>) target_semaphore(%run_scoped3A_138 : memref<!tpu.dma_semaphore, #tpu.memory_space<semaphore_mem>>)
      tpu.wait_dma2 semaphore(%run_scoped3A_138 : memref<!tpu.dma_semaphore, #tpu.memory_space<semaphore_mem>>) src(%arg3 : memref<128x16xf32, #tpu.memory_space<hbm>>) dst(%arg8 : memref<128x16xf32, #tpu.memory_space<vmem>>)
      tpu.yield
    }) : () -> ()
    %mul3A_126 = arith.constant 640 : i32
    %mul3A_127 = arith.muli %arg1, %mul3A_126 : i32
    "tpu.region"() ({
      %run_scoped3A_138 = tpu.sem_alloc : memref<!tpu.dma_semaphore, #tpu.memory_space<semaphore_mem>>
      %dma_start3A = arith.constant 0 : i32
      %dma_start3A_139 = tpu.memref_slice %arg9[%mul3A_127, %dma_start3A] : memref<10240x16xf32, #tpu.memory_space<vmem_shared>> -> memref<640x16xf32, #tpu.memory_space<vmem_shared>>
      tpu.enqueue_dma source(%arg4 : memref<640x16xf32, #tpu.memory_space<hbm>>) target(%dma_start3A_139 : memref<640x16xf32, #tpu.memory_space<vmem_shared>>) target_semaphore(%run_scoped3A_138 : memref<!tpu.dma_semaphore, #tpu.memory_space<semaphore_mem>>)
      %dma_wait3A = arith.constant 0 : i32
      %dma_wait3A_140 = tpu.memref_slice %arg9[%mul3A_127, %dma_wait3A] : memref<10240x16xf32, #tpu.memory_space<vmem_shared>> -> memref<640x16xf32, #tpu.memory_space<vmem_shared>>
      tpu.wait_dma2 semaphore(%run_scoped3A_138 : memref<!tpu.dma_semaphore, #tpu.memory_space<semaphore_mem>>) src(%arg4 : memref<640x16xf32, #tpu.memory_space<hbm>>) dst(%dma_wait3A_140 : memref<640x16xf32, #tpu.memory_space<vmem_shared>>)
      tpu.yield
    }) : () -> ()
    %barrier3A = arith.constant 0 : index
    tpu.barrier barrier_id(%barrier3A)
    %scan3A = arith.constant 0 : i32
    %scan3A_128 = arith.constant 0 : i32
    %scan3A_129 = arith.constant 10 : i32
    %scan3A_130 = arith.addi %scan3A_128, %scan3A_129 : i32
    %scan3A_131 = arith.constant 1 : i32
    scf.for %scan3A_138 = %scan3A_128 to %scan3A_130 step %scan3A_131  : i32 {
      %mul3A_139 = arith.constant 8 : i32
      %mul3A_140 = arith.muli %scan3A_138, %mul3A_139 : i32
      %add3A_141 = arith.constant 0 : i32
      %add3A_142 = arith.addi %mul3A_140, %add3A_141 : i32
      %mul3A_143 = arith.constant 128 : i32
      %mul3A_144 = arith.muli %add3A_142, %mul3A_143 : i32
      %dma_start3A = tpu.memref_slice %arg7[%mul3A_144] : memref<10240xi32, #tpu.memory_space<vmem>> -> memref<128xi32, #tpu.memory_space<vmem>>
      %dma_start3A_145 = arith.constant 0 : i32
      %dma_start3A_146 = arith.constant 0 : i32
      %dma_start3A_147 = tpu.memref_slice %arg9[%dma_start3A_145, %dma_start3A_146] : memref<10240x16xf32, #tpu.memory_space<vmem_shared>> -> memref<10240x16xf32, #tpu.memory_space<vmem_shared>>
      tpu.enqueue_indirect_dma source(%arg8 : memref<128x16xf32, #tpu.memory_space<vmem>>) target(%dma_start3A_147 : memref<10240x16xf32, #tpu.memory_space<vmem_shared>>) offsets(%dma_start3A : memref<128xi32, #tpu.memory_space<vmem>>) semaphore(%arg10 : memref<!tpu.dma_semaphore, #tpu.memory_space<semaphore_mem>>) {add = true}
      %mul3A_148 = arith.constant 8 : i32
      %mul3A_149 = arith.muli %scan3A_138, %mul3A_148 : i32
      %add3A_150 = arith.constant 1 : i32
      %add3A_151 = arith.addi %mul3A_149, %add3A_150 : i32
      %mul3A_152 = arith.constant 128 : i32
      %mul3A_153 = arith.muli %add3A_151, %mul3A_152 : i32
      %dma_start3A_154 = tpu.memref_slice %arg7[%mul3A_153] : memref<10240xi32, #tpu.memory_space<vmem>> -> memref<128xi32, #tpu.memory_space<vmem>>
      %dma_start3A_155 = arith.constant 0 : i32
      %dma_start3A_156 = arith.constant 0 : i32
      %dma_start3A_157 = tpu.memref_slice %arg9[%dma_start3A_155, %dma_start3A_156] : memref<10240x16xf32, #tpu.memory_space<vmem_shared>> -> memref<10240x16xf32, #tpu.memory_space<vmem_shared>>
      tpu.enqueue_indirect_dma source(%arg8 : memref<128x16xf32, #tpu.memory_space<vmem>>) target(%dma_start3A_157 : memref<10240x16xf32, #tpu.memory_space<vmem_shared>>) offsets(%dma_start3A_154 : memref<128xi32, #tpu.memory_space<vmem>>) semaphore(%arg10 : memref<!tpu.dma_semaphore, #tpu.memory_space<semaphore_mem>>) {add = true}
      %mul3A_158 = arith.constant 8 : i32
      %mul3A_159 = arith.muli %scan3A_138, %mul3A_158 : i32
      %add3A_160 = arith.constant 2 : i32
      %add3A_161 = arith.addi %mul3A_159, %add3A_160 : i32
      %mul3A_162 = arith.constant 128 : i32
      %mul3A_163 = arith.muli %add3A_161, %mul3A_162 : i32
      %dma_start3A_164 = tpu.memref_slice %arg7[%mul3A_163] : memref<10240xi32, #tpu.memory_space<vmem>> -> memref<128xi32, #tpu.memory_space<vmem>>
      %dma_start3A_165 = arith.constant 0 : i32
      %dma_start3A_166 = arith.constant 0 : i32
      %dma_start3A_167 = tpu.memref_slice %arg9[%dma_start3A_165, %dma_start3A_166] : memref<10240x16xf32, #tpu.memory_space<vmem_shared>> -> memref<10240x16xf32, #tpu.memory_space<vmem_shared>>
      tpu.enqueue_indirect_dma source(%arg8 : memref<128x16xf32, #tpu.memory_space<vmem>>) target(%dma_start3A_167 : memref<10240x16xf32, #tpu.memory_space<vmem_shared>>) offsets(%dma_start3A_164 : memref<128xi32, #tpu.memory_space<vmem>>) semaphore(%arg10 : memref<!tpu.dma_semaphore, #tpu.memory_space<semaphore_mem>>) {add = true}
      %mul3A_168 = arith.constant 8 : i32
      %mul3A_169 = arith.muli %scan3A_138, %mul3A_168 : i32
      %add3A_170 = arith.constant 3 : i32
      %add3A_171 = arith.addi %mul3A_169, %add3A_170 : i32
      %mul3A_172 = arith.constant 128 : i32
      %mul3A_173 = arith.muli %add3A_171, %mul3A_172 : i32
      %dma_start3A_174 = tpu.memref_slice %arg7[%mul3A_173] : memref<10240xi32, #tpu.memory_space<vmem>> -> memref<128xi32, #tpu.memory_space<vmem>>
      %dma_start3A_175 = arith.constant 0 : i32
      %dma_start3A_176 = arith.constant 0 : i32
      %dma_start3A_177 = tpu.memref_slice %arg9[%dma_start3A_175, %dma_start3A_176] : memref<10240x16xf32, #tpu.memory_space<vmem_shared>> -> memref<10240x16xf32, #tpu.memory_space<vmem_shared>>
      tpu.enqueue_indirect_dma source(%arg8 : memref<128x16xf32, #tpu.memory_space<vmem>>) target(%dma_start3A_177 : memref<10240x16xf32, #tpu.memory_space<vmem_shared>>) offsets(%dma_start3A_174 : memref<128xi32, #tpu.memory_space<vmem>>) semaphore(%arg10 : memref<!tpu.dma_semaphore, #tpu.memory_space<semaphore_mem>>) {add = true}
      %mul3A_178 = arith.constant 8 : i32
      %mul3A_179 = arith.muli %scan3A_138, %mul3A_178 : i32
      %add3A_180 = arith.constant 4 : i32
      %add3A_181 = arith.addi %mul3A_179, %add3A_180 : i32
      %mul3A_182 = arith.constant 128 : i32
      %mul3A_183 = arith.muli %add3A_181, %mul3A_182 : i32
      %dma_start3A_184 = tpu.memref_slice %arg7[%mul3A_183] : memref<10240xi32, #tpu.memory_space<vmem>> -> memref<128xi32, #tpu.memory_space<vmem>>
      %dma_start3A_185 = arith.constant 0 : i32
      %dma_start3A_186 = arith.constant 0 : i32
      %dma_start3A_187 = tpu.memref_slice %arg9[%dma_start3A_185, %dma_start3A_186] : memref<10240x16xf32, #tpu.memory_space<vmem_shared>> -> memref<10240x16xf32, #tpu.memory_space<vmem_shared>>
      tpu.enqueue_indirect_dma source(%arg8 : memref<128x16xf32, #tpu.memory_space<vmem>>) target(%dma_start3A_187 : memref<10240x16xf32, #tpu.memory_space<vmem_shared>>) offsets(%dma_start3A_184 : memref<128xi32, #tpu.memory_space<vmem>>) semaphore(%arg10 : memref<!tpu.dma_semaphore, #tpu.memory_space<semaphore_mem>>) {add = true}
      %mul3A_188 = arith.constant 8 : i32
      %mul3A_189 = arith.muli %scan3A_138, %mul3A_188 : i32
      %add3A_190 = arith.constant 5 : i32
      %add3A_191 = arith.addi %mul3A_189, %add3A_190 : i32
      %mul3A_192 = arith.constant 128 : i32
      %mul3A_193 = arith.muli %add3A_191, %mul3A_192 : i32
      %dma_start3A_194 = tpu.memref_slice %arg7[%mul3A_193] : memref<10240xi32, #tpu.memory_space<vmem>> -> memref<128xi32, #tpu.memory_space<vmem>>
      %dma_start3A_195 = arith.constant 0 : i32
      %dma_start3A_196 = arith.constant 0 : i32
      %dma_start3A_197 = tpu.memref_slice %arg9[%dma_start3A_195, %dma_start3A_196] : memref<10240x16xf32, #tpu.memory_space<vmem_shared>> -> memref<10240x16xf32, #tpu.memory_space<vmem_shared>>
      tpu.enqueue_indirect_dma source(%arg8 : memref<128x16xf32, #tpu.memory_space<vmem>>) target(%dma_start3A_197 : memref<10240x16xf32, #tpu.memory_space<vmem_shared>>) offsets(%dma_start3A_194 : memref<128xi32, #tpu.memory_space<vmem>>) semaphore(%arg10 : memref<!tpu.dma_semaphore, #tpu.memory_space<semaphore_mem>>) {add = true}
      %mul3A_198 = arith.constant 8 : i32
      %mul3A_199 = arith.muli %scan3A_138, %mul3A_198 : i32
      %add3A_200 = arith.constant 6 : i32
      %add3A_201 = arith.addi %mul3A_199, %add3A_200 : i32
      %mul3A_202 = arith.constant 128 : i32
      %mul3A_203 = arith.muli %add3A_201, %mul3A_202 : i32
      %dma_start3A_204 = tpu.memref_slice %arg7[%mul3A_203] : memref<10240xi32, #tpu.memory_space<vmem>> -> memref<128xi32, #tpu.memory_space<vmem>>
      %dma_start3A_205 = arith.constant 0 : i32
      %dma_start3A_206 = arith.constant 0 : i32
      %dma_start3A_207 = tpu.memref_slice %arg9[%dma_start3A_205, %dma_start3A_206] : memref<10240x16xf32, #tpu.memory_space<vmem_shared>> -> memref<10240x16xf32, #tpu.memory_space<vmem_shared>>
      tpu.enqueue_indirect_dma source(%arg8 : memref<128x16xf32, #tpu.memory_space<vmem>>) target(%dma_start3A_207 : memref<10240x16xf32, #tpu.memory_space<vmem_shared>>) offsets(%dma_start3A_204 : memref<128xi32, #tpu.memory_space<vmem>>) semaphore(%arg10 : memref<!tpu.dma_semaphore, #tpu.memory_space<semaphore_mem>>) {add = true}
      %mul3A_208 = arith.constant 8 : i32
      %mul3A_209 = arith.muli %scan3A_138, %mul3A_208 : i32
      %add3A_210 = arith.constant 7 : i32
      %add3A_211 = arith.addi %mul3A_209, %add3A_210 : i32
      %mul3A_212 = arith.constant 128 : i32
      %mul3A_213 = arith.muli %add3A_211, %mul3A_212 : i32
      %dma_start3A_214 = tpu.memref_slice %arg7[%mul3A_213] : memref<10240xi32, #tpu.memory_space<vmem>> -> memref<128xi32, #tpu.memory_space<vmem>>
      %dma_start3A_215 = arith.constant 0 : i32
      %dma_start3A_216 = arith.constant 0 : i32
      %dma_start3A_217 = tpu.memref_slice %arg9[%dma_start3A_215, %dma_start3A_216] : memref<10240x16xf32, #tpu.memory_space<vmem_shared>> -> memref<10240x16xf32, #tpu.memory_space<vmem_shared>>
      tpu.enqueue_indirect_dma source(%arg8 : memref<128x16xf32, #tpu.memory_space<vmem>>) target(%dma_start3A_217 : memref<10240x16xf32, #tpu.memory_space<vmem_shared>>) offsets(%dma_start3A_214 : memref<128xi32, #tpu.memory_space<vmem>>) semaphore(%arg10 : memref<!tpu.dma_semaphore, #tpu.memory_space<semaphore_mem>>) {add = true}
      %mul3A_218 = arith.constant 8 : i32
      %mul3A_219 = arith.muli %scan3A_138, %mul3A_218 : i32
      %add3A_220 = arith.constant 0 : i32
      %add3A_221 = arith.addi %mul3A_219, %add3A_220 : i32
      %mul3A_222 = arith.constant 128 : i32
      %mul3A_223 = arith.muli %add3A_221, %mul3A_222 : i32
      %dma_wait3A = tpu.memref_slice %arg7[%mul3A_223] : memref<10240xi32, #tpu.memory_space<vmem>> -> memref<128xi32, #tpu.memory_space<vmem>>
      %dma_wait3A_224 = arith.constant 0 : i32
      %dma_wait3A_225 = arith.constant 0 : i32
      %dma_wait3A_226 = tpu.memref_slice %arg9[%dma_wait3A_224, %dma_wait3A_225] : memref<10240x16xf32, #tpu.memory_space<vmem_shared>> -> memref<10240x16xf32, #tpu.memory_space<vmem_shared>>
      tpu.wait_indirect_dma semaphore(%arg10 : memref<!tpu.dma_semaphore, #tpu.memory_space<semaphore_mem>>) src(%arg8 : memref<128x16xf32, #tpu.memory_space<vmem>>) dst(%dma_wait3A_226 : memref<10240x16xf32, #tpu.memory_space<vmem_shared>>)
      %mul3A_227 = arith.constant 8 : i32
      %mul3A_228 = arith.muli %scan3A_138, %mul3A_227 : i32
      %add3A_229 = arith.constant 1 : i32
      %add3A_230 = arith.addi %mul3A_228, %add3A_229 : i32
      %mul3A_231 = arith.constant 128 : i32
      %mul3A_232 = arith.muli %add3A_230, %mul3A_231 : i32
      %dma_wait3A_233 = tpu.memref_slice %arg7[%mul3A_232] : memref<10240xi32, #tpu.memory_space<vmem>> -> memref<128xi32, #tpu.memory_space<vmem>>
      %dma_wait3A_234 = arith.constant 0 : i32
      %dma_wait3A_235 = arith.constant 0 : i32
      %dma_wait3A_236 = tpu.memref_slice %arg9[%dma_wait3A_234, %dma_wait3A_235] : memref<10240x16xf32, #tpu.memory_space<vmem_shared>> -> memref<10240x16xf32, #tpu.memory_space<vmem_shared>>
      tpu.wait_indirect_dma semaphore(%arg10 : memref<!tpu.dma_semaphore, #tpu.memory_space<semaphore_mem>>) src(%arg8 : memref<128x16xf32, #tpu.memory_space<vmem>>) dst(%dma_wait3A_236 : memref<10240x16xf32, #tpu.memory_space<vmem_shared>>)
      %mul3A_237 = arith.constant 8 : i32
      %mul3A_238 = arith.muli %scan3A_138, %mul3A_237 : i32
      %add3A_239 = arith.constant 2 : i32
      %add3A_240 = arith.addi %mul3A_238, %add3A_239 : i32
      %mul3A_241 = arith.constant 128 : i32
      %mul3A_242 = arith.muli %add3A_240, %mul3A_241 : i32
      %dma_wait3A_243 = tpu.memref_slice %arg7[%mul3A_242] : memref<10240xi32, #tpu.memory_space<vmem>> -> memref<128xi32, #tpu.memory_space<vmem>>
      %dma_wait3A_244 = arith.constant 0 : i32
      %dma_wait3A_245 = arith.constant 0 : i32
      %dma_wait3A_246 = tpu.memref_slice %arg9[%dma_wait3A_244, %dma_wait3A_245] : memref<10240x16xf32, #tpu.memory_space<vmem_shared>> -> memref<10240x16xf32, #tpu.memory_space<vmem_shared>>
      tpu.wait_indirect_dma semaphore(%arg10 : memref<!tpu.dma_semaphore, #tpu.memory_space<semaphore_mem>>) src(%arg8 : memref<128x16xf32, #tpu.memory_space<vmem>>) dst(%dma_wait3A_246 : memref<10240x16xf32, #tpu.memory_space<vmem_shared>>)
      %mul3A_247 = arith.constant 8 : i32
      %mul3A_248 = arith.muli %scan3A_138, %mul3A_247 : i32
      %add3A_249 = arith.constant 3 : i32
      %add3A_250 = arith.addi %mul3A_248, %add3A_249 : i32
      %mul3A_251 = arith.constant 128 : i32
      %mul3A_252 = arith.muli %add3A_250, %mul3A_251 : i32
      %dma_wait3A_253 = tpu.memref_slice %arg7[%mul3A_252] : memref<10240xi32, #tpu.memory_space<vmem>> -> memref<128xi32, #tpu.memory_space<vmem>>
      %dma_wait3A_254 = arith.constant 0 : i32
      %dma_wait3A_255 = arith.constant 0 : i32
      %dma_wait3A_256 = tpu.memref_slice %arg9[%dma_wait3A_254, %dma_wait3A_255] : memref<10240x16xf32, #tpu.memory_space<vmem_shared>> -> memref<10240x16xf32, #tpu.memory_space<vmem_shared>>
      tpu.wait_indirect_dma semaphore(%arg10 : memref<!tpu.dma_semaphore, #tpu.memory_space<semaphore_mem>>) src(%arg8 : memref<128x16xf32, #tpu.memory_space<vmem>>) dst(%dma_wait3A_256 : memref<10240x16xf32, #tpu.memory_space<vmem_shared>>)
      %mul3A_257 = arith.constant 8 : i32
      %mul3A_258 = arith.muli %scan3A_138, %mul3A_257 : i32
      %add3A_259 = arith.constant 4 : i32
      %add3A_260 = arith.addi %mul3A_258, %add3A_259 : i32
      %mul3A_261 = arith.constant 128 : i32
      %mul3A_262 = arith.muli %add3A_260, %mul3A_261 : i32
      %dma_wait3A_263 = tpu.memref_slice %arg7[%mul3A_262] : memref<10240xi32, #tpu.memory_space<vmem>> -> memref<128xi32, #tpu.memory_space<vmem>>
      %dma_wait3A_264 = arith.constant 0 : i32
      %dma_wait3A_265 = arith.constant 0 : i32
      %dma_wait3A_266 = tpu.memref_slice %arg9[%dma_wait3A_264, %dma_wait3A_265] : memref<10240x16xf32, #tpu.memory_space<vmem_shared>> -> memref<10240x16xf32, #tpu.memory_space<vmem_shared>>
      tpu.wait_indirect_dma semaphore(%arg10 : memref<!tpu.dma_semaphore, #tpu.memory_space<semaphore_mem>>) src(%arg8 : memref<128x16xf32, #tpu.memory_space<vmem>>) dst(%dma_wait3A_266 : memref<10240x16xf32, #tpu.memory_space<vmem_shared>>)
      %mul3A_267 = arith.constant 8 : i32
      %mul3A_268 = arith.muli %scan3A_138, %mul3A_267 : i32
      %add3A_269 = arith.constant 5 : i32
      %add3A_270 = arith.addi %mul3A_268, %add3A_269 : i32
      %mul3A_271 = arith.constant 128 : i32
      %mul3A_272 = arith.muli %add3A_270, %mul3A_271 : i32
      %dma_wait3A_273 = tpu.memref_slice %arg7[%mul3A_272] : memref<10240xi32, #tpu.memory_space<vmem>> -> memref<128xi32, #tpu.memory_space<vmem>>
      %dma_wait3A_274 = arith.constant 0 : i32
      %dma_wait3A_275 = arith.constant 0 : i32
      %dma_wait3A_276 = tpu.memref_slice %arg9[%dma_wait3A_274, %dma_wait3A_275] : memref<10240x16xf32, #tpu.memory_space<vmem_shared>> -> memref<10240x16xf32, #tpu.memory_space<vmem_shared>>
      tpu.wait_indirect_dma semaphore(%arg10 : memref<!tpu.dma_semaphore, #tpu.memory_space<semaphore_mem>>) src(%arg8 : memref<128x16xf32, #tpu.memory_space<vmem>>) dst(%dma_wait3A_276 : memref<10240x16xf32, #tpu.memory_space<vmem_shared>>)
      %mul3A_277 = arith.constant 8 : i32
      %mul3A_278 = arith.muli %scan3A_138, %mul3A_277 : i32
      %add3A_279 = arith.constant 6 : i32
      %add3A_280 = arith.addi %mul3A_278, %add3A_279 : i32
      %mul3A_281 = arith.constant 128 : i32
      %mul3A_282 = arith.muli %add3A_280, %mul3A_281 : i32
      %dma_wait3A_283 = tpu.memref_slice %arg7[%mul3A_282] : memref<10240xi32, #tpu.memory_space<vmem>> -> memref<128xi32, #tpu.memory_space<vmem>>
      %dma_wait3A_284 = arith.constant 0 : i32
      %dma_wait3A_285 = arith.constant 0 : i32
      %dma_wait3A_286 = tpu.memref_slice %arg9[%dma_wait3A_284, %dma_wait3A_285] : memref<10240x16xf32, #tpu.memory_space<vmem_shared>> -> memref<10240x16xf32, #tpu.memory_space<vmem_shared>>
      tpu.wait_indirect_dma semaphore(%arg10 : memref<!tpu.dma_semaphore, #tpu.memory_space<semaphore_mem>>) src(%arg8 : memref<128x16xf32, #tpu.memory_space<vmem>>) dst(%dma_wait3A_286 : memref<10240x16xf32, #tpu.memory_space<vmem_shared>>)
      %mul3A_287 = arith.constant 8 : i32
      %mul3A_288 = arith.muli %scan3A_138, %mul3A_287 : i32
      %add3A_289 = arith.constant 7 : i32
      %add3A_290 = arith.addi %mul3A_288, %add3A_289 : i32
      %mul3A_291 = arith.constant 128 : i32
      %mul3A_292 = arith.muli %add3A_290, %mul3A_291 : i32
      %dma_wait3A_293 = tpu.memref_slice %arg7[%mul3A_292] : memref<10240xi32, #tpu.memory_space<vmem>> -> memref<128xi32, #tpu.memory_space<vmem>>
      %dma_wait3A_294 = arith.constant 0 : i32
      %dma_wait3A_295 = arith.constant 0 : i32
      %dma_wait3A_296 = tpu.memref_slice %arg9[%dma_wait3A_294, %dma_wait3A_295] : memref<10240x16xf32, #tpu.memory_space<vmem_shared>> -> memref<10240x16xf32, #tpu.memory_space<vmem_shared>>
      tpu.wait_indirect_dma semaphore(%arg10 : memref<!tpu.dma_semaphore, #tpu.memory_space<semaphore_mem>>) src(%arg8 : memref<128x16xf32, #tpu.memory_space<vmem>>) dst(%dma_wait3A_296 : memref<10240x16xf32, #tpu.memory_space<vmem_shared>>)
    }
    %scan3A_132 = arith.constant 10 : i32
    %barrier3A_133 = arith.constant 0 : index
    tpu.barrier barrier_id(%barrier3A_133)
    %mul3A_134 = arith.constant 640 : i32
    %mul3A_135 = arith.muli %arg1, %mul3A_134 : i32
    %mul3A_136 = arith.constant 640 : i32
    %mul3A_137 = arith.muli %arg1, %mul3A_136 : i32
    "tpu.region"() ({
      %run_scoped3A_138 = tpu.sem_alloc : memref<!tpu.dma_semaphore, #tpu.memory_space<semaphore_mem>>
      %dma_start3A = arith.constant 0 : i32
      %dma_start3A_139 = tpu.memref_slice %arg5[%arg0, %mul3A_137, %dma_start3A] : memref<2x10240x16xf32, #tpu.memory_space<hbm>> -> memref<1x640x16xf32, #tpu.memory_space<hbm>>
      %dma_start3A_140 = tpu.memref_squeeze %dma_start3A_139 : memref<1x640x16xf32, #tpu.memory_space<hbm>> -> memref<640x16xf32, #tpu.memory_space<hbm>>
      %dma_start3A_141 = arith.constant 0 : i32
      %dma_start3A_142 = tpu.memref_slice %arg9[%mul3A_135, %dma_start3A_141] : memref<10240x16xf32, #tpu.memory_space<vmem_shared>> -> memref<640x16xf32, #tpu.memory_space<vmem_shared>>
      tpu.enqueue_dma source(%dma_start3A_142 : memref<640x16xf32, #tpu.memory_space<vmem_shared>>) target(%dma_start3A_140 : memref<640x16xf32, #tpu.memory_space<hbm>>) target_semaphore(%run_scoped3A_138 : memref<!tpu.dma_semaphore, #tpu.memory_space<semaphore_mem>>)
      %dma_wait3A = arith.constant 0 : i32
      %dma_wait3A_143 = tpu.memref_slice %arg5[%arg0, %mul3A_137, %dma_wait3A] : memref<2x10240x16xf32, #tpu.memory_space<hbm>> -> memref<1x640x16xf32, #tpu.memory_space<hbm>>
      %dma_wait3A_144 = tpu.memref_squeeze %dma_wait3A_143 : memref<1x640x16xf32, #tpu.memory_space<hbm>> -> memref<640x16xf32, #tpu.memory_space<hbm>>
      %dma_wait3A_145 = arith.constant 0 : i32
      %dma_wait3A_146 = tpu.memref_slice %arg9[%mul3A_135, %dma_wait3A_145] : memref<10240x16xf32, #tpu.memory_space<vmem_shared>> -> memref<640x16xf32, #tpu.memory_space<vmem_shared>>
      tpu.wait_dma2 semaphore(%run_scoped3A_138 : memref<!tpu.dma_semaphore, #tpu.memory_space<semaphore_mem>>) src(%dma_wait3A_146 : memref<640x16xf32, #tpu.memory_space<vmem_shared>>) dst(%dma_wait3A_144 : memref<640x16xf32, #tpu.memory_space<hbm>>)
      tpu.yield
    }) : () -> ()
    return
  }
}

#map = affine_map<(d0, d1) -> (0, 0)>
#map1 = affine_map<(d0, d1) -> (0, 0, 0)>
module attributes {stable_mosaic.version = 14 : i64} {
  func.func @agg_kernel(%arg0: i32, %arg1: i32, %arg2: memref<10000x16xf32, #tpu.memory_space<hbm>>, %arg3: memref<2x320000xi32, #tpu.memory_space<hbm>>, %arg4: memref<640x16xf32, #tpu.memory_space<hbm>>, %arg5: memref<2x10240x16xf32, #tpu.memory_space<hbm>>, %arg6: memref<10240xi32, #tpu.memory_space<vmem>>, %arg7: memref<10240xi32, #tpu.memory_space<vmem>>, %arg8: memref<128x16xf32, #tpu.memory_space<vmem>>, %arg9: memref<128x16xf32, #tpu.memory_space<vmem>>, %arg10: memref<10000x16xf32, #tpu.memory_space<vmem_shared>>, %arg11: memref<10240x16xf32, #tpu.memory_space<vmem_shared>>, %arg12: memref<!tpu.dma_semaphore, #tpu.memory_space<semaphore_mem>>, %arg13: memref<!tpu.dma_semaphore, #tpu.memory_space<semaphore_mem>>, %arg14: memref<!tpu.dma_semaphore, #tpu.memory_space<semaphore_mem>>, %arg15: memref<!tpu.dma_semaphore, #tpu.memory_space<semaphore_mem>>) attributes {dimension_semantics = [#tpu.dimension_semantics<core_parallel>, #tpu.dimension_semantics<subcore_parallel>], iteration_bounds = array<i64: 2, 16>, scalar_prefetch = 0 : i64, scratch_operands = 10 : i64, tpu.core_type = #tpu.core_type<sc_vector_subcore>, window_params = [{transform_indices = #map}, {transform_indices = #map}, {transform_indices = #map}, {transform_indices = #map1}]} {
    %mul3A = arith.constant 16 : i32
    %mul3A_0 = arith.muli %arg0, %mul3A : i32
    %add3A = arith.addi %mul3A_0, %arg1 : i32
    %mul3A_1 = arith.constant 10000 : i32
    %mul3A_2 = arith.muli %add3A, %mul3A_1 : i32
    %run_scoped3A = arith.constant 0 : i32
    "tpu.region"() ({
      %run_scoped3A_155 = tpu.sem_alloc : memref<!tpu.dma_semaphore, #tpu.memory_space<semaphore_mem>>
      %dma_start3A_156 = arith.constant 0 : i32
      %dma_start3A_157 = tpu.memref_slice %arg6[%dma_start3A_156] : memref<10240xi32, #tpu.memory_space<vmem>> -> memref<10000xi32, #tpu.memory_space<vmem>>
      %dma_start3A_158 = tpu.memref_slice %arg3[%run_scoped3A, %mul3A_2] : memref<2x320000xi32, #tpu.memory_space<hbm>> -> memref<1x10000xi32, #tpu.memory_space<hbm>>
      %dma_start3A_159 = tpu.memref_squeeze %dma_start3A_158 : memref<1x10000xi32, #tpu.memory_space<hbm>> -> memref<10000xi32, #tpu.memory_space<hbm>>
      %dma_start3A_160 = arith.constant 0 : i32
      %dma_start3A_161 = tpu.memref_slice %arg6[%dma_start3A_160] : memref<10240xi32, #tpu.memory_space<vmem>> -> memref<10000xi32, #tpu.memory_space<vmem>>
      %dma_start3A_162 = tpu.memref_slice %arg3[%run_scoped3A, %mul3A_2] : memref<2x320000xi32, #tpu.memory_space<hbm>> -> memref<1x10000xi32, #tpu.memory_space<hbm>>
      %dma_start3A_163 = tpu.memref_squeeze %dma_start3A_162 : memref<1x10000xi32, #tpu.memory_space<hbm>> -> memref<10000xi32, #tpu.memory_space<hbm>>
      tpu.enqueue_dma source(%dma_start3A_163 : memref<10000xi32, #tpu.memory_space<hbm>>) target(%dma_start3A_161 : memref<10000xi32, #tpu.memory_space<vmem>>) target_semaphore(%run_scoped3A_155 : memref<!tpu.dma_semaphore, #tpu.memory_space<semaphore_mem>>)
      %dma_wait3A_164 = arith.constant 0 : i32
      %dma_wait3A_165 = tpu.memref_slice %arg6[%dma_wait3A_164] : memref<10240xi32, #tpu.memory_space<vmem>> -> memref<10000xi32, #tpu.memory_space<vmem>>
      %dma_wait3A_166 = tpu.memref_slice %arg3[%run_scoped3A, %mul3A_2] : memref<2x320000xi32, #tpu.memory_space<hbm>> -> memref<1x10000xi32, #tpu.memory_space<hbm>>
      %dma_wait3A_167 = tpu.memref_squeeze %dma_wait3A_166 : memref<1x10000xi32, #tpu.memory_space<hbm>> -> memref<10000xi32, #tpu.memory_space<hbm>>
      %dma_wait3A_168 = arith.constant 0 : i32
      %dma_wait3A_169 = tpu.memref_slice %arg6[%dma_wait3A_168] : memref<10240xi32, #tpu.memory_space<vmem>> -> memref<10000xi32, #tpu.memory_space<vmem>>
      %dma_wait3A_170 = tpu.memref_slice %arg3[%run_scoped3A, %mul3A_2] : memref<2x320000xi32, #tpu.memory_space<hbm>> -> memref<1x10000xi32, #tpu.memory_space<hbm>>
      %dma_wait3A_171 = tpu.memref_squeeze %dma_wait3A_170 : memref<1x10000xi32, #tpu.memory_space<hbm>> -> memref<10000xi32, #tpu.memory_space<hbm>>
      tpu.wait_dma2 semaphore(%run_scoped3A_155 : memref<!tpu.dma_semaphore, #tpu.memory_space<semaphore_mem>>) src(%dma_wait3A_171 : memref<10000xi32, #tpu.memory_space<hbm>>) dst(%dma_wait3A_169 : memref<10000xi32, #tpu.memory_space<vmem>>)
      tpu.yield
    }) : () -> ()
    %run_scoped3A_3 = arith.constant 1 : i32
    "tpu.region"() ({
      %run_scoped3A_155 = tpu.sem_alloc : memref<!tpu.dma_semaphore, #tpu.memory_space<semaphore_mem>>
      %dma_start3A_156 = arith.constant 0 : i32
      %dma_start3A_157 = tpu.memref_slice %arg7[%dma_start3A_156] : memref<10240xi32, #tpu.memory_space<vmem>> -> memref<10000xi32, #tpu.memory_space<vmem>>
      %dma_start3A_158 = tpu.memref_slice %arg3[%run_scoped3A_3, %mul3A_2] : memref<2x320000xi32, #tpu.memory_space<hbm>> -> memref<1x10000xi32, #tpu.memory_space<hbm>>
      %dma_start3A_159 = tpu.memref_squeeze %dma_start3A_158 : memref<1x10000xi32, #tpu.memory_space<hbm>> -> memref<10000xi32, #tpu.memory_space<hbm>>
      %dma_start3A_160 = arith.constant 0 : i32
      %dma_start3A_161 = tpu.memref_slice %arg7[%dma_start3A_160] : memref<10240xi32, #tpu.memory_space<vmem>> -> memref<10000xi32, #tpu.memory_space<vmem>>
      %dma_start3A_162 = tpu.memref_slice %arg3[%run_scoped3A_3, %mul3A_2] : memref<2x320000xi32, #tpu.memory_space<hbm>> -> memref<1x10000xi32, #tpu.memory_space<hbm>>
      %dma_start3A_163 = tpu.memref_squeeze %dma_start3A_162 : memref<1x10000xi32, #tpu.memory_space<hbm>> -> memref<10000xi32, #tpu.memory_space<hbm>>
      tpu.enqueue_dma source(%dma_start3A_163 : memref<10000xi32, #tpu.memory_space<hbm>>) target(%dma_start3A_161 : memref<10000xi32, #tpu.memory_space<vmem>>) target_semaphore(%run_scoped3A_155 : memref<!tpu.dma_semaphore, #tpu.memory_space<semaphore_mem>>)
      %dma_wait3A_164 = arith.constant 0 : i32
      %dma_wait3A_165 = tpu.memref_slice %arg7[%dma_wait3A_164] : memref<10240xi32, #tpu.memory_space<vmem>> -> memref<10000xi32, #tpu.memory_space<vmem>>
      %dma_wait3A_166 = tpu.memref_slice %arg3[%run_scoped3A_3, %mul3A_2] : memref<2x320000xi32, #tpu.memory_space<hbm>> -> memref<1x10000xi32, #tpu.memory_space<hbm>>
      %dma_wait3A_167 = tpu.memref_squeeze %dma_wait3A_166 : memref<1x10000xi32, #tpu.memory_space<hbm>> -> memref<10000xi32, #tpu.memory_space<hbm>>
      %dma_wait3A_168 = arith.constant 0 : i32
      %dma_wait3A_169 = tpu.memref_slice %arg7[%dma_wait3A_168] : memref<10240xi32, #tpu.memory_space<vmem>> -> memref<10000xi32, #tpu.memory_space<vmem>>
      %dma_wait3A_170 = tpu.memref_slice %arg3[%run_scoped3A_3, %mul3A_2] : memref<2x320000xi32, #tpu.memory_space<hbm>> -> memref<1x10000xi32, #tpu.memory_space<hbm>>
      %dma_wait3A_171 = tpu.memref_squeeze %dma_wait3A_170 : memref<1x10000xi32, #tpu.memory_space<hbm>> -> memref<10000xi32, #tpu.memory_space<hbm>>
      tpu.wait_dma2 semaphore(%run_scoped3A_155 : memref<!tpu.dma_semaphore, #tpu.memory_space<semaphore_mem>>) src(%dma_wait3A_171 : memref<10000xi32, #tpu.memory_space<hbm>>) dst(%dma_wait3A_169 : memref<10000xi32, #tpu.memory_space<vmem>>)
      tpu.yield
    }) : () -> ()
    %broadcast_in_dim3A = arith.constant 0 : i32
    %broadcast_in_dim3A_4 = vector.broadcast %broadcast_in_dim3A : i32 to vector<16xi32>
    %broadcast_in_dim3A_5 = arith.constant 10000 : i32
    %broadcast_in_dim3A_6 = vector.broadcast %broadcast_in_dim3A_5 : i32 to vector<16xi32>
    %swap3A = arith.constant 10000 : index
    %swap3A_7 = tpu.vector_load %arg6[%swap3A] {strides = array<i32>} : memref<10240xi32, #tpu.memory_space<vmem>>, vector<16xi32>,
    %swap3A_8 = vector.shape_cast %swap3A_7 : vector<16xi32> to vector<16xi32>
    %swap3A_9 = vector.shape_cast %broadcast_in_dim3A_4 : vector<16xi32> to vector<16xi32>
    tpu.vector_store %arg6[%swap3A], %swap3A_9 {strides = array<i32>} : memref<10240xi32, #tpu.memory_space<vmem>>, vector<16xi32>,
    %swap3A_10 = arith.constant 10000 : index
    %swap3A_11 = tpu.vector_load %arg7[%swap3A_10] {strides = array<i32>} : memref<10240xi32, #tpu.memory_space<vmem>>, vector<16xi32>,
    %swap3A_12 = vector.shape_cast %swap3A_11 : vector<16xi32> to vector<16xi32>
    %swap3A_13 = vector.shape_cast %broadcast_in_dim3A_6 : vector<16xi32> to vector<16xi32>
    tpu.vector_store %arg7[%swap3A_10], %swap3A_13 {strides = array<i32>} : memref<10240xi32, #tpu.memory_space<vmem>>, vector<16xi32>,
    %swap3A_14 = arith.constant 10016 : index
    %swap3A_15 = tpu.vector_load %arg6[%swap3A_14] {strides = array<i32>} : memref<10240xi32, #tpu.memory_space<vmem>>, vector<16xi32>,
    %swap3A_16 = vector.shape_cast %swap3A_15 : vector<16xi32> to vector<16xi32>
    %swap3A_17 = vector.shape_cast %broadcast_in_dim3A_4 : vector<16xi32> to vector<16xi32>
    tpu.vector_store %arg6[%swap3A_14], %swap3A_17 {strides = array<i32>} : memref<10240xi32, #tpu.memory_space<vmem>>, vector<16xi32>,
    %swap3A_18 = arith.constant 10016 : index
    %swap3A_19 = tpu.vector_load %arg7[%swap3A_18] {strides = array<i32>} : memref<10240xi32, #tpu.memory_space<vmem>>, vector<16xi32>,
    %swap3A_20 = vector.shape_cast %swap3A_19 : vector<16xi32> to vector<16xi32>
    %swap3A_21 = vector.shape_cast %broadcast_in_dim3A_6 : vector<16xi32> to vector<16xi32>
    tpu.vector_store %arg7[%swap3A_18], %swap3A_21 {strides = array<i32>} : memref<10240xi32, #tpu.memory_space<vmem>>, vector<16xi32>,
    %swap3A_22 = arith.constant 10032 : index
    %swap3A_23 = tpu.vector_load %arg6[%swap3A_22] {strides = array<i32>} : memref<10240xi32, #tpu.memory_space<vmem>>, vector<16xi32>,
    %swap3A_24 = vector.shape_cast %swap3A_23 : vector<16xi32> to vector<16xi32>
    %swap3A_25 = vector.shape_cast %broadcast_in_dim3A_4 : vector<16xi32> to vector<16xi32>
    tpu.vector_store %arg6[%swap3A_22], %swap3A_25 {strides = array<i32>} : memref<10240xi32, #tpu.memory_space<vmem>>, vector<16xi32>,
    %swap3A_26 = arith.constant 10032 : index
    %swap3A_27 = tpu.vector_load %arg7[%swap3A_26] {strides = array<i32>} : memref<10240xi32, #tpu.memory_space<vmem>>, vector<16xi32>,
    %swap3A_28 = vector.shape_cast %swap3A_27 : vector<16xi32> to vector<16xi32>
    %swap3A_29 = vector.shape_cast %broadcast_in_dim3A_6 : vector<16xi32> to vector<16xi32>
    tpu.vector_store %arg7[%swap3A_26], %swap3A_29 {strides = array<i32>} : memref<10240xi32, #tpu.memory_space<vmem>>, vector<16xi32>,
    %swap3A_30 = arith.constant 10048 : index
    %swap3A_31 = tpu.vector_load %arg6[%swap3A_30] {strides = array<i32>} : memref<10240xi32, #tpu.memory_space<vmem>>, vector<16xi32>,
    %swap3A_32 = vector.shape_cast %swap3A_31 : vector<16xi32> to vector<16xi32>
    %swap3A_33 = vector.shape_cast %broadcast_in_dim3A_4 : vector<16xi32> to vector<16xi32>
    tpu.vector_store %arg6[%swap3A_30], %swap3A_33 {strides = array<i32>} : memref<10240xi32, #tpu.memory_space<vmem>>, vector<16xi32>,
    %swap3A_34 = arith.constant 10048 : index
    %swap3A_35 = tpu.vector_load %arg7[%swap3A_34] {strides = array<i32>} : memref<10240xi32, #tpu.memory_space<vmem>>, vector<16xi32>,
    %swap3A_36 = vector.shape_cast %swap3A_35 : vector<16xi32> to vector<16xi32>
    %swap3A_37 = vector.shape_cast %broadcast_in_dim3A_6 : vector<16xi32> to vector<16xi32>
    tpu.vector_store %arg7[%swap3A_34], %swap3A_37 {strides = array<i32>} : memref<10240xi32, #tpu.memory_space<vmem>>, vector<16xi32>,
    %swap3A_38 = arith.constant 10064 : index
    %swap3A_39 = tpu.vector_load %arg6[%swap3A_38] {strides = array<i32>} : memref<10240xi32, #tpu.memory_space<vmem>>, vector<16xi32>,
    %swap3A_40 = vector.shape_cast %swap3A_39 : vector<16xi32> to vector<16xi32>
    %swap3A_41 = vector.shape_cast %broadcast_in_dim3A_4 : vector<16xi32> to vector<16xi32>
    tpu.vector_store %arg6[%swap3A_38], %swap3A_41 {strides = array<i32>} : memref<10240xi32, #tpu.memory_space<vmem>>, vector<16xi32>,
    %swap3A_42 = arith.constant 10064 : index
    %swap3A_43 = tpu.vector_load %arg7[%swap3A_42] {strides = array<i32>} : memref<10240xi32, #tpu.memory_space<vmem>>, vector<16xi32>,
    %swap3A_44 = vector.shape_cast %swap3A_43 : vector<16xi32> to vector<16xi32>
    %swap3A_45 = vector.shape_cast %broadcast_in_dim3A_6 : vector<16xi32> to vector<16xi32>
    tpu.vector_store %arg7[%swap3A_42], %swap3A_45 {strides = array<i32>} : memref<10240xi32, #tpu.memory_space<vmem>>, vector<16xi32>,
    %swap3A_46 = arith.constant 10080 : index
    %swap3A_47 = tpu.vector_load %arg6[%swap3A_46] {strides = array<i32>} : memref<10240xi32, #tpu.memory_space<vmem>>, vector<16xi32>,
    %swap3A_48 = vector.shape_cast %swap3A_47 : vector<16xi32> to vector<16xi32>
    %swap3A_49 = vector.shape_cast %broadcast_in_dim3A_4 : vector<16xi32> to vector<16xi32>
    tpu.vector_store %arg6[%swap3A_46], %swap3A_49 {strides = array<i32>} : memref<10240xi32, #tpu.memory_space<vmem>>, vector<16xi32>,
    %swap3A_50 = arith.constant 10080 : index
    %swap3A_51 = tpu.vector_load %arg7[%swap3A_50] {strides = array<i32>} : memref<10240xi32, #tpu.memory_space<vmem>>, vector<16xi32>,
    %swap3A_52 = vector.shape_cast %swap3A_51 : vector<16xi32> to vector<16xi32>
    %swap3A_53 = vector.shape_cast %broadcast_in_dim3A_6 : vector<16xi32> to vector<16xi32>
    tpu.vector_store %arg7[%swap3A_50], %swap3A_53 {strides = array<i32>} : memref<10240xi32, #tpu.memory_space<vmem>>, vector<16xi32>,
    %swap3A_54 = arith.constant 10096 : index
    %swap3A_55 = tpu.vector_load %arg6[%swap3A_54] {strides = array<i32>} : memref<10240xi32, #tpu.memory_space<vmem>>, vector<16xi32>,
    %swap3A_56 = vector.shape_cast %swap3A_55 : vector<16xi32> to vector<16xi32>
    %swap3A_57 = vector.shape_cast %broadcast_in_dim3A_4 : vector<16xi32> to vector<16xi32>
    tpu.vector_store %arg6[%swap3A_54], %swap3A_57 {strides = array<i32>} : memref<10240xi32, #tpu.memory_space<vmem>>, vector<16xi32>,
    %swap3A_58 = arith.constant 10096 : index
    %swap3A_59 = tpu.vector_load %arg7[%swap3A_58] {strides = array<i32>} : memref<10240xi32, #tpu.memory_space<vmem>>, vector<16xi32>,
    %swap3A_60 = vector.shape_cast %swap3A_59 : vector<16xi32> to vector<16xi32>
    %swap3A_61 = vector.shape_cast %broadcast_in_dim3A_6 : vector<16xi32> to vector<16xi32>
    tpu.vector_store %arg7[%swap3A_58], %swap3A_61 {strides = array<i32>} : memref<10240xi32, #tpu.memory_space<vmem>>, vector<16xi32>,
    %swap3A_62 = arith.constant 10112 : index
    %swap3A_63 = tpu.vector_load %arg6[%swap3A_62] {strides = array<i32>} : memref<10240xi32, #tpu.memory_space<vmem>>, vector<16xi32>,
    %swap3A_64 = vector.shape_cast %swap3A_63 : vector<16xi32> to vector<16xi32>
    %swap3A_65 = vector.shape_cast %broadcast_in_dim3A_4 : vector<16xi32> to vector<16xi32>
    tpu.vector_store %arg6[%swap3A_62], %swap3A_65 {strides = array<i32>} : memref<10240xi32, #tpu.memory_space<vmem>>, vector<16xi32>,
    %swap3A_66 = arith.constant 10112 : index
    %swap3A_67 = tpu.vector_load %arg7[%swap3A_66] {strides = array<i32>} : memref<10240xi32, #tpu.memory_space<vmem>>, vector<16xi32>,
    %swap3A_68 = vector.shape_cast %swap3A_67 : vector<16xi32> to vector<16xi32>
    %swap3A_69 = vector.shape_cast %broadcast_in_dim3A_6 : vector<16xi32> to vector<16xi32>
    tpu.vector_store %arg7[%swap3A_66], %swap3A_69 {strides = array<i32>} : memref<10240xi32, #tpu.memory_space<vmem>>, vector<16xi32>,
    %swap3A_70 = arith.constant 10128 : index
    %swap3A_71 = tpu.vector_load %arg6[%swap3A_70] {strides = array<i32>} : memref<10240xi32, #tpu.memory_space<vmem>>, vector<16xi32>,
    %swap3A_72 = vector.shape_cast %swap3A_71 : vector<16xi32> to vector<16xi32>
    %swap3A_73 = vector.shape_cast %broadcast_in_dim3A_4 : vector<16xi32> to vector<16xi32>
    tpu.vector_store %arg6[%swap3A_70], %swap3A_73 {strides = array<i32>} : memref<10240xi32, #tpu.memory_space<vmem>>, vector<16xi32>,
    %swap3A_74 = arith.constant 10128 : index
    %swap3A_75 = tpu.vector_load %arg7[%swap3A_74] {strides = array<i32>} : memref<10240xi32, #tpu.memory_space<vmem>>, vector<16xi32>,
    %swap3A_76 = vector.shape_cast %swap3A_75 : vector<16xi32> to vector<16xi32>
    %swap3A_77 = vector.shape_cast %broadcast_in_dim3A_6 : vector<16xi32> to vector<16xi32>
    tpu.vector_store %arg7[%swap3A_74], %swap3A_77 {strides = array<i32>} : memref<10240xi32, #tpu.memory_space<vmem>>, vector<16xi32>,
    %swap3A_78 = arith.constant 10144 : index
    %swap3A_79 = tpu.vector_load %arg6[%swap3A_78] {strides = array<i32>} : memref<10240xi32, #tpu.memory_space<vmem>>, vector<16xi32>,
    %swap3A_80 = vector.shape_cast %swap3A_79 : vector<16xi32> to vector<16xi32>
    %swap3A_81 = vector.shape_cast %broadcast_in_dim3A_4 : vector<16xi32> to vector<16xi32>
    tpu.vector_store %arg6[%swap3A_78], %swap3A_81 {strides = array<i32>} : memref<10240xi32, #tpu.memory_space<vmem>>, vector<16xi32>,
    %swap3A_82 = arith.constant 10144 : index
    %swap3A_83 = tpu.vector_load %arg7[%swap3A_82] {strides = array<i32>} : memref<10240xi32, #tpu.memory_space<vmem>>, vector<16xi32>,
    %swap3A_84 = vector.shape_cast %swap3A_83 : vector<16xi32> to vector<16xi32>
    %swap3A_85 = vector.shape_cast %broadcast_in_dim3A_6 : vector<16xi32> to vector<16xi32>
    tpu.vector_store %arg7[%swap3A_82], %swap3A_85 {strides = array<i32>} : memref<10240xi32, #tpu.memory_space<vmem>>, vector<16xi32>,
    %swap3A_86 = arith.constant 10160 : index
    %swap3A_87 = tpu.vector_load %arg6[%swap3A_86] {strides = array<i32>} : memref<10240xi32, #tpu.memory_space<vmem>>, vector<16xi32>,
    %swap3A_88 = vector.shape_cast %swap3A_87 : vector<16xi32> to vector<16xi32>
    %swap3A_89 = vector.shape_cast %broadcast_in_dim3A_4 : vector<16xi32> to vector<16xi32>
    tpu.vector_store %arg6[%swap3A_86], %swap3A_89 {strides = array<i32>} : memref<10240xi32, #tpu.memory_space<vmem>>, vector<16xi32>,
    %swap3A_90 = arith.constant 10160 : index
    %swap3A_91 = tpu.vector_load %arg7[%swap3A_90] {strides = array<i32>} : memref<10240xi32, #tpu.memory_space<vmem>>, vector<16xi32>,
    %swap3A_92 = vector.shape_cast %swap3A_91 : vector<16xi32> to vector<16xi32>
    %swap3A_93 = vector.shape_cast %broadcast_in_dim3A_6 : vector<16xi32> to vector<16xi32>
    tpu.vector_store %arg7[%swap3A_90], %swap3A_93 {strides = array<i32>} : memref<10240xi32, #tpu.memory_space<vmem>>, vector<16xi32>,
    %swap3A_94 = arith.constant 10176 : index
    %swap3A_95 = tpu.vector_load %arg6[%swap3A_94] {strides = array<i32>} : memref<10240xi32, #tpu.memory_space<vmem>>, vector<16xi32>,
    %swap3A_96 = vector.shape_cast %swap3A_95 : vector<16xi32> to vector<16xi32>
    %swap3A_97 = vector.shape_cast %broadcast_in_dim3A_4 : vector<16xi32> to vector<16xi32>
    tpu.vector_store %arg6[%swap3A_94], %swap3A_97 {strides = array<i32>} : memref<10240xi32, #tpu.memory_space<vmem>>, vector<16xi32>,
    %swap3A_98 = arith.constant 10176 : index
    %swap3A_99 = tpu.vector_load %arg7[%swap3A_98] {strides = array<i32>} : memref<10240xi32, #tpu.memory_space<vmem>>, vector<16xi32>,
    %swap3A_100 = vector.shape_cast %swap3A_99 : vector<16xi32> to vector<16xi32>
    %swap3A_101 = vector.shape_cast %broadcast_in_dim3A_6 : vector<16xi32> to vector<16xi32>
    tpu.vector_store %arg7[%swap3A_98], %swap3A_101 {strides = array<i32>} : memref<10240xi32, #tpu.memory_space<vmem>>, vector<16xi32>,
    %swap3A_102 = arith.constant 10192 : index
    %swap3A_103 = tpu.vector_load %arg6[%swap3A_102] {strides = array<i32>} : memref<10240xi32, #tpu.memory_space<vmem>>, vector<16xi32>,
    %swap3A_104 = vector.shape_cast %swap3A_103 : vector<16xi32> to vector<16xi32>
    %swap3A_105 = vector.shape_cast %broadcast_in_dim3A_4 : vector<16xi32> to vector<16xi32>
    tpu.vector_store %arg6[%swap3A_102], %swap3A_105 {strides = array<i32>} : memref<10240xi32, #tpu.memory_space<vmem>>, vector<16xi32>,
    %swap3A_106 = arith.constant 10192 : index
    %swap3A_107 = tpu.vector_load %arg7[%swap3A_106] {strides = array<i32>} : memref<10240xi32, #tpu.memory_space<vmem>>, vector<16xi32>,
    %swap3A_108 = vector.shape_cast %swap3A_107 : vector<16xi32> to vector<16xi32>
    %swap3A_109 = vector.shape_cast %broadcast_in_dim3A_6 : vector<16xi32> to vector<16xi32>
    tpu.vector_store %arg7[%swap3A_106], %swap3A_109 {strides = array<i32>} : memref<10240xi32, #tpu.memory_space<vmem>>, vector<16xi32>,
    %swap3A_110 = arith.constant 10208 : index
    %swap3A_111 = tpu.vector_load %arg6[%swap3A_110] {strides = array<i32>} : memref<10240xi32, #tpu.memory_space<vmem>>, vector<16xi32>,
    %swap3A_112 = vector.shape_cast %swap3A_111 : vector<16xi32> to vector<16xi32>
    %swap3A_113 = vector.shape_cast %broadcast_in_dim3A_4 : vector<16xi32> to vector<16xi32>
    tpu.vector_store %arg6[%swap3A_110], %swap3A_113 {strides = array<i32>} : memref<10240xi32, #tpu.memory_space<vmem>>, vector<16xi32>,
    %swap3A_114 = arith.constant 10208 : index
    %swap3A_115 = tpu.vector_load %arg7[%swap3A_114] {strides = array<i32>} : memref<10240xi32, #tpu.memory_space<vmem>>, vector<16xi32>,
    %swap3A_116 = vector.shape_cast %swap3A_115 : vector<16xi32> to vector<16xi32>
    %swap3A_117 = vector.shape_cast %broadcast_in_dim3A_6 : vector<16xi32> to vector<16xi32>
    tpu.vector_store %arg7[%swap3A_114], %swap3A_117 {strides = array<i32>} : memref<10240xi32, #tpu.memory_space<vmem>>, vector<16xi32>,
    %swap3A_118 = arith.constant 10224 : index
    %swap3A_119 = tpu.vector_load %arg6[%swap3A_118] {strides = array<i32>} : memref<10240xi32, #tpu.memory_space<vmem>>, vector<16xi32>,
    %swap3A_120 = vector.shape_cast %swap3A_119 : vector<16xi32> to vector<16xi32>
    %swap3A_121 = vector.shape_cast %broadcast_in_dim3A_4 : vector<16xi32> to vector<16xi32>
    tpu.vector_store %arg6[%swap3A_118], %swap3A_121 {strides = array<i32>} : memref<10240xi32, #tpu.memory_space<vmem>>, vector<16xi32>,
    %swap3A_122 = arith.constant 10224 : index
    %swap3A_123 = tpu.vector_load %arg7[%swap3A_122] {strides = array<i32>} : memref<10240xi32, #tpu.memory_space<vmem>>, vector<16xi32>,
    %swap3A_124 = vector.shape_cast %swap3A_123 : vector<16xi32> to vector<16xi32>
    %swap3A_125 = vector.shape_cast %broadcast_in_dim3A_6 : vector<16xi32> to vector<16xi32>
    tpu.vector_store %arg7[%swap3A_122], %swap3A_125 {strides = array<i32>} : memref<10240xi32, #tpu.memory_space<vmem>>, vector<16xi32>,
    %mul3A_126 = arith.constant 625 : i32
    %mul3A_127 = arith.muli %arg1, %mul3A_126 : i32
    %mul3A_128 = arith.constant 625 : i32
    %mul3A_129 = arith.muli %arg1, %mul3A_128 : i32
    "tpu.region"() ({
      %run_scoped3A_155 = tpu.sem_alloc : memref<!tpu.dma_semaphore, #tpu.memory_space<semaphore_mem>>
      %dma_start3A_156 = arith.constant 0 : i32
      %dma_start3A_157 = tpu.memref_slice %arg10[%mul3A_129, %dma_start3A_156] : memref<10000x16xf32, #tpu.memory_space<vmem_shared>> -> memref<625x16xf32, #tpu.memory_space<vmem_shared>>
      %dma_start3A_158 = arith.constant 0 : i32
      %dma_start3A_159 = tpu.memref_slice %arg2[%mul3A_127, %dma_start3A_158] : memref<10000x16xf32, #tpu.memory_space<hbm>> -> memref<625x16xf32, #tpu.memory_space<hbm>>
      tpu.enqueue_dma source(%dma_start3A_159 : memref<625x16xf32, #tpu.memory_space<hbm>>) target(%dma_start3A_157 : memref<625x16xf32, #tpu.memory_space<vmem_shared>>) target_semaphore(%run_scoped3A_155 : memref<!tpu.dma_semaphore, #tpu.memory_space<semaphore_mem>>)
      %dma_wait3A_160 = arith.constant 0 : i32
      %dma_wait3A_161 = tpu.memref_slice %arg10[%mul3A_129, %dma_wait3A_160] : memref<10000x16xf32, #tpu.memory_space<vmem_shared>> -> memref<625x16xf32, #tpu.memory_space<vmem_shared>>
      %dma_wait3A_162 = arith.constant 0 : i32
      %dma_wait3A_163 = tpu.memref_slice %arg2[%mul3A_127, %dma_wait3A_162] : memref<10000x16xf32, #tpu.memory_space<hbm>> -> memref<625x16xf32, #tpu.memory_space<hbm>>
      tpu.wait_dma2 semaphore(%run_scoped3A_155 : memref<!tpu.dma_semaphore, #tpu.memory_space<semaphore_mem>>) src(%dma_wait3A_163 : memref<625x16xf32, #tpu.memory_space<hbm>>) dst(%dma_wait3A_161 : memref<625x16xf32, #tpu.memory_space<vmem_shared>>)
      tpu.yield
    }) : () -> ()
    %mul3A_130 = arith.constant 640 : i32
    %mul3A_131 = arith.muli %arg1, %mul3A_130 : i32
    "tpu.region"() ({
      %run_scoped3A_155 = tpu.sem_alloc : memref<!tpu.dma_semaphore, #tpu.memory_space<semaphore_mem>>
      %dma_start3A_156 = arith.constant 0 : i32
      %dma_start3A_157 = tpu.memref_slice %arg11[%mul3A_131, %dma_start3A_156] : memref<10240x16xf32, #tpu.memory_space<vmem_shared>> -> memref<640x16xf32, #tpu.memory_space<vmem_shared>>
      tpu.enqueue_dma source(%arg4 : memref<640x16xf32, #tpu.memory_space<hbm>>) target(%dma_start3A_157 : memref<640x16xf32, #tpu.memory_space<vmem_shared>>) target_semaphore(%run_scoped3A_155 : memref<!tpu.dma_semaphore, #tpu.memory_space<semaphore_mem>>)
      %dma_wait3A_158 = arith.constant 0 : i32
      %dma_wait3A_159 = tpu.memref_slice %arg11[%mul3A_131, %dma_wait3A_158] : memref<10240x16xf32, #tpu.memory_space<vmem_shared>> -> memref<640x16xf32, #tpu.memory_space<vmem_shared>>
      tpu.wait_dma2 semaphore(%run_scoped3A_155 : memref<!tpu.dma_semaphore, #tpu.memory_space<semaphore_mem>>) src(%arg4 : memref<640x16xf32, #tpu.memory_space<hbm>>) dst(%dma_wait3A_159 : memref<640x16xf32, #tpu.memory_space<vmem_shared>>)
      tpu.yield
    }) : () -> ()
    %barrier3A = arith.constant 0 : index
    tpu.barrier barrier_id(%barrier3A)
    %dma_start3A = arith.constant 0 : i32
    %dma_start3A_132 = tpu.memref_slice %arg6[%dma_start3A] : memref<10240xi32, #tpu.memory_space<vmem>> -> memref<128xi32, #tpu.memory_space<vmem>>
    %dma_start3A_133 = arith.constant 0 : i32
    %dma_start3A_134 = arith.constant 0 : i32
    %dma_start3A_135 = tpu.memref_slice %arg10[%dma_start3A_133, %dma_start3A_134] : memref<10000x16xf32, #tpu.memory_space<vmem_shared>> -> memref<10000x16xf32, #tpu.memory_space<vmem_shared>>
    tpu.enqueue_indirect_dma source(%dma_start3A_135 : memref<10000x16xf32, #tpu.memory_space<vmem_shared>>) target(%arg8 : memref<128x16xf32, #tpu.memory_space<vmem>>) offsets(%dma_start3A_132 : memref<128xi32, #tpu.memory_space<vmem>>) semaphore(%arg12 : memref<!tpu.dma_semaphore, #tpu.memory_space<semaphore_mem>>)
    %scan3A = arith.constant 0 : i32
    %scan3A_136 = arith.constant 0 : i32
    %scan3A_137 = arith.constant 40 : i32
    %scan3A_138 = arith.addi %scan3A_136, %scan3A_137 : i32
    %scan3A_139 = arith.constant 1 : i32
    scf.for %scan3A_155 = %scan3A_136 to %scan3A_138 step %scan3A_139  : i32 {
      %mul3A_156 = arith.constant 2 : i32
      %mul3A_157 = arith.muli %scan3A_155, %mul3A_156 : i32
      %add3A_158 = arith.constant 0 : i32
      %add3A_159 = arith.addi %mul3A_157, %add3A_158 : i32
      %mul3A_160 = arith.constant 128 : i32
      %mul3A_161 = arith.muli %add3A_159, %mul3A_160 : i32
      %dma_wait3A_162 = tpu.memref_slice %arg6[%mul3A_161] : memref<10240xi32, #tpu.memory_space<vmem>> -> memref<128xi32, #tpu.memory_space<vmem>>
      %dma_wait3A_163 = arith.constant 0 : i32
      %dma_wait3A_164 = arith.constant 0 : i32
      %dma_wait3A_165 = tpu.memref_slice %arg10[%dma_wait3A_163, %dma_wait3A_164] : memref<10000x16xf32, #tpu.memory_space<vmem_shared>> -> memref<10000x16xf32, #tpu.memory_space<vmem_shared>>
      tpu.wait_indirect_dma semaphore(%arg12 : memref<!tpu.dma_semaphore, #tpu.memory_space<semaphore_mem>>) src(%dma_wait3A_165 : memref<10000x16xf32, #tpu.memory_space<vmem_shared>>) dst(%arg8 : memref<128x16xf32, #tpu.memory_space<vmem>>)
      %mul3A_166 = arith.constant 128 : i32
      %mul3A_167 = arith.muli %add3A_159, %mul3A_166 : i32
      %dma_start3A_168 = tpu.memref_slice %arg7[%mul3A_167] : memref<10240xi32, #tpu.memory_space<vmem>> -> memref<128xi32, #tpu.memory_space<vmem>>
      %dma_start3A_169 = arith.constant 0 : i32
      %dma_start3A_170 = arith.constant 0 : i32
      %dma_start3A_171 = tpu.memref_slice %arg11[%dma_start3A_169, %dma_start3A_170] : memref<10240x16xf32, #tpu.memory_space<vmem_shared>> -> memref<10240x16xf32, #tpu.memory_space<vmem_shared>>
      tpu.enqueue_indirect_dma source(%arg8 : memref<128x16xf32, #tpu.memory_space<vmem>>) target(%dma_start3A_171 : memref<10240x16xf32, #tpu.memory_space<vmem_shared>>) offsets(%dma_start3A_168 : memref<128xi32, #tpu.memory_space<vmem>>) semaphore(%arg14 : memref<!tpu.dma_semaphore, #tpu.memory_space<semaphore_mem>>) {add = true}
      %add3A_172 = arith.constant 1 : i32
      %add3A_173 = arith.addi %add3A_159, %add3A_172 : i32
      %lt3A = arith.constant 80 : i32
      %lt3A_174 = arith.cmpi slt, %add3A_173, %lt3A : i32
      %convert_element_type3A = arith.extui %lt3A_174 : i1 to i32
      %cond3A = arith.constant 0 : i32
      %cond3A_175 = arith.cmpi ne, %convert_element_type3A, %cond3A : i32
      scf.if %cond3A_175 {
        %ge3A = arith.constant 1 : i32
        %ge3A_199 = arith.cmpi sge, %add3A_159, %ge3A : i32
        %convert_element_type3A_200 = arith.extui %ge3A_199 : i1 to i32
        %cond3A_201 = arith.constant 0 : i32
        %cond3A_202 = arith.cmpi ne, %convert_element_type3A_200, %cond3A_201 : i32
        scf.if %cond3A_202 {
          %dma_wait3A_211 = arith.constant 0 : i32
          %dma_wait3A_212 = tpu.memref_slice %arg7[%dma_wait3A_211] : memref<10240xi32, #tpu.memory_space<vmem>> -> memref<128xi32, #tpu.memory_space<vmem>>
          %dma_wait3A_213 = arith.constant 0 : i32
          %dma_wait3A_214 = arith.constant 0 : i32
          %dma_wait3A_215 = tpu.memref_slice %arg11[%dma_wait3A_213, %dma_wait3A_214] : memref<10240x16xf32, #tpu.memory_space<vmem_shared>> -> memref<10240x16xf32, #tpu.memory_space<vmem_shared>>
          tpu.wait_indirect_dma semaphore(%arg15 : memref<!tpu.dma_semaphore, #tpu.memory_space<semaphore_mem>>) src(%arg9 : memref<128x16xf32, #tpu.memory_space<vmem>>) dst(%dma_wait3A_215 : memref<10240x16xf32, #tpu.memory_space<vmem_shared>>)
        } else {
        }
        %add3A_203 = arith.constant 1 : i32
        %add3A_204 = arith.addi %add3A_159, %add3A_203 : i32
        %mul3A_205 = arith.constant 128 : i32
        %mul3A_206 = arith.muli %add3A_204, %mul3A_205 : i32
        %dma_start3A_207 = tpu.memref_slice %arg6[%mul3A_206] : memref<10240xi32, #tpu.memory_space<vmem>> -> memref<128xi32, #tpu.memory_space<vmem>>
        %dma_start3A_208 = arith.constant 0 : i32
        %dma_start3A_209 = arith.constant 0 : i32
        %dma_start3A_210 = tpu.memref_slice %arg10[%dma_start3A_208, %dma_start3A_209] : memref<10000x16xf32, #tpu.memory_space<vmem_shared>> -> memref<10000x16xf32, #tpu.memory_space<vmem_shared>>
        tpu.enqueue_indirect_dma source(%dma_start3A_210 : memref<10000x16xf32, #tpu.memory_space<vmem_shared>>) target(%arg9 : memref<128x16xf32, #tpu.memory_space<vmem>>) offsets(%dma_start3A_207 : memref<128xi32, #tpu.memory_space<vmem>>) semaphore(%arg13 : memref<!tpu.dma_semaphore, #tpu.memory_space<semaphore_mem>>)
      } else {
      }
      %mul3A_176 = arith.constant 2 : i32
      %mul3A_177 = arith.muli %scan3A_155, %mul3A_176 : i32
      %add3A_178 = arith.constant 1 : i32
      %add3A_179 = arith.addi %mul3A_177, %add3A_178 : i32
      %mul3A_180 = arith.constant 128 : i32
      %mul3A_181 = arith.muli %add3A_179, %mul3A_180 : i32
      %dma_wait3A_182 = tpu.memref_slice %arg6[%mul3A_181] : memref<10240xi32, #tpu.memory_space<vmem>> -> memref<128xi32, #tpu.memory_space<vmem>>
      %dma_wait3A_183 = arith.constant 0 : i32
      %dma_wait3A_184 = arith.constant 0 : i32
      %dma_wait3A_185 = tpu.memref_slice %arg10[%dma_wait3A_183, %dma_wait3A_184] : memref<10000x16xf32, #tpu.memory_space<vmem_shared>> -> memref<10000x16xf32, #tpu.memory_space<vmem_shared>>
      tpu.wait_indirect_dma semaphore(%arg13 : memref<!tpu.dma_semaphore, #tpu.memory_space<semaphore_mem>>) src(%dma_wait3A_185 : memref<10000x16xf32, #tpu.memory_space<vmem_shared>>) dst(%arg9 : memref<128x16xf32, #tpu.memory_space<vmem>>)
      %mul3A_186 = arith.constant 128 : i32
      %mul3A_187 = arith.muli %add3A_179, %mul3A_186 : i32
      %dma_start3A_188 = tpu.memref_slice %arg7[%mul3A_187] : memref<10240xi32, #tpu.memory_space<vmem>> -> memref<128xi32, #tpu.memory_space<vmem>>
      %dma_start3A_189 = arith.constant 0 : i32
      %dma_start3A_190 = arith.constant 0 : i32
      %dma_start3A_191 = tpu.memref_slice %arg11[%dma_start3A_189, %dma_start3A_190] : memref<10240x16xf32, #tpu.memory_space<vmem_shared>> -> memref<10240x16xf32, #tpu.memory_space<vmem_shared>>
      tpu.enqueue_indirect_dma source(%arg9 : memref<128x16xf32, #tpu.memory_space<vmem>>) target(%dma_start3A_191 : memref<10240x16xf32, #tpu.memory_space<vmem_shared>>) offsets(%dma_start3A_188 : memref<128xi32, #tpu.memory_space<vmem>>) semaphore(%arg15 : memref<!tpu.dma_semaphore, #tpu.memory_space<semaphore_mem>>) {add = true}
      %add3A_192 = arith.constant 1 : i32
      %add3A_193 = arith.addi %add3A_179, %add3A_192 : i32
      %lt3A_194 = arith.constant 80 : i32
      %lt3A_195 = arith.cmpi slt, %add3A_193, %lt3A_194 : i32
      %convert_element_type3A_196 = arith.extui %lt3A_195 : i1 to i32
      %cond3A_197 = arith.constant 0 : i32
      %cond3A_198 = arith.cmpi ne, %convert_element_type3A_196, %cond3A_197 : i32
      scf.if %cond3A_198 {
        %ge3A = arith.constant 1 : i32
        %ge3A_199 = arith.cmpi sge, %add3A_179, %ge3A : i32
        %convert_element_type3A_200 = arith.extui %ge3A_199 : i1 to i32
        %cond3A_201 = arith.constant 0 : i32
        %cond3A_202 = arith.cmpi ne, %convert_element_type3A_200, %cond3A_201 : i32
        scf.if %cond3A_202 {
          %dma_wait3A_211 = arith.constant 0 : i32
          %dma_wait3A_212 = tpu.memref_slice %arg7[%dma_wait3A_211] : memref<10240xi32, #tpu.memory_space<vmem>> -> memref<128xi32, #tpu.memory_space<vmem>>
          %dma_wait3A_213 = arith.constant 0 : i32
          %dma_wait3A_214 = arith.constant 0 : i32
          %dma_wait3A_215 = tpu.memref_slice %arg11[%dma_wait3A_213, %dma_wait3A_214] : memref<10240x16xf32, #tpu.memory_space<vmem_shared>> -> memref<10240x16xf32, #tpu.memory_space<vmem_shared>>
          tpu.wait_indirect_dma semaphore(%arg14 : memref<!tpu.dma_semaphore, #tpu.memory_space<semaphore_mem>>) src(%arg8 : memref<128x16xf32, #tpu.memory_space<vmem>>) dst(%dma_wait3A_215 : memref<10240x16xf32, #tpu.memory_space<vmem_shared>>)
        } else {
        }
        %add3A_203 = arith.constant 1 : i32
        %add3A_204 = arith.addi %add3A_179, %add3A_203 : i32
        %mul3A_205 = arith.constant 128 : i32
        %mul3A_206 = arith.muli %add3A_204, %mul3A_205 : i32
        %dma_start3A_207 = tpu.memref_slice %arg6[%mul3A_206] : memref<10240xi32, #tpu.memory_space<vmem>> -> memref<128xi32, #tpu.memory_space<vmem>>
        %dma_start3A_208 = arith.constant 0 : i32
        %dma_start3A_209 = arith.constant 0 : i32
        %dma_start3A_210 = tpu.memref_slice %arg10[%dma_start3A_208, %dma_start3A_209] : memref<10000x16xf32, #tpu.memory_space<vmem_shared>> -> memref<10000x16xf32, #tpu.memory_space<vmem_shared>>
        tpu.enqueue_indirect_dma source(%dma_start3A_210 : memref<10000x16xf32, #tpu.memory_space<vmem_shared>>) target(%arg8 : memref<128x16xf32, #tpu.memory_space<vmem>>) offsets(%dma_start3A_207 : memref<128xi32, #tpu.memory_space<vmem>>) semaphore(%arg12 : memref<!tpu.dma_semaphore, #tpu.memory_space<semaphore_mem>>)
      } else {
      }
    }
    %scan3A_140 = arith.constant 40 : i32
    %dma_wait3A = arith.constant 0 : i32
    %dma_wait3A_141 = tpu.memref_slice %arg7[%dma_wait3A] : memref<10240xi32, #tpu.memory_space<vmem>> -> memref<128xi32, #tpu.memory_space<vmem>>
    %dma_wait3A_142 = arith.constant 0 : i32
    %dma_wait3A_143 = arith.constant 0 : i32
    %dma_wait3A_144 = tpu.memref_slice %arg11[%dma_wait3A_142, %dma_wait3A_143] : memref<10240x16xf32, #tpu.memory_space<vmem_shared>> -> memref<10240x16xf32, #tpu.memory_space<vmem_shared>>
    tpu.wait_indirect_dma semaphore(%arg14 : memref<!tpu.dma_semaphore, #tpu.memory_space<semaphore_mem>>) src(%arg8 : memref<128x16xf32, #tpu.memory_space<vmem>>) dst(%dma_wait3A_144 : memref<10240x16xf32, #tpu.memory_space<vmem_shared>>)
    %dma_wait3A_145 = arith.constant 0 : i32
    %dma_wait3A_146 = tpu.memref_slice %arg7[%dma_wait3A_145] : memref<10240xi32, #tpu.memory_space<vmem>> -> memref<128xi32, #tpu.memory_space<vmem>>
    %dma_wait3A_147 = arith.constant 0 : i32
    %dma_wait3A_148 = arith.constant 0 : i32
    %dma_wait3A_149 = tpu.memref_slice %arg11[%dma_wait3A_147, %dma_wait3A_148] : memref<10240x16xf32, #tpu.memory_space<vmem_shared>> -> memref<10240x16xf32, #tpu.memory_space<vmem_shared>>
    tpu.wait_indirect_dma semaphore(%arg15 : memref<!tpu.dma_semaphore, #tpu.memory_space<semaphore_mem>>) src(%arg9 : memref<128x16xf32, #tpu.memory_space<vmem>>) dst(%dma_wait3A_149 : memref<10240x16xf32, #tpu.memory_space<vmem_shared>>)
    %barrier3A_150 = arith.constant 0 : index
    tpu.barrier barrier_id(%barrier3A_150)
    %mul3A_151 = arith.constant 640 : i32
    %mul3A_152 = arith.muli %arg1, %mul3A_151 : i32
    %mul3A_153 = arith.constant 640 : i32
    %mul3A_154 = arith.muli %arg1, %mul3A_153 : i32
    "tpu.region"() ({
      %run_scoped3A_155 = tpu.sem_alloc : memref<!tpu.dma_semaphore, #tpu.memory_space<semaphore_mem>>
      %dma_start3A_156 = arith.constant 0 : i32
      %dma_start3A_157 = tpu.memref_slice %arg5[%arg0, %mul3A_154, %dma_start3A_156] : memref<2x10240x16xf32, #tpu.memory_space<hbm>> -> memref<1x640x16xf32, #tpu.memory_space<hbm>>
      %dma_start3A_158 = tpu.memref_squeeze %dma_start3A_157 : memref<1x640x16xf32, #tpu.memory_space<hbm>> -> memref<640x16xf32, #tpu.memory_space<hbm>>
      %dma_start3A_159 = arith.constant 0 : i32
      %dma_start3A_160 = tpu.memref_slice %arg11[%mul3A_152, %dma_start3A_159] : memref<10240x16xf32, #tpu.memory_space<vmem_shared>> -> memref<640x16xf32, #tpu.memory_space<vmem_shared>>
      tpu.enqueue_dma source(%dma_start3A_160 : memref<640x16xf32, #tpu.memory_space<vmem_shared>>) target(%dma_start3A_158 : memref<640x16xf32, #tpu.memory_space<hbm>>) target_semaphore(%run_scoped3A_155 : memref<!tpu.dma_semaphore, #tpu.memory_space<semaphore_mem>>)
      %dma_wait3A_161 = arith.constant 0 : i32
      %dma_wait3A_162 = tpu.memref_slice %arg5[%arg0, %mul3A_154, %dma_wait3A_161] : memref<2x10240x16xf32, #tpu.memory_space<hbm>> -> memref<1x640x16xf32, #tpu.memory_space<hbm>>
      %dma_wait3A_163 = tpu.memref_squeeze %dma_wait3A_162 : memref<1x640x16xf32, #tpu.memory_space<hbm>> -> memref<640x16xf32, #tpu.memory_space<hbm>>
      %dma_wait3A_164 = arith.constant 0 : i32
      %dma_wait3A_165 = tpu.memref_slice %arg11[%mul3A_152, %dma_wait3A_164] : memref<10240x16xf32, #tpu.memory_space<vmem_shared>> -> memref<640x16xf32, #tpu.memory_space<vmem_shared>>
      tpu.wait_dma2 semaphore(%run_scoped3A_155 : memref<!tpu.dma_semaphore, #tpu.memory_space<semaphore_mem>>) src(%dma_wait3A_165 : memref<640x16xf32, #tpu.memory_space<vmem_shared>>) dst(%dma_wait3A_163 : memref<640x16xf32, #tpu.memory_space<hbm>>)
      tpu.yield
    }) : () -> ()
    return
  }
}

module attributes {stable_mosaic.version = 14 : i64} {
  func.func @body(%arg0: i32, %arg1: memref<2000x64xf32, #tpu.memory_space<vmem>>, %arg2: memref<2x2000x16xf32, #tpu.memory_space<vmem>>, %arg3: memref<2000x64xf32, #tpu.memory_space<vmem>>, %arg4: memref<2000x16xf32, #tpu.memory_space<vmem>>) attributes {dimension_semantics = [#tpu.dimension_semantics<arbitrary>], iteration_bounds = array<i64: 5>, scalar_prefetch = 0 : i64, scratch_operands = 0 : i64, tpu.core_type = #tpu.core_type<tc>, window_params = [{transform_indices = @transform_0, window_bounds = array<i64: 2000, 64>}, {transform_indices = @transform_1, window_bounds = array<i64: 2, 2000, 16>}, {transform_indices = @transform_2, window_bounds = array<i64: 2000, 64>}, {transform_indices = @transform_3, window_bounds = array<i64: 2000, 16>}]} {
    %get3A = arith.constant 0 : index
    %get3A_0 = arith.constant 0 : index
    %get3A_1 = arith.constant 0 : index
    %get3A_2 = vector.load %arg2[%get3A, %get3A_0, %get3A_1] : memref<2x2000x16xf32, #tpu.memory_space<vmem>>, vector<1x2000x16xf32>
    %get3A_3 = vector.shape_cast %get3A_2 : vector<1x2000x16xf32> to vector<2000x16xf32>
    %add3A = arith.constant 1.000000e+00 : f32
    %add3A_4 = vector.broadcast %add3A : f32 to vector<2000x16xf32>
    %add3A_5 = arith.addf %add3A_4, %get3A_3 : vector<2000x16xf32>
    %get3A_6 = arith.constant 1 : index
    %get3A_7 = arith.constant 0 : index
    %get3A_8 = arith.constant 0 : index
    %get3A_9 = vector.load %arg2[%get3A_6, %get3A_7, %get3A_8] : memref<2x2000x16xf32, #tpu.memory_space<vmem>>, vector<1x2000x16xf32>
    %get3A_10 = vector.shape_cast %get3A_9 : vector<1x2000x16xf32> to vector<2000x16xf32>
    %add3A_11 = arith.addf %add3A_5, %get3A_10 : vector<2000x16xf32>
    %rsqrt3A = math.rsqrt %add3A_11 : vector<2000x16xf32>
    %get3A_12 = arith.constant 0 : index
    %get3A_13 = arith.constant 0 : index
    %get3A_14 = vector.load %arg1[%get3A_12, %get3A_13] : memref<2000x64xf32, #tpu.memory_space<vmem>>, vector<2000x64xf32>
    %slice3A = vector.extract_strided_slice %rsqrt3A {offsets = [0, 0], sizes = [2000, 1], strides = [1, 1]} : vector<2000x16xf32> to vector<2000x1xf32>
    %mul3A = vector.broadcast %slice3A : vector<2000x1xf32> to vector<2000x64xf32>
    %mul3A_15 = arith.mulf %get3A_14, %mul3A : vector<2000x64xf32>
    %swap3A = arith.constant 0 : index
    %swap3A_16 = arith.constant 0 : index
    %swap3A_17 = vector.load %arg3[%swap3A, %swap3A_16] : memref<2000x64xf32, #tpu.memory_space<vmem>>, vector<2000x64xf32>
    tpu.vector_store %arg3[%swap3A, %swap3A_16], %mul3A_15 {strides = array<i32>} : memref<2000x64xf32, #tpu.memory_space<vmem>>, vector<2000x64xf32>,
    %swap3A_18 = arith.constant 0 : index
    %swap3A_19 = arith.constant 0 : index
    %swap3A_20 = vector.load %arg4[%swap3A_18, %swap3A_19] : memref<2000x16xf32, #tpu.memory_space<vmem>>, vector<2000x16xf32>
    tpu.vector_store %arg4[%swap3A_18, %swap3A_19], %rsqrt3A {strides = array<i32>} : memref<2000x16xf32, #tpu.memory_space<vmem>>, vector<2000x16xf32>,
    return
  }
  func.func @transform_0(%arg0: i32) -> (i32, i32) {
    %c0_i32 = arith.constant 0 : i32
    %c0_i32_0 = arith.constant 0 : i32
    return %arg0, %c0_i32 : i32, i32
  }
  func.func @transform_1(%arg0: i32) -> (i32, i32, i32) {
    %c0_i32 = arith.constant 0 : i32
    %c0_i32_0 = arith.constant 0 : i32
    %c0_i32_1 = arith.constant 0 : i32
    return %c0_i32, %arg0, %c0_i32_0 : i32, i32, i32
  }
  func.func @transform_2(%arg0: i32) -> (i32, i32) {
    %c0_i32 = arith.constant 0 : i32
    %c0_i32_0 = arith.constant 0 : i32
    return %arg0, %c0_i32 : i32, i32
  }
  func.func @transform_3(%arg0: i32) -> (i32, i32) {
    %c0_i32 = arith.constant 0 : i32
    %c0_i32_0 = arith.constant 0 : i32
    return %arg0, %c0_i32 : i32, i32
  }
}

module attributes {stable_mosaic.version = 14 : i64} {
  func.func @body(%arg0: i32, %arg1: memref<2000x128xf32, #tpu.memory_space<vmem>>, %arg2: memref<128x64xf32, #tpu.memory_space<vmem>>, %arg3: memref<2000x64xf32, #tpu.memory_space<vmem>>) attributes {dimension_semantics = [#tpu.dimension_semantics<arbitrary>], iteration_bounds = array<i64: 5>, scalar_prefetch = 0 : i64, scratch_operands = 0 : i64, tpu.core_type = #tpu.core_type<tc>, window_params = [{transform_indices = @transform_0, window_bounds = array<i64: 2000, 128>}, {pipeline_mode = #tpu.pipeline_mode<synchronous>, transform_indices = @transform_1, window_bounds = array<i64: 128, 64>}, {transform_indices = @transform_2, window_bounds = array<i64: 2000, 64>}]} {
    %get3A = arith.constant 0 : index
    %get3A_0 = arith.constant 0 : index
    %get3A_1 = vector.load %arg1[%get3A, %get3A_0] : memref<2000x128xf32, #tpu.memory_space<vmem>>, vector<2000x128xf32>
    %get3A_2 = arith.constant 0 : index
    %get3A_3 = arith.constant 0 : index
    %get3A_4 = vector.load %arg2[%get3A_2, %get3A_3] : memref<128x64xf32, #tpu.memory_space<vmem>>, vector<128x64xf32>
    %dot_general3A = arith.constant dense<0.000000e+00> : vector<2000x64xf32>
    %dot_general3A_5 = tpu.matmul %get3A_1, %get3A_4, %dot_general3A {dimension_numbers = #tpu.dot_dimension_numbers<[1], [0], [0], [1], [0, 0, 1, 1], [], []>, transpose_lhs_hint = false} : vector<2000x128xf32>, vector<128x64xf32>, vector<2000x64xf32> -> vector<2000x64xf32>
    %swap3A = arith.constant 0 : index
    %swap3A_6 = arith.constant 0 : index
    %swap3A_7 = vector.load %arg3[%swap3A, %swap3A_6] : memref<2000x64xf32, #tpu.memory_space<vmem>>, vector<2000x64xf32>
    tpu.vector_store %arg3[%swap3A, %swap3A_6], %dot_general3A_5 {strides = array<i32>} : memref<2000x64xf32, #tpu.memory_space<vmem>>, vector<2000x64xf32>,
    return
  }
  func.func @transform_0(%arg0: i32) -> (i32, i32) {
    %c0_i32 = arith.constant 0 : i32
    %c0_i32_0 = arith.constant 0 : i32
    return %arg0, %c0_i32 : i32, i32
  }
  func.func @transform_1(%arg0: i32) -> (i32, i32) {
    %c0_i32 = arith.constant 0 : i32
    %c0_i32_0 = arith.constant 0 : i32
    %c0_i32_1 = arith.constant 0 : i32
    return %c0_i32, %c0_i32_0 : i32, i32
  }
  func.func @transform_2(%arg0: i32) -> (i32, i32) {
    %c0_i32 = arith.constant 0 : i32
    %c0_i32_0 = arith.constant 0 : i32
    return %arg0, %c0_i32 : i32, i32
  }
}

module attributes {stable_mosaic.version = 14 : i64} {
  func.func @body(%arg0: i32, %arg1: memref<2x2000x64xf32, #tpu.memory_space<vmem>>, %arg2: memref<2000x64xf32, #tpu.memory_space<vmem>>, %arg3: memref<2000x16xf32, #tpu.memory_space<vmem>>, %arg4: memref<1x64xf32, #tpu.memory_space<vmem>>, %arg5: memref<64x16xf32, #tpu.memory_space<vmem>>, %arg6: memref<2000x16xf32, #tpu.memory_space<vmem>>) attributes {dimension_semantics = [#tpu.dimension_semantics<arbitrary>], iteration_bounds = array<i64: 5>, scalar_prefetch = 0 : i64, scratch_operands = 0 : i64, tpu.core_type = #tpu.core_type<tc>, window_params = [{transform_indices = @transform_0, window_bounds = array<i64: 2, 2000, 64>}, {transform_indices = @transform_1, window_bounds = array<i64: 2000, 64>}, {transform_indices = @transform_2, window_bounds = array<i64: 2000, 16>}, {pipeline_mode = #tpu.pipeline_mode<synchronous>, transform_indices = @transform_3, window_bounds = array<i64: 1, 64>}, {pipeline_mode = #tpu.pipeline_mode<synchronous>, transform_indices = @transform_4, window_bounds = array<i64: 64, 16>}, {transform_indices = @transform_5, window_bounds = array<i64: 2000, 16>}]} {
    %get3A = arith.constant 0 : index
    %get3A_0 = arith.constant 0 : index
    %get3A_1 = vector.load %arg3[%get3A, %get3A_0] : memref<2000x16xf32, #tpu.memory_space<vmem>>, vector<2000x16xf32>
    %slice3A = vector.extract_strided_slice %get3A_1 {offsets = [0, 0], sizes = [2000, 1], strides = [1, 1]} : vector<2000x16xf32> to vector<2000x1xf32>
    %get3A_2 = arith.constant 0 : index
    %get3A_3 = arith.constant 0 : index
    %get3A_4 = arith.constant 0 : index
    %get3A_5 = vector.load %arg1[%get3A_2, %get3A_3, %get3A_4] : memref<2x2000x64xf32, #tpu.memory_space<vmem>>, vector<1x2000x64xf32>
    %get3A_6 = vector.shape_cast %get3A_5 : vector<1x2000x64xf32> to vector<2000x64xf32>
    %get3A_7 = arith.constant 1 : index
    %get3A_8 = arith.constant 0 : index
    %get3A_9 = arith.constant 0 : index
    %get3A_10 = vector.load %arg1[%get3A_7, %get3A_8, %get3A_9] : memref<2x2000x64xf32, #tpu.memory_space<vmem>>, vector<1x2000x64xf32>
    %get3A_11 = vector.shape_cast %get3A_10 : vector<1x2000x64xf32> to vector<2000x64xf32>
    %add3A = arith.addf %get3A_6, %get3A_11 : vector<2000x64xf32>
    %get3A_12 = arith.constant 0 : index
    %get3A_13 = arith.constant 0 : index
    %get3A_14 = vector.load %arg2[%get3A_12, %get3A_13] : memref<2000x64xf32, #tpu.memory_space<vmem>>, vector<2000x64xf32>
    %add3A_15 = arith.addf %add3A, %get3A_14 : vector<2000x64xf32>
    %mul3A = vector.broadcast %slice3A : vector<2000x1xf32> to vector<2000x64xf32>
    %mul3A_16 = arith.mulf %add3A_15, %mul3A : vector<2000x64xf32>
    %get3A_17 = arith.constant 0 : index
    %get3A_18 = arith.constant 0 : index
    %get3A_19 = vector.load %arg4[%get3A_17, %get3A_18] : memref<1x64xf32, #tpu.memory_space<vmem>>, vector<1x64xf32>
    %add3A_20 = vector.broadcast %get3A_19 : vector<1x64xf32> to vector<2000x64xf32>
    %add3A_21 = arith.addf %mul3A_16, %add3A_20 : vector<2000x64xf32>
    %max3A = arith.constant 0.000000e+00 : f32
    %max3A_22 = vector.broadcast %max3A : f32 to vector<2000x64xf32>
    %max3A_23 = arith.maximumf %add3A_21, %max3A_22 : vector<2000x64xf32>
    %get3A_24 = arith.constant 0 : index
    %get3A_25 = arith.constant 0 : index
    %get3A_26 = vector.load %arg5[%get3A_24, %get3A_25] : memref<64x16xf32, #tpu.memory_space<vmem>>, vector<64x16xf32>
    %dot_general3A = arith.constant dense<0.000000e+00> : vector<2000x16xf32>
    %dot_general3A_27 = tpu.matmul %max3A_23, %get3A_26, %dot_general3A {dimension_numbers = #tpu.dot_dimension_numbers<[1], [0], [0], [1], [0, 0, 1, 1], [], []>, transpose_lhs_hint = false} : vector<2000x64xf32>, vector<64x16xf32>, vector<2000x16xf32> -> vector<2000x16xf32>
    %mul3A_28 = vector.broadcast %slice3A : vector<2000x1xf32> to vector<2000x16xf32>
    %mul3A_29 = arith.mulf %dot_general3A_27, %mul3A_28 : vector<2000x16xf32>
    %swap3A = arith.constant 0 : index
    %swap3A_30 = arith.constant 0 : index
    %swap3A_31 = vector.load %arg6[%swap3A, %swap3A_30] : memref<2000x16xf32, #tpu.memory_space<vmem>>, vector<2000x16xf32>
    tpu.vector_store %arg6[%swap3A, %swap3A_30], %mul3A_29 {strides = array<i32>} : memref<2000x16xf32, #tpu.memory_space<vmem>>, vector<2000x16xf32>,
    return
  }
  func.func @transform_0(%arg0: i32) -> (i32, i32, i32) {
    %c0_i32 = arith.constant 0 : i32
    %c0_i32_0 = arith.constant 0 : i32
    %c0_i32_1 = arith.constant 0 : i32
    return %c0_i32, %arg0, %c0_i32_0 : i32, i32, i32
  }
  func.func @transform_1(%arg0: i32) -> (i32, i32) {
    %c0_i32 = arith.constant 0 : i32
    %c0_i32_0 = arith.constant 0 : i32
    return %arg0, %c0_i32 : i32, i32
  }
  func.func @transform_2(%arg0: i32) -> (i32, i32) {
    %c0_i32 = arith.constant 0 : i32
    %c0_i32_0 = arith.constant 0 : i32
    return %arg0, %c0_i32 : i32, i32
  }
  func.func @transform_3(%arg0: i32) -> (i32, i32) {
    %c0_i32 = arith.constant 0 : i32
    %c0_i32_0 = arith.constant 0 : i32
    %c0_i32_1 = arith.constant 0 : i32
    return %c0_i32, %c0_i32_0 : i32, i32
  }
  func.func @transform_4(%arg0: i32) -> (i32, i32) {
    %c0_i32 = arith.constant 0 : i32
    %c0_i32_0 = arith.constant 0 : i32
    %c0_i32_1 = arith.constant 0 : i32
    return %c0_i32, %c0_i32_0 : i32, i32
  }
  func.func @transform_5(%arg0: i32) -> (i32, i32) {
    %c0_i32 = arith.constant 0 : i32
    %c0_i32_0 = arith.constant 0 : i32
    return %arg0, %c0_i32 : i32, i32
  }
}

module attributes {stable_mosaic.version = 14 : i64} {
  func.func @body(%arg0: i32, %arg1: memref<2x2000x16xf32, #tpu.memory_space<vmem>>, %arg2: memref<2000x16xf32, #tpu.memory_space<vmem>>, %arg3: memref<2000x16xf32, #tpu.memory_space<vmem>>, %arg4: memref<1x16xf32, #tpu.memory_space<vmem>>, %arg5: memref<2000x16xf32, #tpu.memory_space<vmem>>) attributes {dimension_semantics = [#tpu.dimension_semantics<arbitrary>], iteration_bounds = array<i64: 5>, scalar_prefetch = 0 : i64, scratch_operands = 0 : i64, tpu.core_type = #tpu.core_type<tc>, window_params = [{transform_indices = @transform_0, window_bounds = array<i64: 2, 2000, 16>}, {transform_indices = @transform_1, window_bounds = array<i64: 2000, 16>}, {transform_indices = @transform_2, window_bounds = array<i64: 2000, 16>}, {pipeline_mode = #tpu.pipeline_mode<synchronous>, transform_indices = @transform_3, window_bounds = array<i64: 1, 16>}, {transform_indices = @transform_4, window_bounds = array<i64: 2000, 16>}]} {
    %get3A = arith.constant 0 : index
    %get3A_0 = arith.constant 0 : index
    %get3A_1 = vector.load %arg3[%get3A, %get3A_0] : memref<2000x16xf32, #tpu.memory_space<vmem>>, vector<2000x16xf32>
    %slice3A = vector.extract_strided_slice %get3A_1 {offsets = [0, 0], sizes = [2000, 1], strides = [1, 1]} : vector<2000x16xf32> to vector<2000x1xf32>
    %get3A_2 = arith.constant 0 : index
    %get3A_3 = arith.constant 0 : index
    %get3A_4 = arith.constant 0 : index
    %get3A_5 = vector.load %arg1[%get3A_2, %get3A_3, %get3A_4] : memref<2x2000x16xf32, #tpu.memory_space<vmem>>, vector<1x2000x16xf32>
    %get3A_6 = vector.shape_cast %get3A_5 : vector<1x2000x16xf32> to vector<2000x16xf32>
    %get3A_7 = arith.constant 1 : index
    %get3A_8 = arith.constant 0 : index
    %get3A_9 = arith.constant 0 : index
    %get3A_10 = vector.load %arg1[%get3A_7, %get3A_8, %get3A_9] : memref<2x2000x16xf32, #tpu.memory_space<vmem>>, vector<1x2000x16xf32>
    %get3A_11 = vector.shape_cast %get3A_10 : vector<1x2000x16xf32> to vector<2000x16xf32>
    %add3A = arith.addf %get3A_6, %get3A_11 : vector<2000x16xf32>
    %get3A_12 = arith.constant 0 : index
    %get3A_13 = arith.constant 0 : index
    %get3A_14 = vector.load %arg2[%get3A_12, %get3A_13] : memref<2000x16xf32, #tpu.memory_space<vmem>>, vector<2000x16xf32>
    %add3A_15 = arith.addf %add3A, %get3A_14 : vector<2000x16xf32>
    %mul3A = vector.broadcast %slice3A : vector<2000x1xf32> to vector<2000x16xf32>
    %mul3A_16 = arith.mulf %add3A_15, %mul3A : vector<2000x16xf32>
    %get3A_17 = arith.constant 0 : index
    %get3A_18 = arith.constant 0 : index
    %get3A_19 = vector.load %arg4[%get3A_17, %get3A_18] : memref<1x16xf32, #tpu.memory_space<vmem>>, vector<1x16xf32>
    %add3A_20 = vector.broadcast %get3A_19 : vector<1x16xf32> to vector<2000x16xf32>
    %add3A_21 = arith.addf %mul3A_16, %add3A_20 : vector<2000x16xf32>
    %slice3A_22 = vector.extract_strided_slice %add3A_21 {offsets = [0, 0], sizes = [2000, 1], strides = [1, 1]} : vector<2000x16xf32> to vector<2000x1xf32>
    %slice3A_23 = vector.extract_strided_slice %add3A_21 {offsets = [0, 1], sizes = [2000, 1], strides = [1, 1]} : vector<2000x16xf32> to vector<2000x1xf32>
    %max3A = arith.maximumf %slice3A_22, %slice3A_23 : vector<2000x1xf32>
    %sub3A = arith.subf %slice3A_22, %max3A : vector<2000x1xf32>
    %exp3A = math.exp %sub3A : vector<2000x1xf32>
    %sub3A_24 = arith.subf %slice3A_23, %max3A : vector<2000x1xf32>
    %exp3A_25 = math.exp %sub3A_24 : vector<2000x1xf32>
    %add3A_26 = arith.addf %exp3A, %exp3A_25 : vector<2000x1xf32>
    %log3A = math.log %add3A_26 : vector<2000x1xf32>
    %add3A_27 = arith.addf %max3A, %log3A : vector<2000x1xf32>
    %sub3A_28 = vector.broadcast %add3A_27 : vector<2000x1xf32> to vector<2000x16xf32>
    %sub3A_29 = arith.subf %add3A_21, %sub3A_28 : vector<2000x16xf32>
    %swap3A = arith.constant 0 : index
    %swap3A_30 = arith.constant 0 : index
    %swap3A_31 = vector.load %arg5[%swap3A, %swap3A_30] : memref<2000x16xf32, #tpu.memory_space<vmem>>, vector<2000x16xf32>
    tpu.vector_store %arg5[%swap3A, %swap3A_30], %sub3A_29 {strides = array<i32>} : memref<2000x16xf32, #tpu.memory_space<vmem>>, vector<2000x16xf32>,
    return
  }
  func.func @transform_0(%arg0: i32) -> (i32, i32, i32) {
    %c0_i32 = arith.constant 0 : i32
    %c0_i32_0 = arith.constant 0 : i32
    %c0_i32_1 = arith.constant 0 : i32
    return %c0_i32, %arg0, %c0_i32_0 : i32, i32, i32
  }
  func.func @transform_1(%arg0: i32) -> (i32, i32) {
    %c0_i32 = arith.constant 0 : i32
    %c0_i32_0 = arith.constant 0 : i32
    return %arg0, %c0_i32 : i32, i32
  }
  func.func @transform_2(%arg0: i32) -> (i32, i32) {
    %c0_i32 = arith.constant 0 : i32
    %c0_i32_0 = arith.constant 0 : i32
    return %arg0, %c0_i32 : i32, i32
  }
  func.func @transform_3(%arg0: i32) -> (i32, i32) {
    %c0_i32 = arith.constant 0 : i32
    %c0_i32_0 = arith.constant 0 : i32
    %c0_i32_1 = arith.constant 0 : i32
    return %c0_i32, %c0_i32_0 : i32, i32
  }
  func.func @transform_4(%arg0: i32) -> (i32, i32) {
    %c0_i32 = arith.constant 0 : i32
    %c0_i32_0 = arith.constant 0 : i32
    return %arg0, %c0_i32 : i32, i32
  }
}

</mosaic_0001>

<sc_bundles>
// kernel: kernel.12.cloned.1.call-start
scs
__scs_entry_jumppad:
0x0: {  	(pc) =	sbr.rel $0x88, $3  }
0x1: {  	(tag) =	ssettag $0x0;
	lr =	simm.s32 $0x1  }
0x2: {  	[smem:$0x3F9B] =	sst lr;
	_ =	strace $0xD0000000  }
0x3: {  	_ = 	snop  }
0x4: {  	_ = 	snop  }
0x5: {  	_ = 	snop  }
0x6: {  	_ = 	snop  }
0x7: {  	_ = 	snop  }
__scs_overlays_trampoline_lowered:
0x8: {  	[smem:$0x3FAA] =	sst s0  }
0x9: {  	[smem:$0x3FAB] =	sst s1  }
0xa: {  	[smem:$0x3FAC] =	sst s2  }
0xb: {  	[smem:$0x3FAD] =	sst s3  }
0xc: {  	[smem:$0x3FAE] =	sst s4  }
0xd: {  	[smem:$0x3FAF] =	sst s5  }
0xe: {  	[smem:$0x3FB0] =	sst s6  }
0xf: {  	[smem:$0x3FB1] =	sst s7  }
0x10: {  	[smem:$0x3FB2] =	sst s8  }
0x11: {  	[smem:$0x3FB3] =	sst s9;
	s0 =	simm.s32 @!p0 $0x0  }
0x12: {  	s1 =	sld [smem:$0x3F99];
	s0 =	simm.s32 @p0 $0x1  }
0x13: {  	[smem:$0x3FB4] =	sst s0;
	s0 =	simm.s32 @!p1 $0x0  }
0x14: {  	s2 =	sld [smem:$0x3F98];
	s0 =	simm.s32 @p1 $0x1  }
0x15: {  	[smem:$0x3FB5] =	sst s0;
	s0 =	simm.s32 @!p2 $0x0  }
0x16: {  	s3 =	sld [smem:$0x3FDB];
	s0 =	simm.s32 @p2 $0x1  }
0x17: {  	s4 =	simm.s32 $0x1BF5;
	[smem:$0x3FB7] =	sst s0  }
0x18: {  	s0 =	sld [smem:$0x3F9A];
	_ =	swait.ge [sflag:s4], $0x0  }
0x19: {  	s7 =	sld [smem:$0x3F9B]  }
0x1a: {  	s8 =	sadd.s32 $0xFFFFE003, lr  }
0x1b: {  	s9 =	sadd.s32 $0xFFFFFEF7, lr;
	s5 =	simm.s32 $0xFFFFFFFF;
	p2 =	slt.u32 s8, $0xFFFFF086  }
0x1c: {  	p1 =	slt.u32 s9, $0xF7A;
	s5 =	simm.s32 @!p2 $0x0  }
0x1d: {  	s5 =	simm.s32 @p1 $0x1;
	p0 =	seq.s32 s7, s2  }
0x1e: {  	s7 =	smul.u32 @!p0 $0xF7A, s2;
	p2 =	seq.s32 @!p0 s5, $0x0  }
0x1f: {  	s9 =	smul.u32 $0xF7A, s1;
	s8 =	simm.s32 @!p0 $0x1BF5;
	p2 =	por !p2, p0  }
0x20: {  	[sflag:s8] =	ssyncset.s32 @!p0 $0xFFFFF086;
	s6 =	sadd.s32 @!p0 s3, s7;
	s7 =	simm.s32 @!p0 $0x108  }
0x21: {  	s3 =	sadd.s32 s3, s9;
	s6 =	sadd.s32 @!p0 $0x88, s6;
	s7 =	simm.s32 @p2 $0x1082  }
0x22: {  	[simem:s7], [sflag:s8] =	dma.local @!p0 [hbm:s6], $0xF7A  }
0x23: {  	s9 =	sor.u32 $0xD0000000, s2;
	s6 =	simm.s32 $0x108;
	_ =	swait.ge @!p0 [sflag:s8], $0x0  }
0x24: {  	s3 =	sadd.s32 $0x88, s3;
	s6 =	simm.s32 @!p1 $0x1082;
	[sflag:s4] =	ssyncset.s32 $0xFFFFF086  }
0x25: {  	[simem:s6], [sflag:s4] =	dma.local [hbm:s3], $0xF7A  }
0x26: {  	[smem:$0x3F9B] =	sst s1;
	(tag) =	ssettag s2;
	_ =	strace s9  }
0x27: {  	s1 =	sld [smem:$0x3FAB]  }
0x28: {  	s2 =	sld [smem:$0x3FAC]  }
0x29: {  	s4 =	sld [smem:$0x3FAE]  }
0x2a: {  	p0 =	seq.s32 s5, $0x0;
	s5 =	sld [smem:$0x3FAF]  }
0x2b: {  	s6 =	sld [smem:$0x3FB0]  }
0x2c: {  	s7 =	sld [smem:$0x3FB1]  }
0x2d: {  	s3 =	simm.s32 $0x108;
	s8 =	sld [smem:$0x3FB2]  }
0x2e: {  	s3 =	simm.s32 @!p0 $0x1082;
	s9 =	sld [smem:$0x3FB3]  }
0x2f: {  	lr =	sadd.s32 s0, s3;
	s0 =	sld [smem:$0x3FAA]  }
0x30: {  	s3 =	sld [smem:$0x3FAD]  }
0x31: {  	[smem:$0x3FB6] =	sst s10  }
0x32: {  	s10 =	sld [smem:$0x3FB4];
	_ =	sdelay $0x3  }
0x33: {  	p0 =	seq.s32 s10, $0x1;
	s10 =	sld [smem:$0x3FB6];
	_ =	sdelay $0x3  }
0x34: {  	[smem:$0x3FB6] =	sst s10  }
0x35: {  	s10 =	sld [smem:$0x3FB5];
	_ =	sdelay $0x3  }
0x36: {  	p1 =	seq.s32 s10, $0x1;
	s10 =	sld [smem:$0x3FB6];
	_ =	sdelay $0x3  }
0x37: {  	[smem:$0x3FB6] =	sst s10  }
0x38: {  	s10 =	sld [smem:$0x3FB7]  }
0x39: {  	_ = 	snop;
	(pc) =	sbr.ind lr, $3  }
0x3a: {  	_ = 	snop  }
0x3b: {  	_ = 	snop  }
0x3c: {  	p2 =	seq.s32 s10, $0x1;
	s10 =	sld [smem:$0x3FB6]  }
0x3d: {  	_ =	shalt  }
0x3e: {  	_ =	shalt  }
0x3f: {  	_ =	shalt  }
0x40: {  	_ =	shalt  }
0x41: {  	_ =	shalt  }
0x42: {  	_ =	shalt  }
0x43: {  	_ =	shalt  }
0x44: {  	_ =	shalt  }
0x45: {  	_ =	shalt  }
0x46: {  	_ =	shalt  }
0x47: {  	_ =	shalt  }
0x48: {  	_ =	shalt  }
0x49: {  	_ =	shalt  }
0x4a: {  	_ =	shalt  }
0x4b: {  	_ =	shalt  }
0x4c: {  	_ =	shalt  }
0x4d: {  	_ =	shalt  }
0x4e: {  	_ =	shalt  }
0x4f: {  	_ =	shalt  }
0x50: {  	_ =	shalt  }
0x51: {  	_ =	shalt  }
0x52: {  	_ =	shalt  }
0x53: {  	_ =	shalt  }
0x54: {  	_ =	shalt  }
0x55: {  	_ =	shalt  }
0x56: {  	_ =	shalt  }
0x57: {  	_ =	shalt  }
0x58: {  	_ =	shalt  }
0x59: {  	_ =	shalt  }
0x5a: {  	_ =	shalt  }
0x5b: {  	_ =	shalt  }
0x5c: {  	_ =	shalt  }
0x5d: {  	_ =	shalt  }
0x5e: {  	_ =	shalt  }
0x5f: {  	_ =	shalt  }
0x60: {  	_ =	shalt  }
0x61: {  	_ =	shalt  }
0x62: {  	_ =	shalt  }
0x63: {  	_ =	shalt  }
0x64: {  	_ =	shalt  }
0x65: {  	_ =	shalt  }
0x66: {  	_ =	shalt  }
0x67: {  	_ =	shalt  }
0x68: {  	_ =	shalt  }
0x69: {  	_ =	shalt  }
0x6a: {  	_ =	shalt  }
0x6b: {  	_ =	shalt  }
0x6c: {  	_ =	shalt  }
0x6d: {  	_ =	shalt  }
0x6e: {  	_ =	shalt  }
0x6f: {  	_ =	shalt  }
0x70: {  	_ =	shalt  }
0x71: {  	_ =	shalt  }
0x72: {  	_ =	shalt  }
0x73: {  	_ =	shalt  }
0x74: {  	_ =	shalt  }
0x75: {  	_ =	shalt  }
0x76: {  	_ =	shalt  }
0x77: {  	_ =	shalt  }
0x78: {  	_ =	shalt  }
0x79: {  	_ =	shalt  }
0x7a: {  	_ =	shalt  }
0x7b: {  	_ =	shalt  }
0x7c: {  	_ =	shalt  }
0x7d: {  	_ =	shalt  }
0x7e: {  	_ =	shalt  }
0x7f: {  	_ =	shalt  }
0x80: {  	_ =	shalt  }
0x81: {  	_ =	shalt  }
0x82: {  	_ =	shalt  }
0x83: {  	_ =	shalt  }
0x84: {  	_ =	shalt  }
0x85: {  	_ =	shalt  }
0x86: {  	_ =	shalt  }
0x87: {  	_ =	shalt  }
.Lfunc_end0:
.L_simem_size_0:
called_computation.1_lowered:
.L_overlay_start_0:
0x88: {  	s2 =	sld [smem:$0x3FD9]  }
0x89: {  	s3 =	sld [smem:$0x3FFE];
	_ =	sdelay $0x1  }
0x8a: {  	s1 =	srdreg.scid  }
0x8b: {  	s0 =	sand.u32 $0x1, s1  }
0x8c: {  	s16 =	sshll.u32 s0, $0xA;
	s2 =	sadd.s32 s3, s2  }
0x8d: {  	s2 =	sadd.s32 s2, s16  }
0x8e: {  	[smem:$0x3FC2] =	sst s2  }
0x8f: {  	_ = 	snop  }
0x90: {  	(tm) =	ssettm $0x1  }
0x91: {  	s17 =	sld [smem:$0x3FFB];
	_ =	sdelay $0x3  }
0x92: {  	_ =	strace s17  }
0x93: {  	s2 =	sld [smem:$0x3FFC];
	_ =	sdelay $0x3  }
0x94: {  	_ =	strace s2  }
0x95: {  	s2 =	sld [smem:$0x3FFD];
	_ =	sdelay $0x3  }
0x96: {  	_ =	strace s2  }
0x97: {  	_ =	strace $0x8FFFFFFF  }
0x98: {  	s18 =	sld [smem:$0x3FDB];
	_ =	sdelay $0x1  }
0x99: {  	s19 =	simm.s32 $_scs_section_size  }
0x9a: {  	s4 =	simm.s32 $_size__tile_overlayer_lowered;
	s5 =	simm.s32 $_tile_overlayer_lowered  }
0x9b: {  	s22 =	simm.s32 $0x1BFF;
	s21 =	sshll.u32 s5, $0x1;
	s2 =	sadd.s32 s19, s18  }
0x9c: {  	s6 =	simm.s32 $0x0;
	s20 =	sshll.u32 s4, $0x1;
	s4 =	sadd.s32 s21, s2  }
0x9d: {  	[timem:s6], [sflag:s22] =	dma.local [hbm:s4], s20  }
0x9e: {  	_ =	swait.ge [sflag:s22], s20  }
0x9f: {  	s3 =	ssub.s32 $0x0, s20;
	[sflag:s22] =	ssyncset.done $0x0  }
0xa0: {  	[sflag:s22] =	ssyncadd.s32 s3;
	_ =	sdelay $0x1  }
0xa1: {  	s23 =	simm.s32 $0x1B8B  }
0xa2: {  	_ =	swait.ge [sflag:s23], $0x1  }
0xa3: {  	[sflag:s23] =	ssyncset.done $0x0  }
0xa4: {  	s25 =	simm.s32 $0x1B8E;
	s24 =	sld [smem:$0x3FFE];
	[sflag:s23] =	ssyncadd.s32 $0xFFFFFFFF  }
0xa5: {  	s26 =	simm.s32 $execute0_lowered;
	[smem:$0x3FD2] =	sst s25  }
0xa6: {  	s4 =	sshll.u32 s26, $0x1;
	_ =	strace $0x80000049;
	[dreg:$0x1] =	wrdreg $0xFFFFFFFF  }
0xa7: {  	s28 =	simm.s32 $_size_execute0_lowered;
	s2 =	sadd.s32 s2, s4;
	[dreg:$0x0] =	wrdreg $0x0  }
0xa8: {  	s4 =	sshll.u32 s28, $0x1;
	[dreg:$0x2] =	wrdreg s2  }
0xa9: {  	[dreg:$0x3] =	wrdreg s4  }
0xaa: {  	[dreg:$0x4] =	wrdreg $0xC0  }
0xab: {  	_ =	task [dreg:s6], $0x5FFFF  }
0xac: {  	[dreg:$0x1] =	wrdreg $0xFFFFFFFF  }
0xad: {  	[dreg:$0x0] =	wrdreg $0x60  }
0xae: {  	[dreg:$0x2] =	wrdreg s24  }
0xaf: {  	[dreg:$0x3] =	wrdreg $0x90000  }
0xb0: {  	[dreg:$0x4] =	wrdreg $0x12C400  }
0xb1: {  	[dreg:$0x5] =	wrdreg $0x9  }
0xb2: {  	_ =	task.clear_ibuf [dreg:s6], $0x6FFFF;
	_ =	strace $0x90000049  }
0xb3: {  	s29 =	simm.s32 $0x9;
	_ =	strace $0x8000004B  }
0xb4: {  	_ =	swait.ge [sflag:s29], $0x1  }
0xb5: {  	[sflag:s29] =	ssyncadd.s32 $0xFFFFFFFF  }
0xb6: {  	_ =	strace $0x9000004B  }
0xb7: {  	_ =	sfence  }
0xb8: {  	s30 =	sld [smem:$0x0];
	_ =	sdelay $0x2  }
0xb9: {  	s31 =	sshll.u32 s1, $0xD;
	s1 =	sshrl.u32 s1, $0x2  }
0xba: {  	s3 =	sand.u32 $0x4000, s31;
	s1 =	sadd.s32 s1, s30  }
0xbb: {  	s0 =	sor.u32 s3, s0;
	s1 =	sshll.u32 s1, $0x11  }
0xbc: {  	s0 =	sor.u32 s1, s0  }
0xbd: {  	s0 =	sadd.s32 $0x8F2B, s0  }
0xbe: {  	[sflag:s0] =	ssyncadd.remote.s32 $0x1  }
0xbf: {  	_ =	sfence.sel $0xFFFF  }
0xc0: {  	[dreg:$0x0] =	wrdreg $0xFFFFFFFF;
	(pc) =	sbr.abs _section_cstart, $3  }
0xc1: {  	[dreg:$0x1] =	wrdreg $0xFFFFFFFF  }
0xc2: {  	_ =	task.clear_ibuf [dreg:s6], $0x2FFFF;
	_ =	strace $0x9FFFFFFF  }
0xc3: {  	(tm) =	ssettm $0x7FFFFFFF  }
tec
execute0_lowered:
.L_overlay_start_1:
0x0: {  	(tag) =	ssettag $0x1  }
0x1: {  	s6 =	rddreg [dreg:$0x0]  }
0x2: {  	s0 =	srdreg.scid;
	s2 =	rddreg [dreg:$0x1]  }
0x3: {  	s3 =	rddreg [dreg:$0x2];
	s4 =	simm.s32 $0x0;
	s16 =	simm.s32 $0x80  }
0x4: {  	s17 =	simm.s32 $0x5000;
	s18 =	simm.s32 $0x1;
	s19 =	simm.s32 $0x7000  }
0x5: {  	s20 =	simm.s32 $0x2;
	s21 =	simm.s32 $0x2880;
	s22 =	simm.s32 $0x3  }
0x6: {  	s23 =	simm.s32 $0x100;
	s5 =	sand.u32 $0x1, s0;
	s0 =	stileid.u32  }
0x7: {  	s24 =	simm.s32 $0x4;
	s25 =	simm.s32 $0x0;
	s8 =	smul.u32 $0x9C40, s0  }
0x8: {  	[smem:$0x7FF] =	sst s4;
	s1 =	sshll.u32 s5, $0x4;
	s9 =	smul.u32 $0xA000, s0  }
0x9: {  	s10 =	smul.u32 $0xA0000, s5;
	s12 =	ssub.s32 $0x2, s5;
	s5 =	sadd.s32 $0x15400, s6  }
0xa: {  	s13 =	sshll.u32 s0, $0x6;
	s1 =	sor.u32 s0, s1;
	s31 =	sshrl.u32 s12, $0x1  }
0xb: {  	s13 =	sor.u32 $0x1C05, s13;
	s7 =	smul.u32 $0x2710, s1;
	s1 =	rddreg [dreg:$0x3]  }
0xc: {  	_ =	strace $0x8000004A;
	s11 =	sshrl.u32 s8, $0x3;
	s10 =	sadd.s32 s9, s10  }
0xd: {  	s12 =	ssub.s32 s12, s31;
	s14 =	sadd.s32 s8, s2;
	s15 =	sadd.s32 s9, s3  }
.Ltmp0:
0xe: {  	s11 =	sadd.s32 s11, s6;
	s10 =	sshrl.u32 s10, $0x3;
	(pc) =	sbr.rel .LBB2_1-.Ltmp0, $4  }
0xf: {  	s14 =	sshrl.u32 s14, $0x3;
	s15 =	sshrl.u32 s15, $0x3;
	s7 =	sshrl.u32 s7, $0x3  }
0x10: {  	s10 =	sadd.s32 s10, s6;
	s8 =	sadd.s32 $0x1F800, s11;
	s11 =	simm.s32 $0x5  }
0x11: {  	s7 =	sadd.s32 s7, s6;
	s9 =	sadd.s32 $0x33200, s10;
	s10 =	smax.u32 s12, $0x1  }
0x12: {  	v0 =	vimm.s32 $0x0;
	v1 =	vimm.s32 $0x2710;
	s12 =	simm.s32 $0x2800;
	s6 =	sadd.s32 $0x1A00, s7;
	s7 =	sadd.s32 $0xB640, s7  }
.LBB2_4:
0x13: {  	_ =	swait.ge [sflag:s24], $0x2000  }
0x14: {  	s25 =	sadd.s32 $0x1, s25;
	[sflag:s24] =	ssyncset.done $0x0  }
0x15: {  	p0 =	sne.s32 s25, s10;
	[sflag:s24] =	ssyncadd.s32 $0xFFFFE000  }
.Ltmp1:
0x16: {  	[bflag:$0x0] =	sbarrier.arrive $0xFFFF;
	(pc) =	sbr.rel @!p0 .LBB2_5-.Ltmp1, $4  }
0x17: {  	[hbm:s9], [sflag:s13] =	dma.local [spmem:s15], $0x1400  }
0x18: {  	_ =	swait.ge [sflag:s11], $0x1400  }
0x19: {  	[sflag:s11] =	ssyncset.done $0x0  }
0x1a: {  	[sflag:s11] =	ssyncadd.s32 $0xFFFFEC00  }
.LBB2_1:
0x1b: {  	[tilespmem:s4], [sflag:$0x5] =	stream.linear.gather [hbm4b:s6+s4], $0x2710, $0x38;
	[tilespmem:$0x1CC40] =	vst v63  }
0x1c: {  	_ =	swait.ge [sflag:s11], $0x2710  }
0x1d: {  	[sflag:s11] =	ssyncset.done $0x0  }
0x1e: {  	[sflag:s11] =	ssyncadd.s32 $0xFFFFD8F0  }
0x1f: {  	[tilespmem:s12], [sflag:$0x5] =	stream.linear.gather [hbm4b:s7+s4], $0x2710, $0x38;
	[tilespmem:$0x1CC40] =	vst v63  }
0x20: {  	_ =	swait.ge [sflag:s11], $0x2710  }
0x21: {  	[sflag:s11] =	ssyncset.done $0x0  }
0x22: {  	[sflag:s11] =	ssyncadd.s32 $0xFFFFD8F0  }
0x23: {  	[tilespmem:$0x2710] =	vst v0  }
0x24: {  	[tilespmem:$0x4F10] =	vst v1  }
0x25: {  	[tilespmem:$0x2720] =	vst v0  }
0x26: {  	[tilespmem:$0x4F20] =	vst v1  }
0x27: {  	[tilespmem:$0x2730] =	vst v0  }
0x28: {  	[tilespmem:$0x4F30] =	vst v1  }
0x29: {  	[tilespmem:$0x2740] =	vst v0  }
0x2a: {  	[tilespmem:$0x4F40] =	vst v1  }
0x2b: {  	[tilespmem:$0x2750] =	vst v0  }
0x2c: {  	[tilespmem:$0x4F50] =	vst v1  }
0x2d: {  	[tilespmem:$0x2760] =	vst v0  }
0x2e: {  	[tilespmem:$0x4F60] =	vst v1  }
0x2f: {  	[tilespmem:$0x2770] =	vst v0  }
0x30: {  	[tilespmem:$0x4F70] =	vst v1  }
0x31: {  	[tilespmem:$0x2780] =	vst v0  }
0x32: {  	[tilespmem:$0x4F80] =	vst v1  }
0x33: {  	[tilespmem:$0x2790] =	vst v0  }
0x34: {  	[tilespmem:$0x4F90] =	vst v1  }
0x35: {  	[tilespmem:$0x27A0] =	vst v0  }
0x36: {  	[tilespmem:$0x4FA0] =	vst v1  }
0x37: {  	[tilespmem:$0x27B0] =	vst v0  }
0x38: {  	[tilespmem:$0x4FB0] =	vst v1  }
0x39: {  	[tilespmem:$0x27C0] =	vst v0  }
0x3a: {  	[tilespmem:$0x4FC0] =	vst v1  }
0x3b: {  	[tilespmem:$0x27D0] =	vst v0  }
0x3c: {  	[tilespmem:$0x4FD0] =	vst v1  }
0x3d: {  	[tilespmem:$0x27E0] =	vst v0  }
0x3e: {  	[tilespmem:$0x4FE0] =	vst v1  }
0x3f: {  	[tilespmem:$0x27F0] =	vst v0  }
0x40: {  	[tilespmem:$0x4FF0] =	vst v1  }
0x41: {  	[spmem:s14], [sflag:s13] =	dma.local [hbm:s8], $0x1388  }
0x42: {  	_ =	swait.ge [sflag:s11], $0x1388  }
0x43: {  	[sflag:s11] =	ssyncset.done $0x0  }
0x44: {  	[sflag:s11] =	ssyncadd.s32 $0xFFFFEC78  }
0x45: {  	[spmem:s15], [sflag:s13] =	dma.local [hbm:s5], $0x1400  }
0x46: {  	_ =	swait.ge [sflag:s11], $0x1400  }
0x47: {  	[sflag:s11] =	ssyncset.done $0x0  }
0x48: {  	[sflag:s11] =	ssyncadd.s32 $0xFFFFEC00  }
0x49: {  	[bflag:$0x0] =	sbarrier.arrive $0xFFFF  }
0x4a: {  	[tilespmem:s17], [sflag:$0x1] =	stream.indirect.gather [spmem:s2], $0x40, s4, s16, $0xb8;
	[tilespmem:$0x1CC40] =	vst v63  }
0x4b: {  	_ =	swait.ge [sflag:s18], $0x2000  }
0x4c: {  	[sflag:s18] =	ssyncset.done $0x0  }
0x4d: {  	[sflag:s18] =	ssyncadd.s32 $0xFFFFE000  }
0x4e: {  	[spmem:s3] =	stream.indirect.scatter.add.f32 [tilespmem:s17], [sflag:$0x3], $0x40, s12, s16, $0xb8;
	[tilespmem:$0x1CC40] =	vst v63  }
0x4f: {  	_ = 	snop  }
0x50: {  	[tilespmem:s19], [sflag:$0x2] =	stream.indirect.gather [spmem:s2], $0x40, s16, s16, $0xb8;
	[tilespmem:$0x1CC40] =	vst v63  }
0x51: {  	_ =	swait.ge [sflag:s20], $0x2000  }
0x52: {  	[sflag:s20] =	ssyncset.done $0x0  }
0x53: {  	[sflag:s20] =	ssyncadd.s32 $0xFFFFE000  }
0x54: {  	[spmem:s3] =	stream.indirect.scatter.add.f32 [tilespmem:s19], [sflag:$0x4], $0x40, s21, s16, $0xb8;
	[tilespmem:$0x1CC40] =	vst v63  }
0x55: {  	_ =	swait.ge [sflag:s22], $0x2000  }
0x56: {  	[sflag:s22] =	ssyncset.done $0x0  }
0x57: {  	s26 =	simm.s32 $0xFFFF6800;
	[sflag:s22] =	ssyncadd.s32 $0xFFFFE000  }
0x58: {  	[tilespmem:s17], [sflag:$0x1] =	stream.indirect.gather [spmem:s2], $0x40, s23, s16, $0xb8;
	[tilespmem:$0x1CC40] =	vst v63  }
.LBB2_2:
0x59: {  	_ =	swait.ge [sflag:s18], $0x2000  }
0x5a: {  	s28 =	sshra.s32 s26, $0x2;
	[sflag:s18] =	ssyncset.done $0x0  }
0x5b: {  	s29 =	sadd.s32 $0x4F00, s28;
	[sflag:s18] =	ssyncadd.s32 $0xFFFFE000  }
0x5c: {  	[spmem:s3] =	stream.indirect.scatter.add.f32 [tilespmem:s17], [sflag:$0x3], $0x40, s29, s16, $0xb8;
	[tilespmem:$0x1CC40] =	vst v63  }
0x5d: {  	_ =	swait.ge [sflag:s24], $0x2000  }
0x5e: {  	[sflag:s24] =	ssyncset.done $0x0  }
0x5f: {  	s30 =	sadd.s32 $0x2780, s28;
	[sflag:s24] =	ssyncadd.s32 $0xFFFFE000  }
0x60: {  	[tilespmem:s19], [sflag:$0x2] =	stream.indirect.gather [spmem:s2], $0x40, s30, s16, $0xb8;
	[tilespmem:$0x1CC40] =	vst v63  }
0x61: {  	_ =	swait.ge [sflag:s20], $0x2000  }
0x62: {  	p0 =	seq.s32 s26, $0x0;
	[sflag:s20] =	ssyncset.done $0x0  }
.Ltmp2:
0x63: {  	s31 =	sadd.s32 $0x4F80, s28;
	[sflag:s20] =	ssyncadd.s32 $0xFFFFE000;
	(pc) =	sbr.rel @p0 .LBB2_4-.Ltmp2, $4  }
0x64: {  	[spmem:s3] =	stream.indirect.scatter.add.f32 [tilespmem:s19], [sflag:$0x4], $0x40, s31, s16, $0xb8;
	[tilespmem:$0x1CC40] =	vst v63  }
0x65: {  	_ =	swait.ge [sflag:s22], $0x2000  }
0x66: {  	[sflag:s22] =	ssyncset.done $0x0  }
0x67: {  	[sflag:s22] =	ssyncadd.s32 $0xFFFFE000  }
.Ltmp3:
0x68: {  	(pc) =	sbr.rel .LBB2_2-.Ltmp3, $3  }
0x69: {  	_ =	sdelay $0x1  }
0x6a: {  	s28 =	sadd.s32 $0x2800, s28;
	s26 =	sadd.s32 $0x400, s26  }
0x6b: {  	[tilespmem:s17], [sflag:$0x1] =	stream.indirect.gather [spmem:s2], $0x40, s28, s16, $0xb8;
	[tilespmem:$0x1CC40] =	vst v63  }
.LBB2_5:
0x6c: {  	_ =	sfence.sel $0x180000  }
0x6d: {  	[bflag:$0x0] =	sbarrier.arrive $0xFFFF  }
0x6e: {  	p0 =	sne.s32 s0, $0x0;
	_ =	strace $0x9000004A  }
0x6f: {  	s0 =	sadd.s32 @!p0 $0x100000, s1;
	[bflag:$0x2] =	sbarrier.arrive $0xFFFF  }
0x70: {  	[sflag:s0] =	ssyncadd.tile.s32 @!p0 $0x1;
	_ =	shalt  }
.Lfunc_end2:
_tile_overlayer_lowered:
.L_overlay_start_2:
0x71: {  	(tag) =	ssettag $0x2  }
0x72: {  	s0 =	rddreg [dreg:$0x0];
	s2 =	stileid.u32  }
0x73: {  	s1 =	rddreg [dreg:$0x1];
	p0 =	sne.s32 s2, $0x0  }
0x74: {  	s3 =	rddreg [dreg:$0x2];
	[bflag:$0x3] =	sbarrier.arrive $0xFFFF;
	s2 =	simm.s32 @!p0 $0x1C05  }
0x75: {  	[timem:s3], [sflag:s2] =	dma.local @!p0 [hbm:s0], s1  }
0x76: {  	s0 =	simm.s32 @!p0 $0x5  }
0x77: {  	_ =	swait.ge @!p0 [sflag:s0], s1  }
0x78: {  	s1 =	ssub.s32 @!p0 $0x0, s1;
	[sflag:s0] =	ssyncset.done @!p0 $0x0  }
0x79: {  	[sflag:s0] =	ssyncadd.s32 @!p0 s1  }
0x7a: {  	[bflag:$0x3] =	sbarrier.arrive $0xFFFF  }
0x7b: {  	_ =	shalt  }

// kernel: kernel.15.cloned.1.call-start
scs
__scs_entry_jumppad:
0x0: {  	(pc) =	sbr.rel $0x88, $3  }
0x1: {  	(tag) =	ssettag $0x0;
	lr =	simm.s32 $0x1  }
0x2: {  	[smem:$0x3F9B] =	sst lr;
	_ =	strace $0xD0000000  }
0x3: {  	_ = 	snop  }
0x4: {  	_ = 	snop  }
0x5: {  	_ = 	snop  }
0x6: {  	_ = 	snop  }
0x7: {  	_ = 	snop  }
__scs_overlays_trampoline_lowered:
0x8: {  	[smem:$0x3FAA] =	sst s0  }
0x9: {  	[smem:$0x3FAB] =	sst s1  }
0xa: {  	[smem:$0x3FAC] =	sst s2  }
0xb: {  	[smem:$0x3FAD] =	sst s3  }
0xc: {  	[smem:$0x3FAE] =	sst s4  }
0xd: {  	[smem:$0x3FAF] =	sst s5  }
0xe: {  	[smem:$0x3FB0] =	sst s6  }
0xf: {  	[smem:$0x3FB1] =	sst s7  }
0x10: {  	[smem:$0x3FB2] =	sst s8  }
0x11: {  	[smem:$0x3FB3] =	sst s9;
	s0 =	simm.s32 @!p0 $0x0  }
0x12: {  	s1 =	sld [smem:$0x3F99];
	s0 =	simm.s32 @p0 $0x1  }
0x13: {  	[smem:$0x3FB4] =	sst s0;
	s0 =	simm.s32 @!p1 $0x0  }
0x14: {  	s2 =	sld [smem:$0x3F98];
	s0 =	simm.s32 @p1 $0x1  }
0x15: {  	[smem:$0x3FB5] =	sst s0;
	s0 =	simm.s32 @!p2 $0x0  }
0x16: {  	s3 =	sld [smem:$0x3FDB];
	s0 =	simm.s32 @p2 $0x1  }
0x17: {  	s4 =	simm.s32 $0x1BF5;
	[smem:$0x3FB7] =	sst s0  }
0x18: {  	s0 =	sld [smem:$0x3F9A];
	_ =	swait.ge [sflag:s4], $0x0  }
0x19: {  	s7 =	sld [smem:$0x3F9B]  }
0x1a: {  	s8 =	sadd.s32 $0xFFFFE003, lr  }
0x1b: {  	s9 =	sadd.s32 $0xFFFFFEF7, lr;
	s5 =	simm.s32 $0xFFFFFFFF;
	p2 =	slt.u32 s8, $0xFFFFF086  }
0x1c: {  	p1 =	slt.u32 s9, $0xF7A;
	s5 =	simm.s32 @!p2 $0x0  }
0x1d: {  	s5 =	simm.s32 @p1 $0x1;
	p0 =	seq.s32 s7, s2  }
0x1e: {  	s7 =	smul.u32 @!p0 $0xF7A, s2;
	p2 =	seq.s32 @!p0 s5, $0x0  }
0x1f: {  	s9 =	smul.u32 $0xF7A, s1;
	s8 =	simm.s32 @!p0 $0x1BF5;
	p2 =	por !p2, p0  }
0x20: {  	[sflag:s8] =	ssyncset.s32 @!p0 $0xFFFFF086;
	s6 =	sadd.s32 @!p0 s3, s7;
	s7 =	simm.s32 @!p0 $0x108  }
0x21: {  	s3 =	sadd.s32 s3, s9;
	s6 =	sadd.s32 @!p0 $0x88, s6;
	s7 =	simm.s32 @p2 $0x1082  }
0x22: {  	[simem:s7], [sflag:s8] =	dma.local @!p0 [hbm:s6], $0xF7A  }
0x23: {  	s9 =	sor.u32 $0xD0000000, s2;
	s6 =	simm.s32 $0x108;
	_ =	swait.ge @!p0 [sflag:s8], $0x0  }
0x24: {  	s3 =	sadd.s32 $0x88, s3;
	s6 =	simm.s32 @!p1 $0x1082;
	[sflag:s4] =	ssyncset.s32 $0xFFFFF086  }
0x25: {  	[simem:s6], [sflag:s4] =	dma.local [hbm:s3], $0xF7A  }
0x26: {  	[smem:$0x3F9B] =	sst s1;
	(tag) =	ssettag s2;
	_ =	strace s9  }
0x27: {  	s1 =	sld [smem:$0x3FAB]  }
0x28: {  	s2 =	sld [smem:$0x3FAC]  }
0x29: {  	s4 =	sld [smem:$0x3FAE]  }
0x2a: {  	p0 =	seq.s32 s5, $0x0;
	s5 =	sld [smem:$0x3FAF]  }
0x2b: {  	s6 =	sld [smem:$0x3FB0]  }
0x2c: {  	s7 =	sld [smem:$0x3FB1]  }
0x2d: {  	s3 =	simm.s32 $0x108;
	s8 =	sld [smem:$0x3FB2]  }
0x2e: {  	s3 =	simm.s32 @!p0 $0x1082;
	s9 =	sld [smem:$0x3FB3]  }
0x2f: {  	lr =	sadd.s32 s0, s3;
	s0 =	sld [smem:$0x3FAA]  }
0x30: {  	s3 =	sld [smem:$0x3FAD]  }
0x31: {  	[smem:$0x3FB6] =	sst s10  }
0x32: {  	s10 =	sld [smem:$0x3FB4];
	_ =	sdelay $0x3  }
0x33: {  	p0 =	seq.s32 s10, $0x1;
	s10 =	sld [smem:$0x3FB6];
	_ =	sdelay $0x3  }
0x34: {  	[smem:$0x3FB6] =	sst s10  }
0x35: {  	s10 =	sld [smem:$0x3FB5];
	_ =	sdelay $0x3  }
0x36: {  	p1 =	seq.s32 s10, $0x1;
	s10 =	sld [smem:$0x3FB6];
	_ =	sdelay $0x3  }
0x37: {  	[smem:$0x3FB6] =	sst s10  }
0x38: {  	s10 =	sld [smem:$0x3FB7]  }
0x39: {  	_ = 	snop;
	(pc) =	sbr.ind lr, $3  }
0x3a: {  	_ = 	snop  }
0x3b: {  	_ = 	snop  }
0x3c: {  	p2 =	seq.s32 s10, $0x1;
	s10 =	sld [smem:$0x3FB6]  }
0x3d: {  	_ =	shalt  }
0x3e: {  	_ =	shalt  }
0x3f: {  	_ =	shalt  }
0x40: {  	_ =	shalt  }
0x41: {  	_ =	shalt  }
0x42: {  	_ =	shalt  }
0x43: {  	_ =	shalt  }
0x44: {  	_ =	shalt  }
0x45: {  	_ =	shalt  }
0x46: {  	_ =	shalt  }
0x47: {  	_ =	shalt  }
0x48: {  	_ =	shalt  }
0x49: {  	_ =	shalt  }
0x4a: {  	_ =	shalt  }
0x4b: {  	_ =	shalt  }
0x4c: {  	_ =	shalt  }
0x4d: {  	_ =	shalt  }
0x4e: {  	_ =	shalt  }
0x4f: {  	_ =	shalt  }
0x50: {  	_ =	shalt  }
0x51: {  	_ =	shalt  }
0x52: {  	_ =	shalt  }
0x53: {  	_ =	shalt  }
0x54: {  	_ =	shalt  }
0x55: {  	_ =	shalt  }
0x56: {  	_ =	shalt  }
0x57: {  	_ =	shalt  }
0x58: {  	_ =	shalt  }
0x59: {  	_ =	shalt  }
0x5a: {  	_ =	shalt  }
0x5b: {  	_ =	shalt  }
0x5c: {  	_ =	shalt  }
0x5d: {  	_ =	shalt  }
0x5e: {  	_ =	shalt  }
0x5f: {  	_ =	shalt  }
0x60: {  	_ =	shalt  }
0x61: {  	_ =	shalt  }
0x62: {  	_ =	shalt  }
0x63: {  	_ =	shalt  }
0x64: {  	_ =	shalt  }
0x65: {  	_ =	shalt  }
0x66: {  	_ =	shalt  }
0x67: {  	_ =	shalt  }
0x68: {  	_ =	shalt  }
0x69: {  	_ =	shalt  }
0x6a: {  	_ =	shalt  }
0x6b: {  	_ =	shalt  }
0x6c: {  	_ =	shalt  }
0x6d: {  	_ =	shalt  }
0x6e: {  	_ =	shalt  }
0x6f: {  	_ =	shalt  }
0x70: {  	_ =	shalt  }
0x71: {  	_ =	shalt  }
0x72: {  	_ =	shalt  }
0x73: {  	_ =	shalt  }
0x74: {  	_ =	shalt  }
0x75: {  	_ =	shalt  }
0x76: {  	_ =	shalt  }
0x77: {  	_ =	shalt  }
0x78: {  	_ =	shalt  }
0x79: {  	_ =	shalt  }
0x7a: {  	_ =	shalt  }
0x7b: {  	_ =	shalt  }
0x7c: {  	_ =	shalt  }
0x7d: {  	_ =	shalt  }
0x7e: {  	_ =	shalt  }
0x7f: {  	_ =	shalt  }
0x80: {  	_ =	shalt  }
0x81: {  	_ =	shalt  }
0x82: {  	_ =	shalt  }
0x83: {  	_ =	shalt  }
0x84: {  	_ =	shalt  }
0x85: {  	_ =	shalt  }
0x86: {  	_ =	shalt  }
0x87: {  	_ =	shalt  }
.Lfunc_end0:
.L_simem_size_0:
called_computation.2_lowered:
.L_overlay_start_0:
0x88: {  	s2 =	sld [smem:$0x3FD9]  }
0x89: {  	s3 =	sld [smem:$0x3FFE];
	_ =	sdelay $0x1  }
0x8a: {  	s1 =	srdreg.scid  }
0x8b: {  	s0 =	sand.u32 $0x1, s1  }
0x8c: {  	s17 =	sshll.u32 s0, $0xA;
	s2 =	sadd.s32 s3, s2  }
0x8d: {  	s2 =	sadd.s32 s2, s17  }
0x8e: {  	[smem:$0x3FC2] =	sst s2  }
0x8f: {  	_ = 	snop  }
0x90: {  	s2 =	sld [smem:$0x3FD0];
	(tm) =	ssettm $0x1  }
0x91: {  	s18 =	sld [smem:$0x3FFB];
	_ =	sdelay $0x3  }
0x92: {  	_ =	strace s18  }
0x93: {  	s3 =	sld [smem:$0x3FFC];
	_ =	sdelay $0x3  }
0x94: {  	_ =	strace s3  }
0x95: {  	s3 =	sld [smem:$0x3FFD];
	_ =	sdelay $0x3  }
0x96: {  	_ =	strace s3  }
0x97: {  	_ =	strace $0x8FFFFFFF  }
0x98: {  	s19 =	sld [smem:$0x3FDB];
	_ =	sdelay $0x1  }
0x99: {  	s4 =	simm.s32 $_scs_section_size  }
0x9a: {  	s5 =	simm.s32 $_size__tile_overlayer_lowered;
	s6 =	simm.s32 $_tile_overlayer_lowered  }
0x9b: {  	s22 =	simm.s32 $0x1BFF;
	s21 =	sshll.u32 s6, $0x1;
	s3 =	sadd.s32 s4, s19  }
0x9c: {  	s7 =	simm.s32 $0x0;
	s20 =	sshll.u32 s5, $0x1;
	s5 =	sadd.s32 s21, s3  }
0x9d: {  	[timem:s7], [sflag:s22] =	dma.local [hbm:s5], s20  }
0x9e: {  	_ =	swait.ge [sflag:s22], s20  }
0x9f: {  	s4 =	ssub.s32 $0x0, s20;
	[sflag:s22] =	ssyncset.done $0x0  }
0xa0: {  	[sflag:s22] =	ssyncadd.s32 s4;
	_ =	sdelay $0x1  }
0xa1: {  	s23 =	simm.s32 $0x1B8B  }
0xa2: {  	_ =	swait.ge [sflag:s23], $0x1  }
0xa3: {  	[sflag:s23] =	ssyncset.done $0x0  }
0xa4: {  	s25 =	simm.s32 $0x1B8E;
	s24 =	sld [smem:$0x3FFE];
	[sflag:s23] =	ssyncadd.s32 $0xFFFFFFFF  }
0xa5: {  	s26 =	simm.s32 $execute0_lowered;
	[smem:$0x3FD2] =	sst s25  }
0xa6: {  	s5 =	sshll.u32 s26, $0x1;
	_ =	strace $0x8000004C;
	[dreg:$0x1] =	wrdreg $0xFFFFFFFF  }
0xa7: {  	s28 =	simm.s32 $_size_execute0_lowered;
	s3 =	sadd.s32 s3, s5;
	[dreg:$0x0] =	wrdreg $0x0  }
0xa8: {  	s5 =	sshll.u32 s28, $0x1;
	[dreg:$0x2] =	wrdreg s3  }
0xa9: {  	[dreg:$0x3] =	wrdreg s5  }
0xaa: {  	[dreg:$0x4] =	wrdreg $0xC0  }
0xab: {  	_ =	task [dreg:s7], $0x5FFFF  }
0xac: {  	[dreg:$0x1] =	wrdreg $0xFFFFFFFF  }
0xad: {  	[dreg:$0x0] =	wrdreg $0x60  }
0xae: {  	[dreg:$0x2] =	wrdreg s24  }
0xaf: {  	[dreg:$0x3] =	wrdreg s2  }
0xb0: {  	[dreg:$0x4] =	wrdreg $0x60000  }
0xb1: {  	[dreg:$0x5] =	wrdreg $0x87100  }
0xb2: {  	[dreg:$0x6] =	wrdreg $0x9  }
0xb3: {  	_ =	task.clear_ibuf [dreg:s7], $0x7FFFF;
	_ =	strace $0x9000004C  }
0xb4: {  	s29 =	simm.s32 $0x9;
	_ =	strace $0x8000004E  }
0xb5: {  	_ =	swait.ge [sflag:s29], $0x1  }
0xb6: {  	[sflag:s29] =	ssyncadd.s32 $0xFFFFFFFF  }
0xb7: {  	_ =	strace $0x9000004E  }
0xb8: {  	_ =	sfence  }
0xb9: {  	s30 =	sld [smem:$0x0];
	_ =	sdelay $0x2  }
0xba: {  	s31 =	sshll.u32 s1, $0xD;
	s1 =	sshrl.u32 s1, $0x2  }
0xbb: {  	s3 =	sand.u32 $0x4000, s31;
	s1 =	sadd.s32 s1, s30  }
0xbc: {  	s0 =	sor.u32 s3, s0;
	s1 =	sshll.u32 s1, $0x11  }
0xbd: {  	s0 =	sor.u32 s1, s0  }
0xbe: {  	s0 =	sadd.s32 $0x8F2B, s0  }
0xbf: {  	[sflag:s0] =	ssyncadd.remote.s32 $0x1  }
0xc0: {  	_ =	sfence.sel $0xFFFF  }
0xc1: {  	[dreg:$0x0] =	wrdreg $0xFFFFFFFF;
	(pc) =	sbr.abs _section_cstart, $3  }
0xc2: {  	[dreg:$0x1] =	wrdreg $0xFFFFFFFF  }
0xc3: {  	_ =	task.clear_ibuf [dreg:s7], $0x2FFFF;
	_ =	strace $0x9FFFFFFF  }
0xc4: {  	(tm) =	ssettm $0x7FFFFFFF  }
0xc5: {  	_ =	shalt  }
tec
execute0_lowered:
.L_overlay_start_1:
0x0: {  	(tag) =	ssettag $0x1  }
0x1: {  	s6 =	rddreg [dreg:$0x0]  }
0x2: {  	s1 =	rddreg [dreg:$0x1]  }
0x3: {  	s3 =	rddreg [dreg:$0x2];
	s0 =	stileid.u32  }
0x4: {  	s2 =	srdreg.scid;
	s4 =	rddreg [dreg:$0x3]  }
0x5: {  	s5 =	simm.s32 $0x0;
	s16 =	simm.s32 $0x80;
	s17 =	simm.s32 $0x5000  }
0x6: {  	s18 =	simm.s32 $0x1;
	s19 =	simm.s32 $0x5800;
	s20 =	simm.s32 $0x2  }
0x7: {  	s21 =	simm.s32 $0x2880;
	s22 =	simm.s32 $0x3;
	s23 =	simm.s32 $0x100  }
0x8: {  	s24 =	simm.s32 $0x4;
	s25 =	simm.s32 $0x0;
	s8 =	smul.u32 $0x2710, s0  }
0x9: {  	s7 =	sand.u32 $0x1, s2;
	s2 =	rddreg [dreg:$0x4];
	s10 =	smul.u32 $0x2800, s0  }
0xa: {  	[smem:$0x7FF] =	sst s5;
	s31 =	sshll.u32 s0, $0x6;
	s9 =	sshll.u32 s7, $0x4  }
0xb: {  	s11 =	smul.u32 $0x28000, s7;
	_ =	strace $0x8000004D;
	s7 =	ssub.s32 $0x2, s7  }
0xc: {  	s9 =	sor.u32 s0, s9;
	s12 =	sshrl.u32 s8, $0x3;
	s30 =	sshrl.u32 s7, $0x1  }
0xd: {  	s14 =	sadd.s32 s8, s3;
	s15 =	sadd.s32 s10, s4;
	s9 =	smul.u32 $0x2710, s9  }
0xe: {  	s12 =	sadd.s32 s12, s6;
	s11 =	sadd.s32 s10, s11;
	s13 =	ssub.s32 s7, s30  }
.Ltmp0:
0xf: {  	s14 =	sshrl.u32 s14, $0x3;
	s15 =	sshrl.u32 s15, $0x3;
	(pc) =	sbr.rel .LBB2_1-.Ltmp0, $4  }
0x10: {  	s11 =	sshrl.u32 s11, $0x3;
	s8 =	sadd.s32 $0x15400, s12;
	s9 =	sshrl.u32 s9, $0x3  }
0x11: {  	s10 =	smax.u32 s13, $0x1;
	s12 =	simm.s32 $0x2800;
	s9 =	sadd.s32 s9, s6  }
0x12: {  	s13 =	sor.u32 $0x1C05, s31;
	s11 =	sadd.s32 s11, s6;
	s6 =	sadd.s32 $0x1A00, s9  }
0x13: {  	v0 =	vimm.s32 $0x0;
	v1 =	vimm.s32 $0x2710;
	s7 =	sadd.s32 $0xB640, s9;
	s9 =	sadd.s32 $0x1F800, s11;
	s11 =	simm.s32 $0x5  }
.LBB2_4:
0x14: {  	_ =	swait.ge [sflag:s24], $0x800  }
0x15: {  	s25 =	sadd.s32 $0x1, s25;
	[sflag:s24] =	ssyncset.done $0x0  }
0x16: {  	p0 =	sne.s32 s25, s10;
	[sflag:s24] =	ssyncadd.s32 $0xFFFFF800  }
.Ltmp1:
0x17: {  	[bflag:$0x0] =	sbarrier.arrive $0xFFFF;
	(pc) =	sbr.rel @!p0 .LBB2_5-.Ltmp1, $4  }
0x18: {  	[hbm:s9], [sflag:s13] =	dma.local [spmem:s15], $0x500  }
0x19: {  	_ =	swait.ge [sflag:s11], $0x500  }
0x1a: {  	[sflag:s11] =	ssyncset.done $0x0  }
0x1b: {  	[sflag:s11] =	ssyncadd.s32 $0xFFFFFB00  }
.LBB2_1:
0x1c: {  	[tilespmem:s5], [sflag:$0x5] =	stream.linear.gather [hbm4b:s6+s5], $0x2710, $0x38;
	[tilespmem:$0xAF10] =	vst v63  }
0x1d: {  	_ =	swait.ge [sflag:s11], $0x2710  }
0x1e: {  	[sflag:s11] =	ssyncset.done $0x0  }
0x1f: {  	[sflag:s11] =	ssyncadd.s32 $0xFFFFD8F0  }
0x20: {  	[tilespmem:s12], [sflag:$0x5] =	stream.linear.gather [hbm4b:s7+s5], $0x2710, $0x38;
	[tilespmem:$0xAF10] =	vst v63  }
0x21: {  	_ =	swait.ge [sflag:s11], $0x2710  }
0x22: {  	[sflag:s11] =	ssyncset.done $0x0  }
0x23: {  	[sflag:s11] =	ssyncadd.s32 $0xFFFFD8F0  }
0x24: {  	[tilespmem:$0x2710] =	vst v0  }
0x25: {  	[tilespmem:$0x4F10] =	vst v1  }
0x26: {  	[tilespmem:$0x2720] =	vst v0  }
0x27: {  	[tilespmem:$0x4F20] =	vst v1  }
0x28: {  	[tilespmem:$0x2730] =	vst v0  }
0x29: {  	[tilespmem:$0x4F30] =	vst v1  }
0x2a: {  	[tilespmem:$0x2740] =	vst v0  }
0x2b: {  	[tilespmem:$0x4F40] =	vst v1  }
0x2c: {  	[tilespmem:$0x2750] =	vst v0  }
0x2d: {  	[tilespmem:$0x4F50] =	vst v1  }
0x2e: {  	[tilespmem:$0x2760] =	vst v0  }
0x2f: {  	[tilespmem:$0x4F60] =	vst v1  }
0x30: {  	[tilespmem:$0x2770] =	vst v0  }
0x31: {  	[tilespmem:$0x4F70] =	vst v1  }
0x32: {  	[tilespmem:$0x2780] =	vst v0  }
0x33: {  	[tilespmem:$0x4F80] =	vst v1  }
0x34: {  	[tilespmem:$0x2790] =	vst v0  }
0x35: {  	[tilespmem:$0x4F90] =	vst v1  }
0x36: {  	[tilespmem:$0x27A0] =	vst v0  }
0x37: {  	[tilespmem:$0x4FA0] =	vst v1  }
0x38: {  	[tilespmem:$0x27B0] =	vst v0  }
0x39: {  	[tilespmem:$0x4FB0] =	vst v1  }
0x3a: {  	[tilespmem:$0x27C0] =	vst v0  }
0x3b: {  	[tilespmem:$0x4FC0] =	vst v1  }
0x3c: {  	[tilespmem:$0x27D0] =	vst v0  }
0x3d: {  	[tilespmem:$0x4FD0] =	vst v1  }
0x3e: {  	[tilespmem:$0x27E0] =	vst v0  }
0x3f: {  	[tilespmem:$0x4FE0] =	vst v1  }
0x40: {  	[tilespmem:$0x27F0] =	vst v0  }
0x41: {  	[tilespmem:$0x4FF0] =	vst v1  }
0x42: {  	[spmem:s14], [sflag:s13] =	dma.local [hbm:s8], $0x4E2  }
0x43: {  	_ =	swait.ge [sflag:s11], $0x4E2  }
0x44: {  	[sflag:s11] =	ssyncset.done $0x0  }
0x45: {  	[sflag:s11] =	ssyncadd.s32 $0xFFFFFB1E  }
0x46: {  	[spmem:s15], [sflag:s13] =	dma.local [hbm:s1], $0x500  }
0x47: {  	_ =	swait.ge [sflag:s11], $0x500  }
0x48: {  	[sflag:s11] =	ssyncset.done $0x0  }
0x49: {  	[sflag:s11] =	ssyncadd.s32 $0xFFFFFB00  }
0x4a: {  	[bflag:$0x0] =	sbarrier.arrive $0xFFFF  }
0x4b: {  	[tilespmem:s17], [sflag:$0x1] =	stream.indirect.gather [spmem:s3], $0x10, s5, s16, $0xb8;
	[tilespmem:$0xAF10] =	vst v63  }
0x4c: {  	_ =	swait.ge [sflag:s18], $0x800  }
0x4d: {  	[sflag:s18] =	ssyncset.done $0x0  }
0x4e: {  	[sflag:s18] =	ssyncadd.s32 $0xFFFFF800  }
0x4f: {  	[spmem:s4] =	stream.indirect.scatter.add.f32 [tilespmem:s17], [sflag:$0x3], $0x10, s12, s16, $0xb8;
	[tilespmem:$0xAF10] =	vst v63  }
0x50: {  	_ = 	snop  }
0x51: {  	[tilespmem:s19], [sflag:$0x2] =	stream.indirect.gather [spmem:s3], $0x10, s16, s16, $0xb8;
	[tilespmem:$0xAF10] =	vst v63  }
0x52: {  	_ =	swait.ge [sflag:s20], $0x800  }
0x53: {  	[sflag:s20] =	ssyncset.done $0x0  }
0x54: {  	[sflag:s20] =	ssyncadd.s32 $0xFFFFF800  }
0x55: {  	[spmem:s4] =	stream.indirect.scatter.add.f32 [tilespmem:s19], [sflag:$0x4], $0x10, s21, s16, $0xb8;
	[tilespmem:$0xAF10] =	vst v63  }
0x56: {  	_ =	swait.ge [sflag:s22], $0x800  }
0x57: {  	[sflag:s22] =	ssyncset.done $0x0  }
0x58: {  	s26 =	simm.s32 $0xFFFF6800;
	[sflag:s22] =	ssyncadd.s32 $0xFFFFF800  }
0x59: {  	[tilespmem:s17], [sflag:$0x1] =	stream.indirect.gather [spmem:s3], $0x10, s23, s16, $0xb8;
	[tilespmem:$0xAF10] =	vst v63  }
.LBB2_2:
0x5a: {  	_ =	swait.ge [sflag:s18], $0x800  }
0x5b: {  	s28 =	sshra.s32 s26, $0x2;
	[sflag:s18] =	ssyncset.done $0x0  }
0x5c: {  	s29 =	sadd.s32 $0x4F00, s28;
	[sflag:s18] =	ssyncadd.s32 $0xFFFFF800  }
0x5d: {  	[spmem:s4] =	stream.indirect.scatter.add.f32 [tilespmem:s17], [sflag:$0x3], $0x10, s29, s16, $0xb8;
	[tilespmem:$0xAF10] =	vst v63  }
0x5e: {  	_ =	swait.ge [sflag:s24], $0x800  }
0x5f: {  	[sflag:s24] =	ssyncset.done $0x0  }
0x60: {  	s30 =	sadd.s32 $0x2780, s28;
	[sflag:s24] =	ssyncadd.s32 $0xFFFFF800  }
0x61: {  	[tilespmem:s19], [sflag:$0x2] =	stream.indirect.gather [spmem:s3], $0x10, s30, s16, $0xb8;
	[tilespmem:$0xAF10] =	vst v63  }
0x62: {  	_ =	swait.ge [sflag:s20], $0x800  }
0x63: {  	p0 =	seq.s32 s26, $0x0;
	[sflag:s20] =	ssyncset.done $0x0  }
.Ltmp2:
0x64: {  	s31 =	sadd.s32 $0x4F80, s28;
	[sflag:s20] =	ssyncadd.s32 $0xFFFFF800;
	(pc) =	sbr.rel @p0 .LBB2_4-.Ltmp2, $4  }
0x65: {  	[spmem:s4] =	stream.indirect.scatter.add.f32 [tilespmem:s19], [sflag:$0x4], $0x10, s31, s16, $0xb8;
	[tilespmem:$0xAF10] =	vst v63  }
0x66: {  	_ =	swait.ge [sflag:s22], $0x800  }
0x67: {  	[sflag:s22] =	ssyncset.done $0x0  }
0x68: {  	[sflag:s22] =	ssyncadd.s32 $0xFFFFF800  }
.Ltmp3:
0x69: {  	(pc) =	sbr.rel .LBB2_2-.Ltmp3, $3  }
0x6a: {  	_ =	sdelay $0x1  }
0x6b: {  	s28 =	sadd.s32 $0x2800, s28;
	s26 =	sadd.s32 $0x400, s26  }
0x6c: {  	[tilespmem:s17], [sflag:$0x1] =	stream.indirect.gather [spmem:s3], $0x10, s28, s16, $0xb8;
	[tilespmem:$0xAF10] =	vst v63  }
.LBB2_5:
0x6d: {  	_ =	sfence.sel $0x180000  }
0x6e: {  	[bflag:$0x0] =	sbarrier.arrive $0xFFFF  }
0x6f: {  	p0 =	sne.s32 s0, $0x0;
	_ =	strace $0x9000004D  }
0x70: {  	s0 =	sadd.s32 @!p0 $0x100000, s2;
	[bflag:$0x2] =	sbarrier.arrive $0xFFFF  }
0x71: {  	[sflag:s0] =	ssyncadd.tile.s32 @!p0 $0x1;
	_ =	shalt  }
.Lfunc_end2:
_tile_overlayer_lowered:
.L_overlay_start_2:
0x72: {  	(tag) =	ssettag $0x2  }
0x73: {  	s0 =	rddreg [dreg:$0x0];
	s2 =	stileid.u32  }
0x74: {  	s1 =	rddreg [dreg:$0x1];
	p0 =	sne.s32 s2, $0x0  }
0x75: {  	s3 =	rddreg [dreg:$0x2];
	[bflag:$0x3] =	sbarrier.arrive $0xFFFF;
	s2 =	simm.s32 @!p0 $0x1C05  }
0x76: {  	[timem:s3], [sflag:s2] =	dma.local @!p0 [hbm:s0], s1  }
0x77: {  	s0 =	simm.s32 @!p0 $0x5  }
0x78: {  	_ =	swait.ge @!p0 [sflag:s0], s1  }
0x79: {  	s1 =	ssub.s32 @!p0 $0x0, s1;
	[sflag:s0] =	ssyncset.done @!p0 $0x0  }
0x7a: {  	[sflag:s0] =	ssyncadd.s32 @!p0 s1  }
0x7b: {  	[bflag:$0x3] =	sbarrier.arrive $0xFFFF  }
0x7c: {  	_ =	shalt  }

// kernel: kernel.9.cloned.1.call-start
scs
__scs_entry_jumppad:
0x0: {  	(pc) =	sbr.rel $0x88, $3  }
0x1: {  	(tag) =	ssettag $0x0;
	lr =	simm.s32 $0x1  }
0x2: {  	[smem:$0x3F9B] =	sst lr;
	_ =	strace $0xD0000000  }
0x3: {  	_ = 	snop  }
0x4: {  	_ = 	snop  }
0x5: {  	_ = 	snop  }
0x6: {  	_ = 	snop  }
0x7: {  	_ = 	snop  }
__scs_overlays_trampoline_lowered:
0x8: {  	[smem:$0x3FAA] =	sst s0  }
0x9: {  	[smem:$0x3FAB] =	sst s1  }
0xa: {  	[smem:$0x3FAC] =	sst s2  }
0xb: {  	[smem:$0x3FAD] =	sst s3  }
0xc: {  	[smem:$0x3FAE] =	sst s4  }
0xd: {  	[smem:$0x3FAF] =	sst s5  }
0xe: {  	[smem:$0x3FB0] =	sst s6  }
0xf: {  	[smem:$0x3FB1] =	sst s7  }
0x10: {  	[smem:$0x3FB2] =	sst s8  }
0x11: {  	[smem:$0x3FB3] =	sst s9;
	s0 =	simm.s32 @!p0 $0x0  }
0x12: {  	s1 =	sld [smem:$0x3F99];
	s0 =	simm.s32 @p0 $0x1  }
0x13: {  	[smem:$0x3FB4] =	sst s0;
	s0 =	simm.s32 @!p1 $0x0  }
0x14: {  	s2 =	sld [smem:$0x3F98];
	s0 =	simm.s32 @p1 $0x1  }
0x15: {  	[smem:$0x3FB5] =	sst s0;
	s0 =	simm.s32 @!p2 $0x0  }
0x16: {  	s3 =	sld [smem:$0x3FDB];
	s0 =	simm.s32 @p2 $0x1  }
0x17: {  	s4 =	simm.s32 $0x1BF5;
	[smem:$0x3FB7] =	sst s0  }
0x18: {  	s0 =	sld [smem:$0x3F9A];
	_ =	swait.ge [sflag:s4], $0x0  }
0x19: {  	s7 =	sld [smem:$0x3F9B]  }
0x1a: {  	s8 =	sadd.s32 $0xFFFFE003, lr  }
0x1b: {  	s9 =	sadd.s32 $0xFFFFFEF7, lr;
	s5 =	simm.s32 $0xFFFFFFFF;
	p2 =	slt.u32 s8, $0xFFFFF086  }
0x1c: {  	p1 =	slt.u32 s9, $0xF7A;
	s5 =	simm.s32 @!p2 $0x0  }
0x1d: {  	s5 =	simm.s32 @p1 $0x1;
	p0 =	seq.s32 s7, s2  }
0x1e: {  	s7 =	smul.u32 @!p0 $0xF7A, s2;
	p2 =	seq.s32 @!p0 s5, $0x0  }
0x1f: {  	s9 =	smul.u32 $0xF7A, s1;
	s8 =	simm.s32 @!p0 $0x1BF5;
	p2 =	por !p2, p0  }
0x20: {  	[sflag:s8] =	ssyncset.s32 @!p0 $0xFFFFF086;
	s6 =	sadd.s32 @!p0 s3, s7;
	s7 =	simm.s32 @!p0 $0x108  }
0x21: {  	s3 =	sadd.s32 s3, s9;
	s6 =	sadd.s32 @!p0 $0x88, s6;
	s7 =	simm.s32 @p2 $0x1082  }
0x22: {  	[simem:s7], [sflag:s8] =	dma.local @!p0 [hbm:s6], $0xF7A  }
0x23: {  	s9 =	sor.u32 $0xD0000000, s2;
	s6 =	simm.s32 $0x108;
	_ =	swait.ge @!p0 [sflag:s8], $0x0  }
0x24: {  	s3 =	sadd.s32 $0x88, s3;
	s6 =	simm.s32 @!p1 $0x1082;
	[sflag:s4] =	ssyncset.s32 $0xFFFFF086  }
0x25: {  	[simem:s6], [sflag:s4] =	dma.local [hbm:s3], $0xF7A  }
0x26: {  	[smem:$0x3F9B] =	sst s1;
	(tag) =	ssettag s2;
	_ =	strace s9  }
0x27: {  	s1 =	sld [smem:$0x3FAB]  }
0x28: {  	s2 =	sld [smem:$0x3FAC]  }
0x29: {  	s4 =	sld [smem:$0x3FAE]  }
0x2a: {  	p0 =	seq.s32 s5, $0x0;
	s5 =	sld [smem:$0x3FAF]  }
0x2b: {  	s6 =	sld [smem:$0x3FB0]  }
0x2c: {  	s7 =	sld [smem:$0x3FB1]  }
0x2d: {  	s3 =	simm.s32 $0x108;
	s8 =	sld [smem:$0x3FB2]  }
0x2e: {  	s3 =	simm.s32 @!p0 $0x1082;
	s9 =	sld [smem:$0x3FB3]  }
0x2f: {  	lr =	sadd.s32 s0, s3;
	s0 =	sld [smem:$0x3FAA]  }
0x30: {  	s3 =	sld [smem:$0x3FAD]  }
0x31: {  	[smem:$0x3FB6] =	sst s10  }
0x32: {  	s10 =	sld [smem:$0x3FB4];
	_ =	sdelay $0x3  }
0x33: {  	p0 =	seq.s32 s10, $0x1;
	s10 =	sld [smem:$0x3FB6];
	_ =	sdelay $0x3  }
0x34: {  	[smem:$0x3FB6] =	sst s10  }
0x35: {  	s10 =	sld [smem:$0x3FB5];
	_ =	sdelay $0x3  }
0x36: {  	p1 =	seq.s32 s10, $0x1;
	s10 =	sld [smem:$0x3FB6];
	_ =	sdelay $0x3  }
0x37: {  	[smem:$0x3FB6] =	sst s10  }
0x38: {  	s10 =	sld [smem:$0x3FB7]  }
0x39: {  	_ = 	snop;
	(pc) =	sbr.ind lr, $3  }
0x3a: {  	_ = 	snop  }
0x3b: {  	_ = 	snop  }
0x3c: {  	p2 =	seq.s32 s10, $0x1;
	s10 =	sld [smem:$0x3FB6]  }
0x3d: {  	_ =	shalt  }
0x3e: {  	_ =	shalt  }
0x3f: {  	_ =	shalt  }
0x40: {  	_ =	shalt  }
0x41: {  	_ =	shalt  }
0x42: {  	_ =	shalt  }
0x43: {  	_ =	shalt  }
0x44: {  	_ =	shalt  }
0x45: {  	_ =	shalt  }
0x46: {  	_ =	shalt  }
0x47: {  	_ =	shalt  }
0x48: {  	_ =	shalt  }
0x49: {  	_ =	shalt  }
0x4a: {  	_ =	shalt  }
0x4b: {  	_ =	shalt  }
0x4c: {  	_ =	shalt  }
0x4d: {  	_ =	shalt  }
0x4e: {  	_ =	shalt  }
0x4f: {  	_ =	shalt  }
0x50: {  	_ =	shalt  }
0x51: {  	_ =	shalt  }
0x52: {  	_ =	shalt  }
0x53: {  	_ =	shalt  }
0x54: {  	_ =	shalt  }
0x55: {  	_ =	shalt  }
0x56: {  	_ =	shalt  }
0x57: {  	_ =	shalt  }
0x58: {  	_ =	shalt  }
0x59: {  	_ =	shalt  }
0x5a: {  	_ =	shalt  }
0x5b: {  	_ =	shalt  }
0x5c: {  	_ =	shalt  }
0x5d: {  	_ =	shalt  }
0x5e: {  	_ =	shalt  }
0x5f: {  	_ =	shalt  }
0x60: {  	_ =	shalt  }
0x61: {  	_ =	shalt  }
0x62: {  	_ =	shalt  }
0x63: {  	_ =	shalt  }
0x64: {  	_ =	shalt  }
0x65: {  	_ =	shalt  }
0x66: {  	_ =	shalt  }
0x67: {  	_ =	shalt  }
0x68: {  	_ =	shalt  }
0x69: {  	_ =	shalt  }
0x6a: {  	_ =	shalt  }
0x6b: {  	_ =	shalt  }
0x6c: {  	_ =	shalt  }
0x6d: {  	_ =	shalt  }
0x6e: {  	_ =	shalt  }
0x6f: {  	_ =	shalt  }
0x70: {  	_ =	shalt  }
0x71: {  	_ =	shalt  }
0x72: {  	_ =	shalt  }
0x73: {  	_ =	shalt  }
0x74: {  	_ =	shalt  }
0x75: {  	_ =	shalt  }
0x76: {  	_ =	shalt  }
0x77: {  	_ =	shalt  }
0x78: {  	_ =	shalt  }
0x79: {  	_ =	shalt  }
0x7a: {  	_ =	shalt  }
0x7b: {  	_ =	shalt  }
0x7c: {  	_ =	shalt  }
0x7d: {  	_ =	shalt  }
0x7e: {  	_ =	shalt  }
0x7f: {  	_ =	shalt  }
0x80: {  	_ =	shalt  }
0x81: {  	_ =	shalt  }
0x82: {  	_ =	shalt  }
0x83: {  	_ =	shalt  }
0x84: {  	_ =	shalt  }
0x85: {  	_ =	shalt  }
0x86: {  	_ =	shalt  }
0x87: {  	_ =	shalt  }
.Lfunc_end0:
.L_simem_size_0:
called_computation_lowered:
.L_overlay_start_0:
0x88: {  	s2 =	sld [smem:$0x3FD9]  }
0x89: {  	s3 =	sld [smem:$0x3FFE];
	_ =	sdelay $0x1  }
0x8a: {  	s1 =	srdreg.scid  }
0x8b: {  	s0 =	sand.u32 $0x1, s1  }
0x8c: {  	s17 =	sshll.u32 s0, $0xA;
	s2 =	sadd.s32 s3, s2  }
0x8d: {  	s2 =	sadd.s32 s2, s17  }
0x8e: {  	[smem:$0x3FC2] =	sst s2  }
0x8f: {  	_ = 	snop  }
0x90: {  	s2 =	sld [smem:$0x3FD0];
	(tm) =	ssettm $0x1  }
0x91: {  	s18 =	sld [smem:$0x3FFB];
	_ =	sdelay $0x3  }
0x92: {  	_ =	strace s18  }
0x93: {  	s3 =	sld [smem:$0x3FFC];
	_ =	sdelay $0x3  }
0x94: {  	_ =	strace s3  }
0x95: {  	s3 =	sld [smem:$0x3FFD];
	_ =	sdelay $0x3  }
0x96: {  	_ =	strace s3  }
0x97: {  	_ =	strace $0x8FFFFFFF  }
0x98: {  	s19 =	sld [smem:$0x3FDB];
	_ =	sdelay $0x1  }
0x99: {  	s4 =	simm.s32 $_scs_section_size  }
0x9a: {  	s5 =	simm.s32 $_size__tile_overlayer_lowered;
	s6 =	simm.s32 $_tile_overlayer_lowered  }
0x9b: {  	s22 =	simm.s32 $0x1BFF;
	s21 =	sshll.u32 s6, $0x1;
	s3 =	sadd.s32 s4, s19  }
0x9c: {  	s7 =	simm.s32 $0x0;
	s20 =	sshll.u32 s5, $0x1;
	s5 =	sadd.s32 s21, s3  }
0x9d: {  	[timem:s7], [sflag:s22] =	dma.local [hbm:s5], s20  }
0x9e: {  	_ =	swait.ge [sflag:s22], s20  }
0x9f: {  	s4 =	ssub.s32 $0x0, s20;
	[sflag:s22] =	ssyncset.done $0x0  }
0xa0: {  	[sflag:s22] =	ssyncadd.s32 s4;
	_ =	sdelay $0x1  }
0xa1: {  	s23 =	simm.s32 $0x1B8B  }
0xa2: {  	_ =	swait.ge [sflag:s23], $0x1  }
0xa3: {  	[sflag:s23] =	ssyncset.done $0x0  }
0xa4: {  	s25 =	simm.s32 $0x1B8E;
	s24 =	sld [smem:$0x3FFE];
	[sflag:s23] =	ssyncadd.s32 $0xFFFFFFFF  }
0xa5: {  	s26 =	simm.s32 $execute0_lowered;
	[smem:$0x3FD2] =	sst s25  }
0xa6: {  	s5 =	sshll.u32 s26, $0x1;
	_ =	strace $0x80000046;
	[dreg:$0x1] =	wrdreg $0xFFFFFFFF  }
0xa7: {  	s28 =	simm.s32 $_size_execute0_lowered;
	s3 =	sadd.s32 s3, s5;
	[dreg:$0x0] =	wrdreg $0x0  }
0xa8: {  	s5 =	sshll.u32 s28, $0x1;
	[dreg:$0x2] =	wrdreg s3  }
0xa9: {  	[dreg:$0x3] =	wrdreg s5  }
0xaa: {  	[dreg:$0x4] =	wrdreg $0xC0  }
0xab: {  	_ =	task [dreg:s7], $0x5FFFF  }
0xac: {  	[dreg:$0x1] =	wrdreg $0xFFFFFFFF  }
0xad: {  	[dreg:$0x0] =	wrdreg $0x60  }
0xae: {  	[dreg:$0x2] =	wrdreg s24  }
0xaf: {  	[dreg:$0x3] =	wrdreg s2  }
0xb0: {  	[dreg:$0x4] =	wrdreg $0x58000  }
0xb1: {  	[dreg:$0x5] =	wrdreg $0x9  }
0xb2: {  	_ =	task.clear_ibuf [dreg:s7], $0x6FFFF;
	_ =	strace $0x90000046  }
0xb3: {  	s29 =	simm.s32 $0x9;
	_ =	strace $0x80000048  }
0xb4: {  	_ =	swait.ge [sflag:s29], $0x1  }
0xb5: {  	[sflag:s29] =	ssyncadd.s32 $0xFFFFFFFF  }
0xb6: {  	_ =	strace $0x90000048  }
0xb7: {  	_ =	sfence  }
0xb8: {  	s30 =	sld [smem:$0x0];
	_ =	sdelay $0x2  }
0xb9: {  	s31 =	sshll.u32 s1, $0xD;
	s1 =	sshrl.u32 s1, $0x2  }
0xba: {  	s3 =	sand.u32 $0x4000, s31;
	s1 =	sadd.s32 s1, s30  }
0xbb: {  	s0 =	sor.u32 s3, s0;
	s1 =	sshll.u32 s1, $0x11  }
0xbc: {  	s0 =	sor.u32 s1, s0  }
0xbd: {  	s0 =	sadd.s32 $0x8F2B, s0  }
0xbe: {  	[sflag:s0] =	ssyncadd.remote.s32 $0x1  }
0xbf: {  	_ =	sfence.sel $0xFFFF  }
0xc0: {  	[dreg:$0x0] =	wrdreg $0xFFFFFFFF;
	(pc) =	sbr.abs _section_cstart, $3  }
0xc1: {  	[dreg:$0x1] =	wrdreg $0xFFFFFFFF  }
0xc2: {  	_ =	task.clear_ibuf [dreg:s7], $0x2FFFF;
	_ =	strace $0x9FFFFFFF  }
0xc3: {  	(tm) =	ssettm $0x7FFFFFFF  }
tec
execute0_lowered:
.L_overlay_start_1:
0x0: {  	(tag) =	ssettag $0x1  }
0x1: {  	s6 =	rddreg [dreg:$0x0]  }
0x2: {  	s2 =	rddreg [dreg:$0x1]  }
0x3: {  	s0 =	srdreg.scid;
	s3 =	rddreg [dreg:$0x2];
	s4 =	simm.s32 $0x0  }
0x4: {  	s11 =	simm.s32 $0x2800;
	s12 =	simm.s32 $0x5000;
	s15 =	simm.s32 $0x80  }
0x5: {  	s16 =	simm.s32 $0x1;
	s5 =	sand.u32 $0x1, s0;
	s0 =	stileid.u32  }
0x6: {  	s17 =	simm.s32 $0x0;
	[smem:$0x7FF] =	sst s4;
	s8 =	smul.u32 $0x2800, s0  }
0x7: {  	s1 =	sshll.u32 s5, $0x4;
	s9 =	smul.u32 $0x28000, s5;
	s10 =	ssub.s32 $0x2, s5  }
0x8: {  	s5 =	sadd.s32 $0x15400, s6;
	s13 =	sshll.u32 s0, $0x6;
	s1 =	sor.u32 s0, s1  }
0x9: {  	s31 =	sshrl.u32 s10, $0x1;
	s13 =	sor.u32 $0x1C02, s13;
	s7 =	smul.u32 $0x2710, s1  }
0xa: {  	s1 =	rddreg [dreg:$0x3];
	_ =	strace $0x80000047;
	s9 =	sadd.s32 s8, s9  }
0xb: {  	s10 =	ssub.s32 s10, s31;
	s14 =	sadd.s32 s8, s3;
	s9 =	sshrl.u32 s9, $0x3  }
0xc: {  	s14 =	sshrl.u32 s14, $0x3;
	s7 =	sshrl.u32 s7, $0x3;
	s9 =	sadd.s32 s9, s6  }
0xd: {  	s7 =	sadd.s32 s7, s6;
	s8 =	sadd.s32 $0x15600, s9;
	s9 =	smax.u32 s10, $0x1  }
0xe: {  	v0 =	vimm.s32 $0x0;
	v1 =	vimm.s32 $0x2710;
	s10 =	simm.s32 $0x2;
	s6 =	sadd.s32 $0x1A00, s7;
	s7 =	sadd.s32 $0xB640, s7  }
.LBB2_1:
0xf: {  	[tilespmem:s4], [sflag:$0x2] =	stream.linear.gather [hbm4b:s6+s4], $0x2710, $0x38;
	[tilespmem:$0x8000] =	vst v63  }
0x10: {  	_ =	swait.ge [sflag:s10], $0x2710  }
0x11: {  	[sflag:s10] =	ssyncset.done $0x0  }
0x12: {  	[sflag:s10] =	ssyncadd.s32 $0xFFFFD8F0  }
0x13: {  	[tilespmem:s11], [sflag:$0x2] =	stream.linear.gather [hbm4b:s7+s4], $0x2710, $0x38;
	[tilespmem:$0x8000] =	vst v63  }
0x14: {  	_ =	swait.ge [sflag:s10], $0x2710  }
0x15: {  	[sflag:s10] =	ssyncset.done $0x0  }
0x16: {  	[sflag:s10] =	ssyncadd.s32 $0xFFFFD8F0  }
0x17: {  	[tilespmem:$0x2710] =	vst v0  }
0x18: {  	[tilespmem:$0x4F10] =	vst v1  }
0x19: {  	[tilespmem:$0x2720] =	vst v0  }
0x1a: {  	[tilespmem:$0x4F20] =	vst v1  }
0x1b: {  	[tilespmem:$0x2730] =	vst v0  }
0x1c: {  	[tilespmem:$0x4F30] =	vst v1  }
0x1d: {  	[tilespmem:$0x2740] =	vst v0  }
0x1e: {  	[tilespmem:$0x4F40] =	vst v1  }
0x1f: {  	[tilespmem:$0x2750] =	vst v0  }
0x20: {  	[tilespmem:$0x4F50] =	vst v1  }
0x21: {  	[tilespmem:$0x2760] =	vst v0  }
0x22: {  	[tilespmem:$0x4F60] =	vst v1  }
0x23: {  	[tilespmem:$0x2770] =	vst v0  }
0x24: {  	[tilespmem:$0x4F70] =	vst v1  }
0x25: {  	[tilespmem:$0x2780] =	vst v0  }
0x26: {  	[tilespmem:$0x4F80] =	vst v1  }
0x27: {  	[tilespmem:$0x2790] =	vst v0  }
0x28: {  	[tilespmem:$0x4F90] =	vst v1  }
0x29: {  	[tilespmem:$0x27A0] =	vst v0  }
0x2a: {  	[tilespmem:$0x4FA0] =	vst v1  }
0x2b: {  	[tilespmem:$0x27B0] =	vst v0  }
0x2c: {  	[tilespmem:$0x4FB0] =	vst v1  }
0x2d: {  	[tilespmem:$0x27C0] =	vst v0  }
0x2e: {  	[tilespmem:$0x4FC0] =	vst v1  }
0x2f: {  	[tilespmem:$0x27D0] =	vst v0  }
0x30: {  	[tilespmem:$0x4FD0] =	vst v1  }
0x31: {  	[tilespmem:$0x27E0] =	vst v0  }
0x32: {  	[tilespmem:$0x4FE0] =	vst v1  }
0x33: {  	[tilespmem:$0x27F0] =	vst v0  }
0x34: {  	[tilespmem:$0x4FF0] =	vst v1  }
0x35: {  	[tilespmem:s12], [sflag:$0x2] =	stream.linear.gather [hbm4b:s5+s4], $0x800, $0x38;
	[tilespmem:$0x8000] =	vst v63  }
0x36: {  	_ =	swait.ge [sflag:s10], $0x800  }
0x37: {  	[sflag:s10] =	ssyncset.done $0x0  }
0x38: {  	[sflag:s10] =	ssyncadd.s32 $0xFFFFF800  }
0x39: {  	[spmem:s14], [sflag:s13] =	dma.local [hbm:s2], $0x500  }
0x3a: {  	_ =	swait.ge [sflag:s10], $0x500  }
0x3b: {  	[sflag:s10] =	ssyncset.done $0x0  }
0x3c: {  	[sflag:s10] =	ssyncadd.s32 $0xFFFFFB00  }
0x3d: {  	s18 =	simm.s32 $0x2800;
	[bflag:$0x0] =	sbarrier.arrive $0xFFFF  }
0x3e: {  	[spmem:s3] =	stream.indirect.scatter.add.f32 [tilespmem:s12], [sflag:$0x1], $0x10, s18, s15, $0xb8;
	[tilespmem:$0x8000] =	vst v63  }
0x3f: {  	s24 =	simm.s32 $0x2880  }
0x40: {  	[spmem:s3] =	stream.indirect.scatter.add.f32 [tilespmem:s12], [sflag:$0x1], $0x10, s24, s15, $0xb8;
	[tilespmem:$0x8000] =	vst v63  }
0x41: {  	s25 =	simm.s32 $0x2900  }
0x42: {  	[spmem:s3] =	stream.indirect.scatter.add.f32 [tilespmem:s12], [sflag:$0x1], $0x10, s25, s15, $0xb8;
	[tilespmem:$0x8000] =	vst v63  }
0x43: {  	s26 =	simm.s32 $0x2980  }
0x44: {  	[spmem:s3] =	stream.indirect.scatter.add.f32 [tilespmem:s12], [sflag:$0x1], $0x10, s26, s15, $0xb8;
	[tilespmem:$0x8000] =	vst v63  }
0x45: {  	s28 =	simm.s32 $0x2A00  }
0x46: {  	[spmem:s3] =	stream.indirect.scatter.add.f32 [tilespmem:s12], [sflag:$0x1], $0x10, s28, s15, $0xb8;
	[tilespmem:$0x8000] =	vst v63  }
0x47: {  	s29 =	simm.s32 $0x2A80  }
0x48: {  	[spmem:s3] =	stream.indirect.scatter.add.f32 [tilespmem:s12], [sflag:$0x1], $0x10, s29, s15, $0xb8;
	[tilespmem:$0x8000] =	vst v63  }
0x49: {  	s30 =	simm.s32 $0x2B00  }
0x4a: {  	[spmem:s3] =	stream.indirect.scatter.add.f32 [tilespmem:s12], [sflag:$0x1], $0x10, s30, s15, $0xb8;
	[tilespmem:$0x8000] =	vst v63  }
0x4b: {  	s31 =	simm.s32 $0x2B80  }
0x4c: {  	[spmem:s3] =	stream.indirect.scatter.add.f32 [tilespmem:s12], [sflag:$0x1], $0x10, s31, s15, $0xb8;
	[tilespmem:$0x8000] =	vst v63  }
0x4d: {  	_ =	swait.ge [sflag:s16], $0x800  }
0x4e: {  	[sflag:s16] =	ssyncset.done $0x0  }
0x4f: {  	[sflag:s16] =	ssyncadd.s32 $0xFFFFF800  }
0x50: {  	_ =	swait.ge [sflag:s16], $0x800  }
0x51: {  	[sflag:s16] =	ssyncset.done $0x0  }
0x52: {  	[sflag:s16] =	ssyncadd.s32 $0xFFFFF800  }
0x53: {  	_ =	swait.ge [sflag:s16], $0x800  }
0x54: {  	[sflag:s16] =	ssyncset.done $0x0  }
0x55: {  	[sflag:s16] =	ssyncadd.s32 $0xFFFFF800  }
0x56: {  	_ =	swait.ge [sflag:s16], $0x800  }
0x57: {  	[sflag:s16] =	ssyncset.done $0x0  }
0x58: {  	[sflag:s16] =	ssyncadd.s32 $0xFFFFF800  }
0x59: {  	_ =	swait.ge [sflag:s16], $0x800  }
0x5a: {  	[sflag:s16] =	ssyncset.done $0x0  }
0x5b: {  	[sflag:s16] =	ssyncadd.s32 $0xFFFFF800  }
0x5c: {  	_ =	swait.ge [sflag:s16], $0x800  }
0x5d: {  	[sflag:s16] =	ssyncset.done $0x0  }
0x5e: {  	[sflag:s16] =	ssyncadd.s32 $0xFFFFF800  }
0x5f: {  	_ =	swait.ge [sflag:s16], $0x800  }
0x60: {  	[sflag:s16] =	ssyncset.done $0x0  }
0x61: {  	[sflag:s16] =	ssyncadd.s32 $0xFFFFF800  }
0x62: {  	_ =	swait.ge [sflag:s16], $0x800  }
0x63: {  	s21 =	simm.s32 $0x2000;
	s20 =	simm.s32 $0x400;
	[sflag:s16] =	ssyncset.done $0x0  }
.LBB2_2:
0x64: {  	s22 =	sadd.s32 $0x2800, s20  }
0x65: {  	[sflag:s16] =	ssyncadd.s32 $0xFFFFF800;
	s19 =	smov.u32 s21;
	s18 =	sadd.s32 $0x1000, s21  }
0x66: {  	[spmem:s3] =	stream.indirect.scatter.add.f32 [tilespmem:s12], [sflag:$0x1], $0x10, s22, s15, $0xb8;
	[tilespmem:$0x8000] =	vst v63  }
0x67: {  	p0 =	sne.s32 s21, $0x9000;
	s21 =	sadd.s32 $0x2880, s20  }
0x68: {  	[spmem:s3] =	stream.indirect.scatter.add.f32 [tilespmem:s12], [sflag:$0x1], $0x10, s21, s15, $0xb8;
	[tilespmem:$0x8000] =	vst v63  }
0x69: {  	s21 =	sadd.s32 $0x2900, s20  }
0x6a: {  	[spmem:s3] =	stream.indirect.scatter.add.f32 [tilespmem:s12], [sflag:$0x1], $0x10, s21, s15, $0xb8;
	[tilespmem:$0x8000] =	vst v63  }
0x6b: {  	s21 =	sadd.s32 $0x2980, s20  }
0x6c: {  	[spmem:s3] =	stream.indirect.scatter.add.f32 [tilespmem:s12], [sflag:$0x1], $0x10, s21, s15, $0xb8;
	[tilespmem:$0x8000] =	vst v63  }
0x6d: {  	s21 =	sadd.s32 $0x2A00, s20  }
0x6e: {  	[spmem:s3] =	stream.indirect.scatter.add.f32 [tilespmem:s12], [sflag:$0x1], $0x10, s21, s15, $0xb8;
	[tilespmem:$0x8000] =	vst v63  }
0x6f: {  	s21 =	sadd.s32 $0x2A80, s20  }
0x70: {  	[spmem:s3] =	stream.indirect.scatter.add.f32 [tilespmem:s12], [sflag:$0x1], $0x10, s21, s15, $0xb8;
	[tilespmem:$0x8000] =	vst v63  }
0x71: {  	s21 =	sadd.s32 $0x2B00, s20  }
0x72: {  	[spmem:s3] =	stream.indirect.scatter.add.f32 [tilespmem:s12], [sflag:$0x1], $0x10, s21, s15, $0xb8;
	[tilespmem:$0x8000] =	vst v63  }
0x73: {  	s20 =	sadd.s32 $0x2B80, s20  }
0x74: {  	[spmem:s3] =	stream.indirect.scatter.add.f32 [tilespmem:s12], [sflag:$0x1], $0x10, s20, s15, $0xb8;
	[tilespmem:$0x8000] =	vst v63  }
0x75: {  	_ =	swait.ge [sflag:s16], $0x800  }
0x76: {  	[sflag:s16] =	ssyncset.done $0x0  }
0x77: {  	[sflag:s16] =	ssyncadd.s32 $0xFFFFF800  }
0x78: {  	_ =	swait.ge [sflag:s16], $0x800  }
0x79: {  	[sflag:s16] =	ssyncset.done $0x0  }
0x7a: {  	[sflag:s16] =	ssyncadd.s32 $0xFFFFF800  }
0x7b: {  	_ =	swait.ge [sflag:s16], $0x800  }
0x7c: {  	[sflag:s16] =	ssyncset.done $0x0  }
0x7d: {  	[sflag:s16] =	ssyncadd.s32 $0xFFFFF800  }
0x7e: {  	_ =	swait.ge [sflag:s16], $0x800  }
0x7f: {  	[sflag:s16] =	ssyncset.done $0x0  }
0x80: {  	[sflag:s16] =	ssyncadd.s32 $0xFFFFF800  }
0x81: {  	_ =	swait.ge [sflag:s16], $0x800  }
0x82: {  	[sflag:s16] =	ssyncset.done $0x0  }
0x83: {  	[sflag:s16] =	ssyncadd.s32 $0xFFFFF800  }
0x84: {  	_ =	swait.ge [sflag:s16], $0x800  }
0x85: {  	[sflag:s16] =	ssyncset.done $0x0  }
0x86: {  	[sflag:s16] =	ssyncadd.s32 $0xFFFFF800  }
.Ltmp0:
0x87: {  	_ =	swait.ge [sflag:s16], $0x800;
	(pc) =	sbr.rel @p0 .LBB2_2-.Ltmp0, $4  }
0x88: {  	[sflag:s16] =	ssyncset.done $0x0  }
0x89: {  	[sflag:s16] =	ssyncadd.s32 $0xFFFFF800  }
0x8a: {  	_ =	swait.ge [sflag:s16], $0x800  }
0x8b: {  	s21 =	smov.u32 s18;
	s20 =	sshra.s32 s19, $0x2;
	[sflag:s16] =	ssyncset.done $0x0  }
0x8c: {  	s18 =	sadd.s32 $0x2800, s20;
	[sflag:s16] =	ssyncadd.s32 $0xFFFFF800  }
0x8d: {  	[spmem:s3] =	stream.indirect.scatter.add.f32 [tilespmem:s12], [sflag:$0x1], $0x10, s18, s15, $0xb8;
	[tilespmem:$0x8000] =	vst v63  }
0x8e: {  	s24 =	sadd.s32 $0x2880, s20  }
0x8f: {  	[spmem:s3] =	stream.indirect.scatter.add.f32 [tilespmem:s12], [sflag:$0x1], $0x10, s24, s15, $0xb8;
	[tilespmem:$0x8000] =	vst v63  }
0x90: {  	s25 =	sadd.s32 $0x2900, s20  }
0x91: {  	[spmem:s3] =	stream.indirect.scatter.add.f32 [tilespmem:s12], [sflag:$0x1], $0x10, s25, s15, $0xb8;
	[tilespmem:$0x8000] =	vst v63  }
0x92: {  	s26 =	sadd.s32 $0x2980, s20  }
0x93: {  	[spmem:s3] =	stream.indirect.scatter.add.f32 [tilespmem:s12], [sflag:$0x1], $0x10, s26, s15, $0xb8;
	[tilespmem:$0x8000] =	vst v63  }
0x94: {  	s28 =	sadd.s32 $0x2A00, s20  }
0x95: {  	[spmem:s3] =	stream.indirect.scatter.add.f32 [tilespmem:s12], [sflag:$0x1], $0x10, s28, s15, $0xb8;
	[tilespmem:$0x8000] =	vst v63  }
0x96: {  	s29 =	sadd.s32 $0x2A80, s20  }
0x97: {  	[spmem:s3] =	stream.indirect.scatter.add.f32 [tilespmem:s12], [sflag:$0x1], $0x10, s29, s15, $0xb8;
	[tilespmem:$0x8000] =	vst v63  }
0x98: {  	s30 =	sadd.s32 $0x2B00, s20  }
0x99: {  	[spmem:s3] =	stream.indirect.scatter.add.f32 [tilespmem:s12], [sflag:$0x1], $0x10, s30, s15, $0xb8;
	[tilespmem:$0x8000] =	vst v63  }
0x9a: {  	s31 =	sadd.s32 $0x2B80, s20  }
0x9b: {  	[spmem:s3] =	stream.indirect.scatter.add.f32 [tilespmem:s12], [sflag:$0x1], $0x10, s31, s15, $0xb8;
	[tilespmem:$0x8000] =	vst v63  }
0x9c: {  	_ =	swait.ge [sflag:s16], $0x800  }
0x9d: {  	[sflag:s16] =	ssyncset.done $0x0  }
0x9e: {  	[sflag:s16] =	ssyncadd.s32 $0xFFFFF800  }
0x9f: {  	_ =	swait.ge [sflag:s16], $0x800  }
0xa0: {  	[sflag:s16] =	ssyncset.done $0x0  }
0xa1: {  	[sflag:s16] =	ssyncadd.s32 $0xFFFFF800  }
0xa2: {  	_ =	swait.ge [sflag:s16], $0x800  }
0xa3: {  	[sflag:s16] =	ssyncset.done $0x0  }
0xa4: {  	[sflag:s16] =	ssyncadd.s32 $0xFFFFF800  }
0xa5: {  	_ =	swait.ge [sflag:s16], $0x800  }
0xa6: {  	[sflag:s16] =	ssyncset.done $0x0  }
0xa7: {  	[sflag:s16] =	ssyncadd.s32 $0xFFFFF800  }
0xa8: {  	_ =	swait.ge [sflag:s16], $0x800  }
0xa9: {  	[sflag:s16] =	ssyncset.done $0x0  }
0xaa: {  	[sflag:s16] =	ssyncadd.s32 $0xFFFFF800  }
0xab: {  	_ =	swait.ge [sflag:s16], $0x800  }
0xac: {  	[sflag:s16] =	ssyncset.done $0x0  }
0xad: {  	[sflag:s16] =	ssyncadd.s32 $0xFFFFF800  }
0xae: {  	_ =	swait.ge [sflag:s16], $0x800  }
0xaf: {  	[sflag:s16] =	ssyncset.done $0x0  }
0xb0: {  	[sflag:s16] =	ssyncadd.s32 $0xFFFFF800  }
0xb1: {  	_ =	swait.ge [sflag:s16], $0x800  }
0xb2: {  	s17 =	sadd.s32 $0x1, s17;
	[sflag:s16] =	ssyncset.done $0x0  }
0xb3: {  	p0 =	sne.s32 s17, s9;
	[sflag:s16] =	ssyncadd.s32 $0xFFFFF800  }
.Ltmp1:
0xb4: {  	[bflag:$0x0] =	sbarrier.arrive $0xFFFF;
	(pc) =	sbr.rel @p0 .LBB2_1-.Ltmp1, $4  }
0xb5: {  	[hbm:s8], [sflag:s13] =	dma.local [spmem:s14], $0x500  }
0xb6: {  	_ =	swait.ge [sflag:s10], $0x500  }
0xb7: {  	[sflag:s10] =	ssyncset.done $0x0  }
0xb8: {  	[sflag:s10] =	ssyncadd.s32 $0xFFFFFB00  }
0xb9: {  	_ =	sfence.sel $0x180000  }
0xba: {  	[bflag:$0x0] =	sbarrier.arrive $0xFFFF  }
0xbb: {  	p0 =	sne.s32 s0, $0x0;
	_ =	strace $0x90000047  }
0xbc: {  	s0 =	sadd.s32 @!p0 $0x100000, s1;
	[bflag:$0x2] =	sbarrier.arrive $0xFFFF  }
0xbd: {  	[sflag:s0] =	ssyncadd.tile.s32 @!p0 $0x1;
	_ =	shalt  }
.Lfunc_end2:
_tile_overlayer_lowered:
.L_overlay_start_2:
0xbe: {  	(tag) =	ssettag $0x2  }
0xbf: {  	s0 =	rddreg [dreg:$0x0];
	s2 =	stileid.u32  }
0xc0: {  	s1 =	rddreg [dreg:$0x1];
	p0 =	sne.s32 s2, $0x0  }
0xc1: {  	s3 =	rddreg [dreg:$0x2];
	[bflag:$0x3] =	sbarrier.arrive $0xFFFF;
	s2 =	simm.s32 @!p0 $0x1C02  }
0xc2: {  	[timem:s3], [sflag:s2] =	dma.local @!p0 [hbm:s0], s1  }
0xc3: {  	s0 =	simm.s32 @!p0 $0x2  }
0xc4: {  	_ =	swait.ge @!p0 [sflag:s0], s1  }
0xc5: {  	s1 =	ssub.s32 @!p0 $0x0, s1;
	[sflag:s0] =	ssyncset.done @!p0 $0x0  }
0xc6: {  	[sflag:s0] =	ssyncadd.s32 @!p0 s1  }
0xc7: {  	[bflag:$0x3] =	sbarrier.arrive $0xFFFF  }
0xc8: {  	_ =	shalt  }

</sc_bundles>
